<compile_context>
chip_gen: v7x
topology: tpu7x:2x2x1
jax: 0.10.2.dev20260603
libtpu: 0.0.44.dev20260713+nightly
codegen_flags: <defaults>
</compile_context>

<pallas_src>
import functools

import jax
import jax.numpy as jnp
from jax import lax
from jax.experimental import pallas as pl
from jax.experimental.pallas import tpu as pltpu
from jax.experimental.pallas import tpu_sc as plsc


def _build_sc_kernel(B, L, LP, D, rows_per_w, nc):
    mesh = plsc.VectorSubcoreMesh(core_axis_name="c", subcore_axis_name="s")
    LG = ((L + 7) // 8) * 8
    n_lchunk = LP // 16
    n_half = D // 2 // 16

    @functools.partial(
        pl.kernel,
        mesh=mesh,
        out_type=jax.ShapeDtypeStruct((B, D), jnp.float32),
        compiler_params=pltpu.CompilerParams(needs_layout_passes=False),
        scratch_types=[
            pltpu.VMEM((2, LP), jnp.int32),
            pltpu.VMEM((2, LP), jnp.float32),
            pltpu.VMEM((2, LP), jnp.int32),
            pltpu.VMEM((2, LG, D), jnp.float32),
            pltpu.VMEM((2, D), jnp.float32),
            pltpu.VMEM((16,), jnp.float32),
            pltpu.SemaphoreType.DMA,
            pltpu.SemaphoreType.DMA,
            pltpu.SemaphoreType.DMA,
        ],
    )
    def k(table, ids, mask, wvec, out, ids_v, w_v, mask_v, rows_v, out_v,
          red_v, sem_g, sem_w, sem_o):
        wid = lax.axis_index("s") * nc + lax.axis_index("c")
        base = wid * rows_per_w

        zf16 = jnp.zeros((16,), jnp.float32)
        for t in range(2):
            for c in range(n_lchunk):
                w_v[t, pl.ds(c * 16, 16)] = zf16

        def stage_and_launch(i, t):
            pltpu.sync_copy(ids.at[base + i], ids_v.at[t])
            pltpu.sync_copy(mask.at[base + i], mask_v.at[t])
            idx = ids_v.at[t, pl.ds(0, LG)]
            pltpu.async_copy(wvec.at[idx], w_v.at[t, pl.ds(0, LG)], sem_w)
            pltpu.async_copy(table.at[idx], rows_v.at[t], sem_g)

        def wait_row(t):
            pltpu.make_async_copy(
                wvec.at[pl.ds(0, LG)], w_v.at[t, pl.ds(0, LG)], sem_w
            ).wait()
            pltpu.make_async_copy(
                table.at[pl.ds(0, LG)], rows_v.at[t], sem_g
            ).wait()

        stage_and_launch(0, 0)
        lanes = lax.iota(jnp.int32, 16)

        def pair_body(j, carry):
            for t in range(2):
                i = 2 * j + t

                @pl.when(i + 1 < rows_per_w)
                def _():
                    stage_and_launch(i + 1, 1 - t)

                wait_row(t)

                @pl.when(i >= 2)
                def _():
                    pltpu.make_async_copy(out.at[base], out_v.at[t], sem_o).wait()

                wms = []
                total = jnp.zeros((16,), jnp.float32)
                for c in range(n_lchunk):
                    sl = pl.ds(c * 16, 16)
                    wm = w_v[t, sl] * mask_v[t, sl].astype(jnp.float32)
                    wms.append(wm)
                    total = total + wm
                for s in (8, 4, 2, 1):
                    red_v[...] = total
                    total = total + plsc.load_gather(red_v, [lanes ^ s])
                inv = jnp.float32(1.0) / total
                for c in range(n_lchunk):
                    w_v[t, pl.ds(c * 16, 16)] = wms[c] * inv

                for h in range(2):
                    hoff = h * n_half * 16

                    def acc_body(l, accs):
                        wl = plsc.load_gather(
                            w_v,
                            [jnp.full((16,), t, jnp.int32),
                             jnp.full((16,), l, jnp.int32)],
                        )
                        return tuple(
                            accs[c] + wl * rows_v[t, l, pl.ds(hoff + c * 16, 16)]
                            for c in range(n_half)
                        )

                    accs = lax.fori_loop(
                        0, L, acc_body, tuple(zf16 for _ in range(n_half))
                    )
                    for c in range(n_half):
                        out_v[t, pl.ds(hoff + c * 16, 16)] = accs[c]

                pltpu.async_copy(out_v.at[t], out.at[base + i], sem_o)
            return carry

        lax.fori_loop(0, rows_per_w // 2, pair_body, 0)

        for t in range(2):
            pltpu.make_async_copy(out.at[base], out_v.at[t], sem_o).wait()

    return k


def kernel(input_ids, attention_mask, tok_embs, tok_embs_weights):
    B, L = input_ids.shape
    V, D = tok_embs.shape
    info = plsc.get_sparse_core_info()
    nw = info.num_cores * info.num_subcores
    assert B % (2 * nw) == 0 and D % 32 == 0
    LP = ((L + 15) // 16) * 16
    ids_p = jnp.pad(input_ids.astype(jnp.int32), ((0, 0), (0, LP - L)))
    mask_p = jnp.pad(attention_mask.astype(jnp.int32), ((0, 0), (0, LP - L)))
    k = _build_sc_kernel(B, L, LP, D, B // nw, info.num_cores)
    return k(tok_embs, ids_p, mask_p, tok_embs_weights)

# --- scband reference (transcript-rebuilt; emitter-appended) ---
"""Pipeline reference for scband-avg-emb-query-estimator-27504970564345 (READ-ONLY COPY).

The authoritative reference and input builder live on the scoring server;
editing this copy changes nothing except your own understanding.
"""

import jax, jax.numpy as jnp
import numpy as np

B, L, V, D = 4096, 50, 30522, 768

def setup_inputs(seed: int = 0) -> dict:
    key = jax.random.key(seed)
    k1, k2 = jax.random.split(key, 2)
    input_ids = jax.random.randint(k1, (B, L), 0, V)
    attention_mask = jnp.ones((B, L), dtype=jnp.int32)
    # learned parameters (per init_kwargs: bert-base-uncased token embeddings + per-token weights)
    tok_embs = jax.random.normal(k2, (V, D), dtype=jnp.float32) * 0.02
    tok_embs_weights = jnp.ones((V,), dtype=jnp.float32)
    return {"input_ids": input_ids, "attention_mask": attention_mask,
            "tok_embs": tok_embs, "tok_embs_weights": tok_embs_weights}

def reference(input_ids, attention_mask, tok_embs, tok_embs_weights):
    # q_only=True path: embedding lookup + learned-weight masked weighted average
    q_tok_embs = jnp.take(tok_embs, input_ids, axis=0)              # [B, L, D]
    q_tok_weights = jnp.take(tok_embs_weights, input_ids, axis=0)   # [B, L]
    weights = q_tok_weights * attention_mask.astype(jnp.float32)    # mask
    weights = weights / jnp.sum(weights, axis=-1, keepdims=True)    # normalize
    q_estimation = jnp.sum(q_tok_embs * weights[..., None], axis=-2)  # [B, D]
    return q_estimation

if __name__ == "__main__":
    import jax
    _d = setup_inputs()
    print(jax.jit(kernel)(*tuple(_d.values())))

</pallas_src>

<mosaic_0001>
#map = affine_map<(d0, d1) -> (0, 0)>
#map1 = affine_map<(d0, d1) -> (0)>
module attributes {stable_mosaic.version = 14 : i64} {
  func.func @k(%arg0: i32, %arg1: i32, %arg2: memref<30522x768xf32, #tpu.memory_space<hbm>>, %arg3: memref<4096x64xi32, #tpu.memory_space<hbm>>, %arg4: memref<4096x64xi32, #tpu.memory_space<hbm>>, %arg5: memref<30522xf32, #tpu.memory_space<hbm>>, %arg6: memref<4096x768xf32, #tpu.memory_space<hbm>>, %arg7: memref<2x64xi32, #tpu.memory_space<vmem>>, %arg8: memref<2x64xf32, #tpu.memory_space<vmem>>, %arg9: memref<2x64xi32, #tpu.memory_space<vmem>>, %arg10: memref<2x56x768xf32, #tpu.memory_space<vmem>>, %arg11: memref<2x768xf32, #tpu.memory_space<vmem>>, %arg12: memref<16xf32, #tpu.memory_space<vmem>>, %arg13: memref<!tpu.dma_semaphore, #tpu.memory_space<semaphore_mem>>, %arg14: memref<!tpu.dma_semaphore, #tpu.memory_space<semaphore_mem>>, %arg15: memref<!tpu.dma_semaphore, #tpu.memory_space<semaphore_mem>>) attributes {dimension_semantics = [#tpu.dimension_semantics<core_parallel>, #tpu.dimension_semantics<subcore_parallel>], iteration_bounds = array<i64: 2, 16>, scalar_prefetch = 0 : i64, scratch_operands = 9 : i64, tpu.core_type = #tpu.core_type<sc_vector_subcore>, window_params = [{transform_indices = #map}, {transform_indices = #map}, {transform_indices = #map}, {transform_indices = #map1}, {transform_indices = #map}]} {
    %mul3A = arith.constant 2 : i32
    %mul3A_0 = arith.muli %arg1, %mul3A : i32
    %add3A = arith.addi %mul3A_0, %arg0 : i32
    %mul3A_1 = arith.constant 128 : i32
    %mul3A_2 = arith.muli %add3A, %mul3A_1 : i32
    %broadcast_in_dim3A = arith.constant 0.000000e+00 : f32
    %broadcast_in_dim3A_3 = vector.broadcast %broadcast_in_dim3A : f32 to vector<16xf32>
    %swap3A = arith.constant 0 : i32
    %swap3A_4 = arith.index_cast %swap3A : i32 to index
    %swap3A_5 = arith.constant 0 : index
    %swap3A_6 = tpu.vector_load %arg8[%swap3A_4, %swap3A_5] {strides = array<i32>} : memref<2x64xf32, #tpu.memory_space<vmem>>, vector<16xf32>,
    tpu.vector_store %arg8[%swap3A_4, %swap3A_5], %broadcast_in_dim3A_3 {strides = array<i32>} : memref<2x64xf32, #tpu.memory_space<vmem>>, vector<16xf32>,
    %swap3A_7 = arith.constant 0 : i32
    %swap3A_8 = arith.index_cast %swap3A_7 : i32 to index
    %swap3A_9 = arith.constant 16 : index
    %swap3A_10 = tpu.vector_load %arg8[%swap3A_8, %swap3A_9] {strides = array<i32>} : memref<2x64xf32, #tpu.memory_space<vmem>>, vector<16xf32>,
    tpu.vector_store %arg8[%swap3A_8, %swap3A_9], %broadcast_in_dim3A_3 {strides = array<i32>} : memref<2x64xf32, #tpu.memory_space<vmem>>, vector<16xf32>,
    %swap3A_11 = arith.constant 0 : i32
    %swap3A_12 = arith.index_cast %swap3A_11 : i32 to index
    %swap3A_13 = arith.constant 32 : index
    %swap3A_14 = tpu.vector_load %arg8[%swap3A_12, %swap3A_13] {strides = array<i32>} : memref<2x64xf32, #tpu.memory_space<vmem>>, vector<16xf32>,
    tpu.vector_store %arg8[%swap3A_12, %swap3A_13], %broadcast_in_dim3A_3 {strides = array<i32>} : memref<2x64xf32, #tpu.memory_space<vmem>>, vector<16xf32>,
    %swap3A_15 = arith.constant 0 : i32
    %swap3A_16 = arith.index_cast %swap3A_15 : i32 to index
    %swap3A_17 = arith.constant 48 : index
    %swap3A_18 = tpu.vector_load %arg8[%swap3A_16, %swap3A_17] {strides = array<i32>} : memref<2x64xf32, #tpu.memory_space<vmem>>, vector<16xf32>,
    tpu.vector_store %arg8[%swap3A_16, %swap3A_17], %broadcast_in_dim3A_3 {strides = array<i32>} : memref<2x64xf32, #tpu.memory_space<vmem>>, vector<16xf32>,
    %swap3A_19 = arith.constant 1 : i32
    %swap3A_20 = arith.index_cast %swap3A_19 : i32 to index
    %swap3A_21 = arith.constant 0 : index
    %swap3A_22 = tpu.vector_load %arg8[%swap3A_20, %swap3A_21] {strides = array<i32>} : memref<2x64xf32, #tpu.memory_space<vmem>>, vector<16xf32>,
    tpu.vector_store %arg8[%swap3A_20, %swap3A_21], %broadcast_in_dim3A_3 {strides = array<i32>} : memref<2x64xf32, #tpu.memory_space<vmem>>, vector<16xf32>,
    %swap3A_23 = arith.constant 1 : i32
    %swap3A_24 = arith.index_cast %swap3A_23 : i32 to index
    %swap3A_25 = arith.constant 16 : index
    %swap3A_26 = tpu.vector_load %arg8[%swap3A_24, %swap3A_25] {strides = array<i32>} : memref<2x64xf32, #tpu.memory_space<vmem>>, vector<16xf32>,
    tpu.vector_store %arg8[%swap3A_24, %swap3A_25], %broadcast_in_dim3A_3 {strides = array<i32>} : memref<2x64xf32, #tpu.memory_space<vmem>>, vector<16xf32>,
    %swap3A_27 = arith.constant 1 : i32
    %swap3A_28 = arith.index_cast %swap3A_27 : i32 to index
    %swap3A_29 = arith.constant 32 : index
    %swap3A_30 = tpu.vector_load %arg8[%swap3A_28, %swap3A_29] {strides = array<i32>} : memref<2x64xf32, #tpu.memory_space<vmem>>, vector<16xf32>,
    tpu.vector_store %arg8[%swap3A_28, %swap3A_29], %broadcast_in_dim3A_3 {strides = array<i32>} : memref<2x64xf32, #tpu.memory_space<vmem>>, vector<16xf32>,
    %swap3A_31 = arith.constant 1 : i32
    %swap3A_32 = arith.index_cast %swap3A_31 : i32 to index
    %swap3A_33 = arith.constant 48 : index
    %swap3A_34 = tpu.vector_load %arg8[%swap3A_32, %swap3A_33] {strides = array<i32>} : memref<2x64xf32, #tpu.memory_space<vmem>>, vector<16xf32>,
    tpu.vector_store %arg8[%swap3A_32, %swap3A_33], %broadcast_in_dim3A_3 {strides = array<i32>} : memref<2x64xf32, #tpu.memory_space<vmem>>, vector<16xf32>,
    %add3A_35 = arith.constant 0 : i32
    %add3A_36 = arith.addi %mul3A_2, %add3A_35 : i32
    %run_scoped3A = arith.constant 0 : i32
    "tpu.region"() ({
      %run_scoped3A_91 = tpu.sem_alloc : memref<!tpu.dma_semaphore, #tpu.memory_space<semaphore_mem>>
      %dma_start3A_92 = arith.constant 0 : i32
      %dma_start3A_93 = tpu.memref_slice %arg7[%run_scoped3A, %dma_start3A_92] : memref<2x64xi32, #tpu.memory_space<vmem>> -> memref<1x64xi32, #tpu.memory_space<vmem>>
      %dma_start3A_94 = tpu.memref_squeeze %dma_start3A_93 : memref<1x64xi32, #tpu.memory_space<vmem>> -> memref<64xi32, #tpu.memory_space<vmem>>
      %dma_start3A_95 = arith.constant 0 : i32
      %dma_start3A_96 = tpu.memref_slice %arg3[%add3A_36, %dma_start3A_95] : memref<4096x64xi32, #tpu.memory_space<hbm>> -> memref<1x64xi32, #tpu.memory_space<hbm>>
      %dma_start3A_97 = tpu.memref_squeeze %dma_start3A_96 : memref<1x64xi32, #tpu.memory_space<hbm>> -> memref<64xi32, #tpu.memory_space<hbm>>
      %dma_start3A_98 = arith.constant 0 : i32
      %dma_start3A_99 = tpu.memref_slice %arg7[%run_scoped3A, %dma_start3A_98] : memref<2x64xi32, #tpu.memory_space<vmem>> -> memref<1x64xi32, #tpu.memory_space<vmem>>
      %dma_start3A_100 = tpu.memref_squeeze %dma_start3A_99 : memref<1x64xi32, #tpu.memory_space<vmem>> -> memref<64xi32, #tpu.memory_space<vmem>>
      %dma_start3A_101 = arith.constant 0 : i32
      %dma_start3A_102 = tpu.memref_slice %arg3[%add3A_36, %dma_start3A_101] : memref<4096x64xi32, #tpu.memory_space<hbm>> -> memref<1x64xi32, #tpu.memory_space<hbm>>
      %dma_start3A_103 = tpu.memref_squeeze %dma_start3A_102 : memref<1x64xi32, #tpu.memory_space<hbm>> -> memref<64xi32, #tpu.memory_space<hbm>>
      tpu.enqueue_dma source(%dma_start3A_103 : memref<64xi32, #tpu.memory_space<hbm>>) target(%dma_start3A_100 : memref<64xi32, #tpu.memory_space<vmem>>) target_semaphore(%run_scoped3A_91 : memref<!tpu.dma_semaphore, #tpu.memory_space<semaphore_mem>>)
      %dma_wait3A_104 = arith.constant 0 : i32
      %dma_wait3A_105 = tpu.memref_slice %arg7[%run_scoped3A, %dma_wait3A_104] : memref<2x64xi32, #tpu.memory_space<vmem>> -> memref<1x64xi32, #tpu.memory_space<vmem>>
      %dma_wait3A_106 = tpu.memref_squeeze %dma_wait3A_105 : memref<1x64xi32, #tpu.memory_space<vmem>> -> memref<64xi32, #tpu.memory_space<vmem>>
      %dma_wait3A_107 = arith.constant 0 : i32
      %dma_wait3A_108 = tpu.memref_slice %arg3[%add3A_36, %dma_wait3A_107] : memref<4096x64xi32, #tpu.memory_space<hbm>> -> memref<1x64xi32, #tpu.memory_space<hbm>>
      %dma_wait3A_109 = tpu.memref_squeeze %dma_wait3A_108 : memref<1x64xi32, #tpu.memory_space<hbm>> -> memref<64xi32, #tpu.memory_space<hbm>>
      %dma_wait3A_110 = arith.constant 0 : i32
      %dma_wait3A_111 = tpu.memref_slice %arg7[%run_scoped3A, %dma_wait3A_110] : memref<2x64xi32, #tpu.memory_space<vmem>> -> memref<1x64xi32, #tpu.memory_space<vmem>>
      %dma_wait3A_112 = tpu.memref_squeeze %dma_wait3A_111 : memref<1x64xi32, #tpu.memory_space<vmem>> -> memref<64xi32, #tpu.memory_space<vmem>>
      %dma_wait3A_113 = arith.constant 0 : i32
      %dma_wait3A_114 = tpu.memref_slice %arg3[%add3A_36, %dma_wait3A_113] : memref<4096x64xi32, #tpu.memory_space<hbm>> -> memref<1x64xi32, #tpu.memory_space<hbm>>
      %dma_wait3A_115 = tpu.memref_squeeze %dma_wait3A_114 : memref<1x64xi32, #tpu.memory_space<hbm>> -> memref<64xi32, #tpu.memory_space<hbm>>
      tpu.wait_dma2 semaphore(%run_scoped3A_91 : memref<!tpu.dma_semaphore, #tpu.memory_space<semaphore_mem>>) src(%dma_wait3A_115 : memref<64xi32, #tpu.memory_space<hbm>>) dst(%dma_wait3A_112 : memref<64xi32, #tpu.memory_space<vmem>>)
      tpu.yield
    }) : () -> ()
    %add3A_37 = arith.constant 0 : i32
    %add3A_38 = arith.addi %mul3A_2, %add3A_37 : i32
    %run_scoped3A_39 = arith.constant 0 : i32
    "tpu.region"() ({
      %run_scoped3A_91 = tpu.sem_alloc : memref<!tpu.dma_semaphore, #tpu.memory_space<semaphore_mem>>
      %dma_start3A_92 = arith.constant 0 : i32
      %dma_start3A_93 = tpu.memref_slice %arg9[%run_scoped3A_39, %dma_start3A_92] : memref<2x64xi32, #tpu.memory_space<vmem>> -> memref<1x64xi32, #tpu.memory_space<vmem>>
      %dma_start3A_94 = tpu.memref_squeeze %dma_start3A_93 : memref<1x64xi32, #tpu.memory_space<vmem>> -> memref<64xi32, #tpu.memory_space<vmem>>
      %dma_start3A_95 = arith.constant 0 : i32
      %dma_start3A_96 = tpu.memref_slice %arg4[%add3A_38, %dma_start3A_95] : memref<4096x64xi32, #tpu.memory_space<hbm>> -> memref<1x64xi32, #tpu.memory_space<hbm>>
      %dma_start3A_97 = tpu.memref_squeeze %dma_start3A_96 : memref<1x64xi32, #tpu.memory_space<hbm>> -> memref<64xi32, #tpu.memory_space<hbm>>
      %dma_start3A_98 = arith.constant 0 : i32
      %dma_start3A_99 = tpu.memref_slice %arg9[%run_scoped3A_39, %dma_start3A_98] : memref<2x64xi32, #tpu.memory_space<vmem>> -> memref<1x64xi32, #tpu.memory_space<vmem>>
      %dma_start3A_100 = tpu.memref_squeeze %dma_start3A_99 : memref<1x64xi32, #tpu.memory_space<vmem>> -> memref<64xi32, #tpu.memory_space<vmem>>
      %dma_start3A_101 = arith.constant 0 : i32
      %dma_start3A_102 = tpu.memref_slice %arg4[%add3A_38, %dma_start3A_101] : memref<4096x64xi32, #tpu.memory_space<hbm>> -> memref<1x64xi32, #tpu.memory_space<hbm>>
      %dma_start3A_103 = tpu.memref_squeeze %dma_start3A_102 : memref<1x64xi32, #tpu.memory_space<hbm>> -> memref<64xi32, #tpu.memory_space<hbm>>
      tpu.enqueue_dma source(%dma_start3A_103 : memref<64xi32, #tpu.memory_space<hbm>>) target(%dma_start3A_100 : memref<64xi32, #tpu.memory_space<vmem>>) target_semaphore(%run_scoped3A_91 : memref<!tpu.dma_semaphore, #tpu.memory_space<semaphore_mem>>)
      %dma_wait3A_104 = arith.constant 0 : i32
      %dma_wait3A_105 = tpu.memref_slice %arg9[%run_scoped3A_39, %dma_wait3A_104] : memref<2x64xi32, #tpu.memory_space<vmem>> -> memref<1x64xi32, #tpu.memory_space<vmem>>
      %dma_wait3A_106 = tpu.memref_squeeze %dma_wait3A_105 : memref<1x64xi32, #tpu.memory_space<vmem>> -> memref<64xi32, #tpu.memory_space<vmem>>
      %dma_wait3A_107 = arith.constant 0 : i32
      %dma_wait3A_108 = tpu.memref_slice %arg4[%add3A_38, %dma_wait3A_107] : memref<4096x64xi32, #tpu.memory_space<hbm>> -> memref<1x64xi32, #tpu.memory_space<hbm>>
      %dma_wait3A_109 = tpu.memref_squeeze %dma_wait3A_108 : memref<1x64xi32, #tpu.memory_space<hbm>> -> memref<64xi32, #tpu.memory_space<hbm>>
      %dma_wait3A_110 = arith.constant 0 : i32
      %dma_wait3A_111 = tpu.memref_slice %arg9[%run_scoped3A_39, %dma_wait3A_110] : memref<2x64xi32, #tpu.memory_space<vmem>> -> memref<1x64xi32, #tpu.memory_space<vmem>>
      %dma_wait3A_112 = tpu.memref_squeeze %dma_wait3A_111 : memref<1x64xi32, #tpu.memory_space<vmem>> -> memref<64xi32, #tpu.memory_space<vmem>>
      %dma_wait3A_113 = arith.constant 0 : i32
      %dma_wait3A_114 = tpu.memref_slice %arg4[%add3A_38, %dma_wait3A_113] : memref<4096x64xi32, #tpu.memory_space<hbm>> -> memref<1x64xi32, #tpu.memory_space<hbm>>
      %dma_wait3A_115 = tpu.memref_squeeze %dma_wait3A_114 : memref<1x64xi32, #tpu.memory_space<hbm>> -> memref<64xi32, #tpu.memory_space<hbm>>
      tpu.wait_dma2 semaphore(%run_scoped3A_91 : memref<!tpu.dma_semaphore, #tpu.memory_space<semaphore_mem>>) src(%dma_wait3A_115 : memref<64xi32, #tpu.memory_space<hbm>>) dst(%dma_wait3A_112 : memref<64xi32, #tpu.memory_space<vmem>>)
      tpu.yield
    }) : () -> ()
    %dma_start3A = arith.constant 0 : i32
    %dma_start3A_40 = arith.constant 0 : i32
    %dma_start3A_41 = arith.constant 0 : i32
    %dma_start3A_42 = tpu.memref_slice %arg8[%dma_start3A_40, %dma_start3A_41] : memref<2x64xf32, #tpu.memory_space<vmem>> -> memref<1x56xf32, #tpu.memory_space<vmem>>
    %dma_start3A_43 = tpu.memref_squeeze %dma_start3A_42 : memref<1x56xf32, #tpu.memory_space<vmem>> -> memref<56xf32, #tpu.memory_space<vmem>>
    %dma_start3A_44 = arith.constant 0 : i32
    %dma_start3A_45 = tpu.memref_slice %arg7[%dma_start3A, %dma_start3A_44] : memref<2x64xi32, #tpu.memory_space<vmem>> -> memref<1x56xi32, #tpu.memory_space<vmem>>
    %dma_start3A_46 = tpu.memref_squeeze %dma_start3A_45 : memref<1x56xi32, #tpu.memory_space<vmem>> -> memref<56xi32, #tpu.memory_space<vmem>>
    %dma_start3A_47 = arith.constant 0 : i32
    %dma_start3A_48 = tpu.memref_slice %arg5[%dma_start3A_47] : memref<30522xf32, #tpu.memory_space<hbm>> -> memref<30522xf32, #tpu.memory_space<hbm>>
    tpu.enqueue_indirect_dma source(%dma_start3A_48 : memref<30522xf32, #tpu.memory_space<hbm>>) target(%dma_start3A_43 : memref<56xf32, #tpu.memory_space<vmem>>) offsets(%dma_start3A_46 : memref<56xi32, #tpu.memory_space<vmem>>) semaphore(%arg14 : memref<!tpu.dma_semaphore, #tpu.memory_space<semaphore_mem>>)
    %dma_start3A_49 = arith.constant 0 : i32
    %dma_start3A_50 = arith.constant 0 : i32
    %dma_start3A_51 = arith.constant 0 : i32
    %dma_start3A_52 = arith.constant 0 : i32
    %dma_start3A_53 = tpu.memref_slice %arg10[%dma_start3A_50, %dma_start3A_51, %dma_start3A_52] : memref<2x56x768xf32, #tpu.memory_space<vmem>> -> memref<1x56x768xf32, #tpu.memory_space<vmem>>
    %dma_start3A_54 = tpu.memref_squeeze %dma_start3A_53 : memref<1x56x768xf32, #tpu.memory_space<vmem>> -> memref<56x768xf32, #tpu.memory_space<vmem>>
    %dma_start3A_55 = arith.constant 0 : i32
    %dma_start3A_56 = tpu.memref_slice %arg7[%dma_start3A_49, %dma_start3A_55] : memref<2x64xi32, #tpu.memory_space<vmem>> -> memref<1x56xi32, #tpu.memory_space<vmem>>
    %dma_start3A_57 = tpu.memref_squeeze %dma_start3A_56 : memref<1x56xi32, #tpu.memory_space<vmem>> -> memref<56xi32, #tpu.memory_space<vmem>>
    %dma_start3A_58 = arith.constant 0 : i32
    %dma_start3A_59 = arith.constant 0 : i32
    %dma_start3A_60 = tpu.memref_slice %arg2[%dma_start3A_58, %dma_start3A_59] : memref<30522x768xf32, #tpu.memory_space<hbm>> -> memref<30522x768xf32, #tpu.memory_space<hbm>>
    tpu.enqueue_indirect_dma source(%dma_start3A_60 : memref<30522x768xf32, #tpu.memory_space<hbm>>) target(%dma_start3A_54 : memref<56x768xf32, #tpu.memory_space<vmem>>) offsets(%dma_start3A_57 : memref<56xi32, #tpu.memory_space<vmem>>) semaphore(%arg13 : memref<!tpu.dma_semaphore, #tpu.memory_space<semaphore_mem>>)
    %iota3A = tpu.iota {dimensions = array<i32: 0>} : vector<16xi32>
    %scan3A = arith.constant 0 : i32
    %scan3A_61 = arith.constant 0 : i32
    %scan3A_62 = arith.constant 64 : i32
    %scan3A_63 = arith.addi %scan3A_61, %scan3A_62 : i32
    %scan3A_64 = arith.constant 1 : i32
    scf.for %scan3A_91 = %scan3A_61 to %scan3A_63 step %scan3A_64  : i32 {
      %mul3A_92 = arith.constant 2 : i32
      %mul3A_93 = arith.muli %mul3A_92, %scan3A_91 : i32
      %add3A_94 = arith.constant 0 : i32
      %add3A_95 = arith.addi %mul3A_93, %add3A_94 : i32
      %add3A_96 = arith.constant 1 : i32
      %add3A_97 = arith.addi %add3A_95, %add3A_96 : i32
      %lt3A = arith.constant 128 : i32
      %lt3A_98 = arith.cmpi slt, %add3A_97, %lt3A : i32
      %convert_element_type3A = arith.extui %lt3A_98 : i1 to i32
      %cond3A = arith.constant 0 : i32
      %cond3A_99 = arith.cmpi ne, %convert_element_type3A, %cond3A : i32
      scf.if %cond3A_99 {
        %add3A_798 = arith.constant 1 : i32
        %add3A_799 = arith.addi %add3A_95, %add3A_798 : i32
        %add3A_800 = arith.addi %mul3A_2, %add3A_799 : i32
        %run_scoped3A_801 = arith.constant 1 : i32
        "tpu.region"() ({
          %run_scoped3A_826 = tpu.sem_alloc : memref<!tpu.dma_semaphore, #tpu.memory_space<semaphore_mem>>
          %dma_start3A_827 = arith.constant 0 : i32
          %dma_start3A_828 = tpu.memref_slice %arg7[%run_scoped3A_801, %dma_start3A_827] : memref<2x64xi32, #tpu.memory_space<vmem>> -> memref<1x64xi32, #tpu.memory_space<vmem>>
          %dma_start3A_829 = tpu.memref_squeeze %dma_start3A_828 : memref<1x64xi32, #tpu.memory_space<vmem>> -> memref<64xi32, #tpu.memory_space<vmem>>
          %dma_start3A_830 = arith.constant 0 : i32
          %dma_start3A_831 = tpu.memref_slice %arg3[%add3A_800, %dma_start3A_830] : memref<4096x64xi32, #tpu.memory_space<hbm>> -> memref<1x64xi32, #tpu.memory_space<hbm>>
          %dma_start3A_832 = tpu.memref_squeeze %dma_start3A_831 : memref<1x64xi32, #tpu.memory_space<hbm>> -> memref<64xi32, #tpu.memory_space<hbm>>
          %dma_start3A_833 = arith.constant 0 : i32
          %dma_start3A_834 = tpu.memref_slice %arg7[%run_scoped3A_801, %dma_start3A_833] : memref<2x64xi32, #tpu.memory_space<vmem>> -> memref<1x64xi32, #tpu.memory_space<vmem>>
          %dma_start3A_835 = tpu.memref_squeeze %dma_start3A_834 : memref<1x64xi32, #tpu.memory_space<vmem>> -> memref<64xi32, #tpu.memory_space<vmem>>
          %dma_start3A_836 = arith.constant 0 : i32
          %dma_start3A_837 = tpu.memref_slice %arg3[%add3A_800, %dma_start3A_836] : memref<4096x64xi32, #tpu.memory_space<hbm>> -> memref<1x64xi32, #tpu.memory_space<hbm>>
          %dma_start3A_838 = tpu.memref_squeeze %dma_start3A_837 : memref<1x64xi32, #tpu.memory_space<hbm>> -> memref<64xi32, #tpu.memory_space<hbm>>
          tpu.enqueue_dma source(%dma_start3A_838 : memref<64xi32, #tpu.memory_space<hbm>>) target(%dma_start3A_835 : memref<64xi32, #tpu.memory_space<vmem>>) target_semaphore(%run_scoped3A_826 : memref<!tpu.dma_semaphore, #tpu.memory_space<semaphore_mem>>)
          %dma_wait3A_839 = arith.constant 0 : i32
          %dma_wait3A_840 = tpu.memref_slice %arg7[%run_scoped3A_801, %dma_wait3A_839] : memref<2x64xi32, #tpu.memory_space<vmem>> -> memref<1x64xi32, #tpu.memory_space<vmem>>
          %dma_wait3A_841 = tpu.memref_squeeze %dma_wait3A_840 : memref<1x64xi32, #tpu.memory_space<vmem>> -> memref<64xi32, #tpu.memory_space<vmem>>
          %dma_wait3A_842 = arith.constant 0 : i32
          %dma_wait3A_843 = tpu.memref_slice %arg3[%add3A_800, %dma_wait3A_842] : memref<4096x64xi32, #tpu.memory_space<hbm>> -> memref<1x64xi32, #tpu.memory_space<hbm>>
          %dma_wait3A_844 = tpu.memref_squeeze %dma_wait3A_843 : memref<1x64xi32, #tpu.memory_space<hbm>> -> memref<64xi32, #tpu.memory_space<hbm>>
          %dma_wait3A_845 = arith.constant 0 : i32
          %dma_wait3A_846 = tpu.memref_slice %arg7[%run_scoped3A_801, %dma_wait3A_845] : memref<2x64xi32, #tpu.memory_space<vmem>> -> memref<1x64xi32, #tpu.memory_space<vmem>>
          %dma_wait3A_847 = tpu.memref_squeeze %dma_wait3A_846 : memref<1x64xi32, #tpu.memory_space<vmem>> -> memref<64xi32, #tpu.memory_space<vmem>>
          %dma_wait3A_848 = arith.constant 0 : i32
          %dma_wait3A_849 = tpu.memref_slice %arg3[%add3A_800, %dma_wait3A_848] : memref<4096x64xi32, #tpu.memory_space<hbm>> -> memref<1x64xi32, #tpu.memory_space<hbm>>
          %dma_wait3A_850 = tpu.memref_squeeze %dma_wait3A_849 : memref<1x64xi32, #tpu.memory_space<hbm>> -> memref<64xi32, #tpu.memory_space<hbm>>
          tpu.wait_dma2 semaphore(%run_scoped3A_826 : memref<!tpu.dma_semaphore, #tpu.memory_space<semaphore_mem>>) src(%dma_wait3A_850 : memref<64xi32, #tpu.memory_space<hbm>>) dst(%dma_wait3A_847 : memref<64xi32, #tpu.memory_space<vmem>>)
          tpu.yield
        }) : () -> ()
        %add3A_802 = arith.addi %mul3A_2, %add3A_799 : i32
        %run_scoped3A_803 = arith.constant 1 : i32
        "tpu.region"() ({
          %run_scoped3A_826 = tpu.sem_alloc : memref<!tpu.dma_semaphore, #tpu.memory_space<semaphore_mem>>
          %dma_start3A_827 = arith.constant 0 : i32
          %dma_start3A_828 = tpu.memref_slice %arg9[%run_scoped3A_803, %dma_start3A_827] : memref<2x64xi32, #tpu.memory_space<vmem>> -> memref<1x64xi32, #tpu.memory_space<vmem>>
          %dma_start3A_829 = tpu.memref_squeeze %dma_start3A_828 : memref<1x64xi32, #tpu.memory_space<vmem>> -> memref<64xi32, #tpu.memory_space<vmem>>
          %dma_start3A_830 = arith.constant 0 : i32
          %dma_start3A_831 = tpu.memref_slice %arg4[%add3A_802, %dma_start3A_830] : memref<4096x64xi32, #tpu.memory_space<hbm>> -> memref<1x64xi32, #tpu.memory_space<hbm>>
          %dma_start3A_832 = tpu.memref_squeeze %dma_start3A_831 : memref<1x64xi32, #tpu.memory_space<hbm>> -> memref<64xi32, #tpu.memory_space<hbm>>
          %dma_start3A_833 = arith.constant 0 : i32
          %dma_start3A_834 = tpu.memref_slice %arg9[%run_scoped3A_803, %dma_start3A_833] : memref<2x64xi32, #tpu.memory_space<vmem>> -> memref<1x64xi32, #tpu.memory_space<vmem>>
          %dma_start3A_835 = tpu.memref_squeeze %dma_start3A_834 : memref<1x64xi32, #tpu.memory_space<vmem>> -> memref<64xi32, #tpu.memory_space<vmem>>
          %dma_start3A_836 = arith.constant 0 : i32
          %dma_start3A_837 = tpu.memref_slice %arg4[%add3A_802, %dma_start3A_836] : memref<4096x64xi32, #tpu.memory_space<hbm>> -> memref<1x64xi32, #tpu.memory_space<hbm>>
          %dma_start3A_838 = tpu.memref_squeeze %dma_start3A_837 : memref<1x64xi32, #tpu.memory_space<hbm>> -> memref<64xi32, #tpu.memory_space<hbm>>
          tpu.enqueue_dma source(%dma_start3A_838 : memref<64xi32, #tpu.memory_space<hbm>>) target(%dma_start3A_835 : memref<64xi32, #tpu.memory_space<vmem>>) target_semaphore(%run_scoped3A_826 : memref<!tpu.dma_semaphore, #tpu.memory_space<semaphore_mem>>)
          %dma_wait3A_839 = arith.constant 0 : i32
          %dma_wait3A_840 = tpu.memref_slice %arg9[%run_scoped3A_803, %dma_wait3A_839] : memref<2x64xi32, #tpu.memory_space<vmem>> -> memref<1x64xi32, #tpu.memory_space<vmem>>
          %dma_wait3A_841 = tpu.memref_squeeze %dma_wait3A_840 : memref<1x64xi32, #tpu.memory_space<vmem>> -> memref<64xi32, #tpu.memory_space<vmem>>
          %dma_wait3A_842 = arith.constant 0 : i32
          %dma_wait3A_843 = tpu.memref_slice %arg4[%add3A_802, %dma_wait3A_842] : memref<4096x64xi32, #tpu.memory_space<hbm>> -> memref<1x64xi32, #tpu.memory_space<hbm>>
          %dma_wait3A_844 = tpu.memref_squeeze %dma_wait3A_843 : memref<1x64xi32, #tpu.memory_space<hbm>> -> memref<64xi32, #tpu.memory_space<hbm>>
          %dma_wait3A_845 = arith.constant 0 : i32
          %dma_wait3A_846 = tpu.memref_slice %arg9[%run_scoped3A_803, %dma_wait3A_845] : memref<2x64xi32, #tpu.memory_space<vmem>> -> memref<1x64xi32, #tpu.memory_space<vmem>>
          %dma_wait3A_847 = tpu.memref_squeeze %dma_wait3A_846 : memref<1x64xi32, #tpu.memory_space<vmem>> -> memref<64xi32, #tpu.memory_space<vmem>>
          %dma_wait3A_848 = arith.constant 0 : i32
          %dma_wait3A_849 = tpu.memref_slice %arg4[%add3A_802, %dma_wait3A_848] : memref<4096x64xi32, #tpu.memory_space<hbm>> -> memref<1x64xi32, #tpu.memory_space<hbm>>
          %dma_wait3A_850 = tpu.memref_squeeze %dma_wait3A_849 : memref<1x64xi32, #tpu.memory_space<hbm>> -> memref<64xi32, #tpu.memory_space<hbm>>
          tpu.wait_dma2 semaphore(%run_scoped3A_826 : memref<!tpu.dma_semaphore, #tpu.memory_space<semaphore_mem>>) src(%dma_wait3A_850 : memref<64xi32, #tpu.memory_space<hbm>>) dst(%dma_wait3A_847 : memref<64xi32, #tpu.memory_space<vmem>>)
          tpu.yield
        }) : () -> ()
        %dma_start3A_804 = arith.constant 1 : i32
        %dma_start3A_805 = arith.constant 1 : i32
        %dma_start3A_806 = arith.constant 0 : i32
        %dma_start3A_807 = tpu.memref_slice %arg8[%dma_start3A_805, %dma_start3A_806] : memref<2x64xf32, #tpu.memory_space<vmem>> -> memref<1x56xf32, #tpu.memory_space<vmem>>
        %dma_start3A_808 = tpu.memref_squeeze %dma_start3A_807 : memref<1x56xf32, #tpu.memory_space<vmem>> -> memref<56xf32, #tpu.memory_space<vmem>>
        %dma_start3A_809 = arith.constant 0 : i32
        %dma_start3A_810 = tpu.memref_slice %arg7[%dma_start3A_804, %dma_start3A_809] : memref<2x64xi32, #tpu.memory_space<vmem>> -> memref<1x56xi32, #tpu.memory_space<vmem>>
        %dma_start3A_811 = tpu.memref_squeeze %dma_start3A_810 : memref<1x56xi32, #tpu.memory_space<vmem>> -> memref<56xi32, #tpu.memory_space<vmem>>
        %dma_start3A_812 = arith.constant 0 : i32
        %dma_start3A_813 = tpu.memref_slice %arg5[%dma_start3A_812] : memref<30522xf32, #tpu.memory_space<hbm>> -> memref<30522xf32, #tpu.memory_space<hbm>>
        tpu.enqueue_indirect_dma source(%dma_start3A_813 : memref<30522xf32, #tpu.memory_space<hbm>>) target(%dma_start3A_808 : memref<56xf32, #tpu.memory_space<vmem>>) offsets(%dma_start3A_811 : memref<56xi32, #tpu.memory_space<vmem>>) semaphore(%arg14 : memref<!tpu.dma_semaphore, #tpu.memory_space<semaphore_mem>>)
        %dma_start3A_814 = arith.constant 1 : i32
        %dma_start3A_815 = arith.constant 1 : i32
        %dma_start3A_816 = arith.constant 0 : i32
        %dma_start3A_817 = arith.constant 0 : i32
        %dma_start3A_818 = tpu.memref_slice %arg10[%dma_start3A_815, %dma_start3A_816, %dma_start3A_817] : memref<2x56x768xf32, #tpu.memory_space<vmem>> -> memref<1x56x768xf32, #tpu.memory_space<vmem>>
        %dma_start3A_819 = tpu.memref_squeeze %dma_start3A_818 : memref<1x56x768xf32, #tpu.memory_space<vmem>> -> memref<56x768xf32, #tpu.memory_space<vmem>>
        %dma_start3A_820 = arith.constant 0 : i32
        %dma_start3A_821 = tpu.memref_slice %arg7[%dma_start3A_814, %dma_start3A_820] : memref<2x64xi32, #tpu.memory_space<vmem>> -> memref<1x56xi32, #tpu.memory_space<vmem>>
        %dma_start3A_822 = tpu.memref_squeeze %dma_start3A_821 : memref<1x56xi32, #tpu.memory_space<vmem>> -> memref<56xi32, #tpu.memory_space<vmem>>
        %dma_start3A_823 = arith.constant 0 : i32
        %dma_start3A_824 = arith.constant 0 : i32
        %dma_start3A_825 = tpu.memref_slice %arg2[%dma_start3A_823, %dma_start3A_824] : memref<30522x768xf32, #tpu.memory_space<hbm>> -> memref<30522x768xf32, #tpu.memory_space<hbm>>
        tpu.enqueue_indirect_dma source(%dma_start3A_825 : memref<30522x768xf32, #tpu.memory_space<hbm>>) target(%dma_start3A_819 : memref<56x768xf32, #tpu.memory_space<vmem>>) offsets(%dma_start3A_822 : memref<56xi32, #tpu.memory_space<vmem>>) semaphore(%arg13 : memref<!tpu.dma_semaphore, #tpu.memory_space<semaphore_mem>>)
      } else {
      }
      %dma_wait3A_100 = arith.constant 0 : i32
      %dma_wait3A_101 = arith.constant 0 : i32
      %dma_wait3A_102 = tpu.memref_slice %arg8[%dma_wait3A_100, %dma_wait3A_101] : memref<2x64xf32, #tpu.memory_space<vmem>> -> memref<1x56xf32, #tpu.memory_space<vmem>>
      %dma_wait3A_103 = tpu.memref_squeeze %dma_wait3A_102 : memref<1x56xf32, #tpu.memory_space<vmem>> -> memref<56xf32, #tpu.memory_space<vmem>>
      %dma_wait3A_104 = arith.constant 0 : i32
      %dma_wait3A_105 = tpu.memref_slice %arg5[%dma_wait3A_104] : memref<30522xf32, #tpu.memory_space<hbm>> -> memref<56xf32, #tpu.memory_space<hbm>>
      %dma_wait3A_106 = arith.constant 0 : i32
      %dma_wait3A_107 = tpu.memref_slice %arg8[%dma_wait3A_100, %dma_wait3A_106] : memref<2x64xf32, #tpu.memory_space<vmem>> -> memref<1x56xf32, #tpu.memory_space<vmem>>
      %dma_wait3A_108 = tpu.memref_squeeze %dma_wait3A_107 : memref<1x56xf32, #tpu.memory_space<vmem>> -> memref<56xf32, #tpu.memory_space<vmem>>
      %dma_wait3A_109 = arith.constant 0 : i32
      %dma_wait3A_110 = tpu.memref_slice %arg5[%dma_wait3A_109] : memref<30522xf32, #tpu.memory_space<hbm>> -> memref<56xf32, #tpu.memory_space<hbm>>
      tpu.wait_dma2 semaphore(%arg14 : memref<!tpu.dma_semaphore, #tpu.memory_space<semaphore_mem>>) src(%dma_wait3A_110 : memref<56xf32, #tpu.memory_space<hbm>>) dst(%dma_wait3A_108 : memref<56xf32, #tpu.memory_space<vmem>>)
      %dma_wait3A_111 = arith.constant 0 : i32
      %dma_wait3A_112 = arith.constant 0 : i32
      %dma_wait3A_113 = arith.constant 0 : i32
      %dma_wait3A_114 = tpu.memref_slice %arg10[%dma_wait3A_111, %dma_wait3A_112, %dma_wait3A_113] : memref<2x56x768xf32, #tpu.memory_space<vmem>> -> memref<1x56x768xf32, #tpu.memory_space<vmem>>
      %dma_wait3A_115 = tpu.memref_squeeze %dma_wait3A_114 : memref<1x56x768xf32, #tpu.memory_space<vmem>> -> memref<56x768xf32, #tpu.memory_space<vmem>>
      %dma_wait3A_116 = arith.constant 0 : i32
      %dma_wait3A_117 = arith.constant 0 : i32
      %dma_wait3A_118 = tpu.memref_slice %arg2[%dma_wait3A_116, %dma_wait3A_117] : memref<30522x768xf32, #tpu.memory_space<hbm>> -> memref<56x768xf32, #tpu.memory_space<hbm>>
      %dma_wait3A_119 = arith.constant 0 : i32
      %dma_wait3A_120 = arith.constant 0 : i32
      %dma_wait3A_121 = tpu.memref_slice %arg10[%dma_wait3A_111, %dma_wait3A_119, %dma_wait3A_120] : memref<2x56x768xf32, #tpu.memory_space<vmem>> -> memref<1x56x768xf32, #tpu.memory_space<vmem>>
      %dma_wait3A_122 = tpu.memref_squeeze %dma_wait3A_121 : memref<1x56x768xf32, #tpu.memory_space<vmem>> -> memref<56x768xf32, #tpu.memory_space<vmem>>
      %dma_wait3A_123 = arith.constant 0 : i32
      %dma_wait3A_124 = arith.constant 0 : i32
      %dma_wait3A_125 = tpu.memref_slice %arg2[%dma_wait3A_123, %dma_wait3A_124] : memref<30522x768xf32, #tpu.memory_space<hbm>> -> memref<56x768xf32, #tpu.memory_space<hbm>>
      tpu.wait_dma2 semaphore(%arg13 : memref<!tpu.dma_semaphore, #tpu.memory_space<semaphore_mem>>) src(%dma_wait3A_125 : memref<56x768xf32, #tpu.memory_space<hbm>>) dst(%dma_wait3A_122 : memref<56x768xf32, #tpu.memory_space<vmem>>)
      %ge3A = arith.constant 2 : i32
      %ge3A_126 = arith.cmpi sge, %add3A_95, %ge3A : i32
      %convert_element_type3A_127 = arith.extui %ge3A_126 : i1 to i32
      %cond3A_128 = arith.constant 0 : i32
      %cond3A_129 = arith.cmpi ne, %convert_element_type3A_127, %cond3A_128 : i32
      scf.if %cond3A_129 {
        %dma_wait3A_798 = arith.constant 0 : i32
        %dma_wait3A_799 = arith.constant 0 : i32
        %dma_wait3A_800 = tpu.memref_slice %arg11[%dma_wait3A_798, %dma_wait3A_799] : memref<2x768xf32, #tpu.memory_space<vmem>> -> memref<1x768xf32, #tpu.memory_space<vmem>>
        %dma_wait3A_801 = tpu.memref_squeeze %dma_wait3A_800 : memref<1x768xf32, #tpu.memory_space<vmem>> -> memref<768xf32, #tpu.memory_space<vmem>>
        %dma_wait3A_802 = arith.constant 0 : i32
        %dma_wait3A_803 = tpu.memref_slice %arg6[%mul3A_2, %dma_wait3A_802] : memref<4096x768xf32, #tpu.memory_space<hbm>> -> memref<1x768xf32, #tpu.memory_space<hbm>>
        %dma_wait3A_804 = tpu.memref_squeeze %dma_wait3A_803 : memref<1x768xf32, #tpu.memory_space<hbm>> -> memref<768xf32, #tpu.memory_space<hbm>>
        %dma_wait3A_805 = arith.constant 0 : i32
        %dma_wait3A_806 = tpu.memref_slice %arg11[%dma_wait3A_798, %dma_wait3A_805] : memref<2x768xf32, #tpu.memory_space<vmem>> -> memref<1x768xf32, #tpu.memory_space<vmem>>
        %dma_wait3A_807 = tpu.memref_squeeze %dma_wait3A_806 : memref<1x768xf32, #tpu.memory_space<vmem>> -> memref<768xf32, #tpu.memory_space<vmem>>
        %dma_wait3A_808 = arith.constant 0 : i32
        %dma_wait3A_809 = tpu.memref_slice %arg6[%mul3A_2, %dma_wait3A_808] : memref<4096x768xf32, #tpu.memory_space<hbm>> -> memref<1x768xf32, #tpu.memory_space<hbm>>
        %dma_wait3A_810 = tpu.memref_squeeze %dma_wait3A_809 : memref<1x768xf32, #tpu.memory_space<hbm>> -> memref<768xf32, #tpu.memory_space<hbm>>
        tpu.wait_dma2 semaphore(%arg15 : memref<!tpu.dma_semaphore, #tpu.memory_space<semaphore_mem>>) src(%dma_wait3A_810 : memref<768xf32, #tpu.memory_space<hbm>>) dst(%dma_wait3A_807 : memref<768xf32, #tpu.memory_space<vmem>>)
      } else {
      }
      %broadcast_in_dim3A_130 = arith.constant 0.000000e+00 : f32
      %broadcast_in_dim3A_131 = vector.broadcast %broadcast_in_dim3A_130 : f32 to vector<16xf32>
      %get3A = arith.constant 0 : i32
      %get3A_132 = arith.index_cast %get3A : i32 to index
      %get3A_133 = arith.constant 0 : index
      %get3A_134 = tpu.vector_load %arg8[%get3A_132, %get3A_133] {strides = array<i32>} : memref<2x64xf32, #tpu.memory_space<vmem>>, vector<16xf32>,
      %get3A_135 = arith.constant 0 : i32
      %get3A_136 = arith.index_cast %get3A_135 : i32 to index
      %get3A_137 = arith.constant 0 : index
      %get3A_138 = tpu.vector_load %arg9[%get3A_136, %get3A_137] {strides = array<i32>} : memref<2x64xi32, #tpu.memory_space<vmem>>, vector<16xi32>,
      %convert_element_type3A_139 = arith.sitofp %get3A_138 : vector<16xi32> to vector<16xf32>
      %mul3A_140 = arith.mulf %get3A_134, %convert_element_type3A_139 : vector<16xf32>
      %add3A_141 = arith.addf %broadcast_in_dim3A_131, %mul3A_140 : vector<16xf32>
      %get3A_142 = arith.constant 0 : i32
      %get3A_143 = arith.index_cast %get3A_142 : i32 to index
      %get3A_144 = arith.constant 16 : index
      %get3A_145 = tpu.vector_load %arg8[%get3A_143, %get3A_144] {strides = array<i32>} : memref<2x64xf32, #tpu.memory_space<vmem>>, vector<16xf32>,
      %get3A_146 = arith.constant 0 : i32
      %get3A_147 = arith.index_cast %get3A_146 : i32 to index
      %get3A_148 = arith.constant 16 : index
      %get3A_149 = tpu.vector_load %arg9[%get3A_147, %get3A_148] {strides = array<i32>} : memref<2x64xi32, #tpu.memory_space<vmem>>, vector<16xi32>,
      %convert_element_type3A_150 = arith.sitofp %get3A_149 : vector<16xi32> to vector<16xf32>
      %mul3A_151 = arith.mulf %get3A_145, %convert_element_type3A_150 : vector<16xf32>
      %add3A_152 = arith.addf %add3A_141, %mul3A_151 : vector<16xf32>
      %get3A_153 = arith.constant 0 : i32
      %get3A_154 = arith.index_cast %get3A_153 : i32 to index
      %get3A_155 = arith.constant 32 : index
      %get3A_156 = tpu.vector_load %arg8[%get3A_154, %get3A_155] {strides = array<i32>} : memref<2x64xf32, #tpu.memory_space<vmem>>, vector<16xf32>,
      %get3A_157 = arith.constant 0 : i32
      %get3A_158 = arith.index_cast %get3A_157 : i32 to index
      %get3A_159 = arith.constant 32 : index
      %get3A_160 = tpu.vector_load %arg9[%get3A_158, %get3A_159] {strides = array<i32>} : memref<2x64xi32, #tpu.memory_space<vmem>>, vector<16xi32>,
      %convert_element_type3A_161 = arith.sitofp %get3A_160 : vector<16xi32> to vector<16xf32>
      %mul3A_162 = arith.mulf %get3A_156, %convert_element_type3A_161 : vector<16xf32>
      %add3A_163 = arith.addf %add3A_152, %mul3A_162 : vector<16xf32>
      %get3A_164 = arith.constant 0 : i32
      %get3A_165 = arith.index_cast %get3A_164 : i32 to index
      %get3A_166 = arith.constant 48 : index
      %get3A_167 = tpu.vector_load %arg8[%get3A_165, %get3A_166] {strides = array<i32>} : memref<2x64xf32, #tpu.memory_space<vmem>>, vector<16xf32>,
      %get3A_168 = arith.constant 0 : i32
      %get3A_169 = arith.index_cast %get3A_168 : i32 to index
      %get3A_170 = arith.constant 48 : index
      %get3A_171 = tpu.vector_load %arg9[%get3A_169, %get3A_170] {strides = array<i32>} : memref<2x64xi32, #tpu.memory_space<vmem>>, vector<16xi32>,
      %convert_element_type3A_172 = arith.sitofp %get3A_171 : vector<16xi32> to vector<16xf32>
      %mul3A_173 = arith.mulf %get3A_167, %convert_element_type3A_172 : vector<16xf32>
      %add3A_174 = arith.addf %add3A_163, %mul3A_173 : vector<16xf32>
      %swap3A_175 = arith.constant 0 : index
      %swap3A_176 = tpu.vector_load %arg12[%swap3A_175] {strides = array<i32>} : memref<16xf32, #tpu.memory_space<vmem>>, vector<16xf32>,
      tpu.vector_store %arg12[%swap3A_175], %add3A_174 {strides = array<i32>} : memref<16xf32, #tpu.memory_space<vmem>>, vector<16xf32>,
      %xor3A = arith.constant 8 : i32
      %xor3A_177 = vector.broadcast %xor3A : i32 to vector<16xi32>
      %xor3A_178 = arith.xori %iota3A, %xor3A_177 : vector<16xi32>
      %gather3A = tpu.vector_load_idx %arg12[%xor3A_178] : memref<16xf32, #tpu.memory_space<vmem>>[vector<16xi32>], vector<16xf32>,
      %add3A_179 = arith.addf %add3A_174, %gather3A : vector<16xf32>
      %swap3A_180 = arith.constant 0 : index
      %swap3A_181 = tpu.vector_load %arg12[%swap3A_180] {strides = array<i32>} : memref<16xf32, #tpu.memory_space<vmem>>, vector<16xf32>,
      tpu.vector_store %arg12[%swap3A_180], %add3A_179 {strides = array<i32>} : memref<16xf32, #tpu.memory_space<vmem>>, vector<16xf32>,
      %xor3A_182 = arith.constant 4 : i32
      %xor3A_183 = vector.broadcast %xor3A_182 : i32 to vector<16xi32>
      %xor3A_184 = arith.xori %iota3A, %xor3A_183 : vector<16xi32>
      %gather3A_185 = tpu.vector_load_idx %arg12[%xor3A_184] : memref<16xf32, #tpu.memory_space<vmem>>[vector<16xi32>], vector<16xf32>,
      %add3A_186 = arith.addf %add3A_179, %gather3A_185 : vector<16xf32>
      %swap3A_187 = arith.constant 0 : index
      %swap3A_188 = tpu.vector_load %arg12[%swap3A_187] {strides = array<i32>} : memref<16xf32, #tpu.memory_space<vmem>>, vector<16xf32>,
      tpu.vector_store %arg12[%swap3A_187], %add3A_186 {strides = array<i32>} : memref<16xf32, #tpu.memory_space<vmem>>, vector<16xf32>,
      %xor3A_189 = arith.constant 2 : i32
      %xor3A_190 = vector.broadcast %xor3A_189 : i32 to vector<16xi32>
      %xor3A_191 = arith.xori %iota3A, %xor3A_190 : vector<16xi32>
      %gather3A_192 = tpu.vector_load_idx %arg12[%xor3A_191] : memref<16xf32, #tpu.memory_space<vmem>>[vector<16xi32>], vector<16xf32>,
      %add3A_193 = arith.addf %add3A_186, %gather3A_192 : vector<16xf32>
      %swap3A_194 = arith.constant 0 : index
      %swap3A_195 = tpu.vector_load %arg12[%swap3A_194] {strides = array<i32>} : memref<16xf32, #tpu.memory_space<vmem>>, vector<16xf32>,
      tpu.vector_store %arg12[%swap3A_194], %add3A_193 {strides = array<i32>} : memref<16xf32, #tpu.memory_space<vmem>>, vector<16xf32>,
      %xor3A_196 = arith.constant 1 : i32
      %xor3A_197 = vector.broadcast %xor3A_196 : i32 to vector<16xi32>
      %xor3A_198 = arith.xori %iota3A, %xor3A_197 : vector<16xi32>
      %gather3A_199 = tpu.vector_load_idx %arg12[%xor3A_198] : memref<16xf32, #tpu.memory_space<vmem>>[vector<16xi32>], vector<16xf32>,
      %add3A_200 = arith.addf %add3A_193, %gather3A_199 : vector<16xf32>
      %div3A = arith.constant 1.000000e+00 : f32
      %div3A_201 = vector.broadcast %div3A : f32 to vector<16xf32>
      %div3A_202 = arith.divf %div3A_201, %add3A_200 : vector<16xf32>
      %mul3A_203 = arith.mulf %mul3A_140, %div3A_202 : vector<16xf32>
      %swap3A_204 = arith.constant 0 : i32
      %swap3A_205 = arith.index_cast %swap3A_204 : i32 to index
      %swap3A_206 = arith.constant 0 : index
      %swap3A_207 = tpu.vector_load %arg8[%swap3A_205, %swap3A_206] {strides = array<i32>} : memref<2x64xf32, #tpu.memory_space<vmem>>, vector<16xf32>,
      tpu.vector_store %arg8[%swap3A_205, %swap3A_206], %mul3A_203 {strides = array<i32>} : memref<2x64xf32, #tpu.memory_space<vmem>>, vector<16xf32>,
      %mul3A_208 = arith.mulf %mul3A_151, %div3A_202 : vector<16xf32>
      %swap3A_209 = arith.constant 0 : i32
      %swap3A_210 = arith.index_cast %swap3A_209 : i32 to index
      %swap3A_211 = arith.constant 16 : index
      %swap3A_212 = tpu.vector_load %arg8[%swap3A_210, %swap3A_211] {strides = array<i32>} : memref<2x64xf32, #tpu.memory_space<vmem>>, vector<16xf32>,
      tpu.vector_store %arg8[%swap3A_210, %swap3A_211], %mul3A_208 {strides = array<i32>} : memref<2x64xf32, #tpu.memory_space<vmem>>, vector<16xf32>,
      %mul3A_213 = arith.mulf %mul3A_162, %div3A_202 : vector<16xf32>
      %swap3A_214 = arith.constant 0 : i32
      %swap3A_215 = arith.index_cast %swap3A_214 : i32 to index
      %swap3A_216 = arith.constant 32 : index
      %swap3A_217 = tpu.vector_load %arg8[%swap3A_215, %swap3A_216] {strides = array<i32>} : memref<2x64xf32, #tpu.memory_space<vmem>>, vector<16xf32>,
      tpu.vector_store %arg8[%swap3A_215, %swap3A_216], %mul3A_213 {strides = array<i32>} : memref<2x64xf32, #tpu.memory_space<vmem>>, vector<16xf32>,
      %mul3A_218 = arith.mulf %mul3A_173, %div3A_202 : vector<16xf32>
      %swap3A_219 = arith.constant 0 : i32
      %swap3A_220 = arith.index_cast %swap3A_219 : i32 to index
      %swap3A_221 = arith.constant 48 : index
      %swap3A_222 = tpu.vector_load %arg8[%swap3A_220, %swap3A_221] {strides = array<i32>} : memref<2x64xf32, #tpu.memory_space<vmem>>, vector<16xf32>,
      tpu.vector_store %arg8[%swap3A_220, %swap3A_221], %mul3A_218 {strides = array<i32>} : memref<2x64xf32, #tpu.memory_space<vmem>>, vector<16xf32>,
      %scan3A_223 = arith.constant 0 : i32
      %scan3A_224 = arith.constant 50 : i32
      %scan3A_225 = arith.addi %scan3A_223, %scan3A_224 : i32
      %scan3A_226 = arith.constant 1 : i32
      %scan3A_227:24 = scf.for %scan3A_798 = %scan3A_223 to %scan3A_225 step %scan3A_226 iter_args(%scan3A_799 = %broadcast_in_dim3A_3, %scan3A_800 = %broadcast_in_dim3A_3, %scan3A_801 = %broadcast_in_dim3A_3, %scan3A_802 = %broadcast_in_dim3A_3, %scan3A_803 = %broadcast_in_dim3A_3, %scan3A_804 = %broadcast_in_dim3A_3, %scan3A_805 = %broadcast_in_dim3A_3, %scan3A_806 = %broadcast_in_dim3A_3, %scan3A_807 = %broadcast_in_dim3A_3, %scan3A_808 = %broadcast_in_dim3A_3, %scan3A_809 = %broadcast_in_dim3A_3, %scan3A_810 = %broadcast_in_dim3A_3, %scan3A_811 = %broadcast_in_dim3A_3, %scan3A_812 = %broadcast_in_dim3A_3, %scan3A_813 = %broadcast_in_dim3A_3, %scan3A_814 = %broadcast_in_dim3A_3, %scan3A_815 = %broadcast_in_dim3A_3, %scan3A_816 = %broadcast_in_dim3A_3, %scan3A_817 = %broadcast_in_dim3A_3, %scan3A_818 = %broadcast_in_dim3A_3, %scan3A_819 = %broadcast_in_dim3A_3, %scan3A_820 = %broadcast_in_dim3A_3, %scan3A_821 = %broadcast_in_dim3A_3, %scan3A_822 = %broadcast_in_dim3A_3) -> (vector<16xf32>, vector<16xf32>, vector<16xf32>, vector<16xf32>, vector<16xf32>, vector<16xf32>, vector<16xf32>, vector<16xf32>, vector<16xf32>, vector<16xf32>, vector<16xf32>, vector<16xf32>, vector<16xf32>, vector<16xf32>, vector<16xf32>, vector<16xf32>, vector<16xf32>, vector<16xf32>, vector<16xf32>, vector<16xf32>, vector<16xf32>, vector<16xf32>, vector<16xf32>, vector<16xf32>)  : i32 {
        %broadcast_in_dim3A_823 = arith.constant 0 : i32
        %broadcast_in_dim3A_824 = vector.broadcast %broadcast_in_dim3A_823 : i32 to vector<16xi32>
        %broadcast_in_dim3A_825 = vector.broadcast %scan3A_798 : i32 to vector<16xi32>
        %gather3A_826 = tpu.vector_load_idx %arg8[%broadcast_in_dim3A_824, %broadcast_in_dim3A_825] : memref<2x64xf32, #tpu.memory_space<vmem>>[vector<16xi32>, vector<16xi32>], vector<16xf32>,
        %get3A_827 = arith.constant 0 : i32
        %get3A_828 = arith.index_cast %get3A_827 : i32 to index
        %get3A_829 = arith.index_cast %scan3A_798 : i32 to index
        %get3A_830 = arith.constant 0 : index
        %get3A_831 = tpu.vector_load %arg10[%get3A_828, %get3A_829, %get3A_830] {strides = array<i32>} : memref<2x56x768xf32, #tpu.memory_space<vmem>>, vector<16xf32>,
        %mul3A_832 = arith.mulf %gather3A_826, %get3A_831 : vector<16xf32>
        %add3A_833 = arith.addf %scan3A_799, %mul3A_832 : vector<16xf32>
        %get3A_834 = arith.constant 0 : i32
        %get3A_835 = arith.index_cast %get3A_834 : i32 to index
        %get3A_836 = arith.index_cast %scan3A_798 : i32 to index
        %get3A_837 = arith.constant 16 : index
        %get3A_838 = tpu.vector_load %arg10[%get3A_835, %get3A_836, %get3A_837] {strides = array<i32>} : memref<2x56x768xf32, #tpu.memory_space<vmem>>, vector<16xf32>,
        %mul3A_839 = arith.mulf %gather3A_826, %get3A_838 : vector<16xf32>
        %add3A_840 = arith.addf %scan3A_800, %mul3A_839 : vector<16xf32>
        %get3A_841 = arith.constant 0 : i32
        %get3A_842 = arith.index_cast %get3A_841 : i32 to index
        %get3A_843 = arith.index_cast %scan3A_798 : i32 to index
        %get3A_844 = arith.constant 32 : index
        %get3A_845 = tpu.vector_load %arg10[%get3A_842, %get3A_843, %get3A_844] {strides = array<i32>} : memref<2x56x768xf32, #tpu.memory_space<vmem>>, vector<16xf32>,
        %mul3A_846 = arith.mulf %gather3A_826, %get3A_845 : vector<16xf32>
        %add3A_847 = arith.addf %scan3A_801, %mul3A_846 : vector<16xf32>
        %get3A_848 = arith.constant 0 : i32
        %get3A_849 = arith.index_cast %get3A_848 : i32 to index
        %get3A_850 = arith.index_cast %scan3A_798 : i32 to index
        %get3A_851 = arith.constant 48 : index
        %get3A_852 = tpu.vector_load %arg10[%get3A_849, %get3A_850, %get3A_851] {strides = array<i32>} : memref<2x56x768xf32, #tpu.memory_space<vmem>>, vector<16xf32>,
        %mul3A_853 = arith.mulf %gather3A_826, %get3A_852 : vector<16xf32>
        %add3A_854 = arith.addf %scan3A_802, %mul3A_853 : vector<16xf32>
        %get3A_855 = arith.constant 0 : i32
        %get3A_856 = arith.index_cast %get3A_855 : i32 to index
        %get3A_857 = arith.index_cast %scan3A_798 : i32 to index
        %get3A_858 = arith.constant 64 : index
        %get3A_859 = tpu.vector_load %arg10[%get3A_856, %get3A_857, %get3A_858] {strides = array<i32>} : memref<2x56x768xf32, #tpu.memory_space<vmem>>, vector<16xf32>,
        %mul3A_860 = arith.mulf %gather3A_826, %get3A_859 : vector<16xf32>
        %add3A_861 = arith.addf %scan3A_803, %mul3A_860 : vector<16xf32>
        %get3A_862 = arith.constant 0 : i32
        %get3A_863 = arith.index_cast %get3A_862 : i32 to index
        %get3A_864 = arith.index_cast %scan3A_798 : i32 to index
        %get3A_865 = arith.constant 80 : index
        %get3A_866 = tpu.vector_load %arg10[%get3A_863, %get3A_864, %get3A_865] {strides = array<i32>} : memref<2x56x768xf32, #tpu.memory_space<vmem>>, vector<16xf32>,
        %mul3A_867 = arith.mulf %gather3A_826, %get3A_866 : vector<16xf32>
        %add3A_868 = arith.addf %scan3A_804, %mul3A_867 : vector<16xf32>
        %get3A_869 = arith.constant 0 : i32
        %get3A_870 = arith.index_cast %get3A_869 : i32 to index
        %get3A_871 = arith.index_cast %scan3A_798 : i32 to index
        %get3A_872 = arith.constant 96 : index
        %get3A_873 = tpu.vector_load %arg10[%get3A_870, %get3A_871, %get3A_872] {strides = array<i32>} : memref<2x56x768xf32, #tpu.memory_space<vmem>>, vector<16xf32>,
        %mul3A_874 = arith.mulf %gather3A_826, %get3A_873 : vector<16xf32>
        %add3A_875 = arith.addf %scan3A_805, %mul3A_874 : vector<16xf32>
        %get3A_876 = arith.constant 0 : i32
        %get3A_877 = arith.index_cast %get3A_876 : i32 to index
        %get3A_878 = arith.index_cast %scan3A_798 : i32 to index
        %get3A_879 = arith.constant 112 : index
        %get3A_880 = tpu.vector_load %arg10[%get3A_877, %get3A_878, %get3A_879] {strides = array<i32>} : memref<2x56x768xf32, #tpu.memory_space<vmem>>, vector<16xf32>,
        %mul3A_881 = arith.mulf %gather3A_826, %get3A_880 : vector<16xf32>
        %add3A_882 = arith.addf %scan3A_806, %mul3A_881 : vector<16xf32>
        %get3A_883 = arith.constant 0 : i32
        %get3A_884 = arith.index_cast %get3A_883 : i32 to index
        %get3A_885 = arith.index_cast %scan3A_798 : i32 to index
        %get3A_886 = arith.constant 128 : index
        %get3A_887 = tpu.vector_load %arg10[%get3A_884, %get3A_885, %get3A_886] {strides = array<i32>} : memref<2x56x768xf32, #tpu.memory_space<vmem>>, vector<16xf32>,
        %mul3A_888 = arith.mulf %gather3A_826, %get3A_887 : vector<16xf32>
        %add3A_889 = arith.addf %scan3A_807, %mul3A_888 : vector<16xf32>
        %get3A_890 = arith.constant 0 : i32
        %get3A_891 = arith.index_cast %get3A_890 : i32 to index
        %get3A_892 = arith.index_cast %scan3A_798 : i32 to index
        %get3A_893 = arith.constant 144 : index
        %get3A_894 = tpu.vector_load %arg10[%get3A_891, %get3A_892, %get3A_893] {strides = array<i32>} : memref<2x56x768xf32, #tpu.memory_space<vmem>>, vector<16xf32>,
        %mul3A_895 = arith.mulf %gather3A_826, %get3A_894 : vector<16xf32>
        %add3A_896 = arith.addf %scan3A_808, %mul3A_895 : vector<16xf32>
        %get3A_897 = arith.constant 0 : i32
        %get3A_898 = arith.index_cast %get3A_897 : i32 to index
        %get3A_899 = arith.index_cast %scan3A_798 : i32 to index
        %get3A_900 = arith.constant 160 : index
        %get3A_901 = tpu.vector_load %arg10[%get3A_898, %get3A_899, %get3A_900] {strides = array<i32>} : memref<2x56x768xf32, #tpu.memory_space<vmem>>, vector<16xf32>,
        %mul3A_902 = arith.mulf %gather3A_826, %get3A_901 : vector<16xf32>
        %add3A_903 = arith.addf %scan3A_809, %mul3A_902 : vector<16xf32>
        %get3A_904 = arith.constant 0 : i32
        %get3A_905 = arith.index_cast %get3A_904 : i32 to index
        %get3A_906 = arith.index_cast %scan3A_798 : i32 to index
        %get3A_907 = arith.constant 176 : index
        %get3A_908 = tpu.vector_load %arg10[%get3A_905, %get3A_906, %get3A_907] {strides = array<i32>} : memref<2x56x768xf32, #tpu.memory_space<vmem>>, vector<16xf32>,
        %mul3A_909 = arith.mulf %gather3A_826, %get3A_908 : vector<16xf32>
        %add3A_910 = arith.addf %scan3A_810, %mul3A_909 : vector<16xf32>
        %get3A_911 = arith.constant 0 : i32
        %get3A_912 = arith.index_cast %get3A_911 : i32 to index
        %get3A_913 = arith.index_cast %scan3A_798 : i32 to index
        %get3A_914 = arith.constant 192 : index
        %get3A_915 = tpu.vector_load %arg10[%get3A_912, %get3A_913, %get3A_914] {strides = array<i32>} : memref<2x56x768xf32, #tpu.memory_space<vmem>>, vector<16xf32>,
        %mul3A_916 = arith.mulf %gather3A_826, %get3A_915 : vector<16xf32>
        %add3A_917 = arith.addf %scan3A_811, %mul3A_916 : vector<16xf32>
        %get3A_918 = arith.constant 0 : i32
        %get3A_919 = arith.index_cast %get3A_918 : i32 to index
        %get3A_920 = arith.index_cast %scan3A_798 : i32 to index
        %get3A_921 = arith.constant 208 : index
        %get3A_922 = tpu.vector_load %arg10[%get3A_919, %get3A_920, %get3A_921] {strides = array<i32>} : memref<2x56x768xf32, #tpu.memory_space<vmem>>, vector<16xf32>,
        %mul3A_923 = arith.mulf %gather3A_826, %get3A_922 : vector<16xf32>
        %add3A_924 = arith.addf %scan3A_812, %mul3A_923 : vector<16xf32>
        %get3A_925 = arith.constant 0 : i32
        %get3A_926 = arith.index_cast %get3A_925 : i32 to index
        %get3A_927 = arith.index_cast %scan3A_798 : i32 to index
        %get3A_928 = arith.constant 224 : index
        %get3A_929 = tpu.vector_load %arg10[%get3A_926, %get3A_927, %get3A_928] {strides = array<i32>} : memref<2x56x768xf32, #tpu.memory_space<vmem>>, vector<16xf32>,
        %mul3A_930 = arith.mulf %gather3A_826, %get3A_929 : vector<16xf32>
        %add3A_931 = arith.addf %scan3A_813, %mul3A_930 : vector<16xf32>
        %get3A_932 = arith.constant 0 : i32
        %get3A_933 = arith.index_cast %get3A_932 : i32 to index
        %get3A_934 = arith.index_cast %scan3A_798 : i32 to index
        %get3A_935 = arith.constant 240 : index
        %get3A_936 = tpu.vector_load %arg10[%get3A_933, %get3A_934, %get3A_935] {strides = array<i32>} : memref<2x56x768xf32, #tpu.memory_space<vmem>>, vector<16xf32>,
        %mul3A_937 = arith.mulf %gather3A_826, %get3A_936 : vector<16xf32>
        %add3A_938 = arith.addf %scan3A_814, %mul3A_937 : vector<16xf32>
        %get3A_939 = arith.constant 0 : i32
        %get3A_940 = arith.index_cast %get3A_939 : i32 to index
        %get3A_941 = arith.index_cast %scan3A_798 : i32 to index
        %get3A_942 = arith.constant 256 : index
        %get3A_943 = tpu.vector_load %arg10[%get3A_940, %get3A_941, %get3A_942] {strides = array<i32>} : memref<2x56x768xf32, #tpu.memory_space<vmem>>, vector<16xf32>,
        %mul3A_944 = arith.mulf %gather3A_826, %get3A_943 : vector<16xf32>
        %add3A_945 = arith.addf %scan3A_815, %mul3A_944 : vector<16xf32>
        %get3A_946 = arith.constant 0 : i32
        %get3A_947 = arith.index_cast %get3A_946 : i32 to index
        %get3A_948 = arith.index_cast %scan3A_798 : i32 to index
        %get3A_949 = arith.constant 272 : index
        %get3A_950 = tpu.vector_load %arg10[%get3A_947, %get3A_948, %get3A_949] {strides = array<i32>} : memref<2x56x768xf32, #tpu.memory_space<vmem>>, vector<16xf32>,
        %mul3A_951 = arith.mulf %gather3A_826, %get3A_950 : vector<16xf32>
        %add3A_952 = arith.addf %scan3A_816, %mul3A_951 : vector<16xf32>
        %get3A_953 = arith.constant 0 : i32
        %get3A_954 = arith.index_cast %get3A_953 : i32 to index
        %get3A_955 = arith.index_cast %scan3A_798 : i32 to index
        %get3A_956 = arith.constant 288 : index
        %get3A_957 = tpu.vector_load %arg10[%get3A_954, %get3A_955, %get3A_956] {strides = array<i32>} : memref<2x56x768xf32, #tpu.memory_space<vmem>>, vector<16xf32>,
        %mul3A_958 = arith.mulf %gather3A_826, %get3A_957 : vector<16xf32>
        %add3A_959 = arith.addf %scan3A_817, %mul3A_958 : vector<16xf32>
        %get3A_960 = arith.constant 0 : i32
        %get3A_961 = arith.index_cast %get3A_960 : i32 to index
        %get3A_962 = arith.index_cast %scan3A_798 : i32 to index
        %get3A_963 = arith.constant 304 : index
        %get3A_964 = tpu.vector_load %arg10[%get3A_961, %get3A_962, %get3A_963] {strides = array<i32>} : memref<2x56x768xf32, #tpu.memory_space<vmem>>, vector<16xf32>,
        %mul3A_965 = arith.mulf %gather3A_826, %get3A_964 : vector<16xf32>
        %add3A_966 = arith.addf %scan3A_818, %mul3A_965 : vector<16xf32>
        %get3A_967 = arith.constant 0 : i32
        %get3A_968 = arith.index_cast %get3A_967 : i32 to index
        %get3A_969 = arith.index_cast %scan3A_798 : i32 to index
        %get3A_970 = arith.constant 320 : index
        %get3A_971 = tpu.vector_load %arg10[%get3A_968, %get3A_969, %get3A_970] {strides = array<i32>} : memref<2x56x768xf32, #tpu.memory_space<vmem>>, vector<16xf32>,
        %mul3A_972 = arith.mulf %gather3A_826, %get3A_971 : vector<16xf32>
        %add3A_973 = arith.addf %scan3A_819, %mul3A_972 : vector<16xf32>
        %get3A_974 = arith.constant 0 : i32
        %get3A_975 = arith.index_cast %get3A_974 : i32 to index
        %get3A_976 = arith.index_cast %scan3A_798 : i32 to index
        %get3A_977 = arith.constant 336 : index
        %get3A_978 = tpu.vector_load %arg10[%get3A_975, %get3A_976, %get3A_977] {strides = array<i32>} : memref<2x56x768xf32, #tpu.memory_space<vmem>>, vector<16xf32>,
        %mul3A_979 = arith.mulf %gather3A_826, %get3A_978 : vector<16xf32>
        %add3A_980 = arith.addf %scan3A_820, %mul3A_979 : vector<16xf32>
        %get3A_981 = arith.constant 0 : i32
        %get3A_982 = arith.index_cast %get3A_981 : i32 to index
        %get3A_983 = arith.index_cast %scan3A_798 : i32 to index
        %get3A_984 = arith.constant 352 : index
        %get3A_985 = tpu.vector_load %arg10[%get3A_982, %get3A_983, %get3A_984] {strides = array<i32>} : memref<2x56x768xf32, #tpu.memory_space<vmem>>, vector<16xf32>,
        %mul3A_986 = arith.mulf %gather3A_826, %get3A_985 : vector<16xf32>
        %add3A_987 = arith.addf %scan3A_821, %mul3A_986 : vector<16xf32>
        %get3A_988 = arith.constant 0 : i32
        %get3A_989 = arith.index_cast %get3A_988 : i32 to index
        %get3A_990 = arith.index_cast %scan3A_798 : i32 to index
        %get3A_991 = arith.constant 368 : index
        %get3A_992 = tpu.vector_load %arg10[%get3A_989, %get3A_990, %get3A_991] {strides = array<i32>} : memref<2x56x768xf32, #tpu.memory_space<vmem>>, vector<16xf32>,
        %mul3A_993 = arith.mulf %gather3A_826, %get3A_992 : vector<16xf32>
        %add3A_994 = arith.addf %scan3A_822, %mul3A_993 : vector<16xf32>
        scf.yield %add3A_833, %add3A_840, %add3A_847, %add3A_854, %add3A_861, %add3A_868, %add3A_875, %add3A_882, %add3A_889, %add3A_896, %add3A_903, %add3A_910, %add3A_917, %add3A_924, %add3A_931, %add3A_938, %add3A_945, %add3A_952, %add3A_959, %add3A_966, %add3A_973, %add3A_980, %add3A_987, %add3A_994 : vector<16xf32>, vector<16xf32>, vector<16xf32>, vector<16xf32>, vector<16xf32>, vector<16xf32>, vector<16xf32>, vector<16xf32>, vector<16xf32>, vector<16xf32>, vector<16xf32>, vector<16xf32>, vector<16xf32>, vector<16xf32>, vector<16xf32>, vector<16xf32>, vector<16xf32>, vector<16xf32>, vector<16xf32>, vector<16xf32>, vector<16xf32>, vector<16xf32>, vector<16xf32>, vector<16xf32>
      }
      %scan3A_228 = arith.constant 50 : i32
      %swap3A_229 = arith.constant 0 : i32
      %swap3A_230 = arith.index_cast %swap3A_229 : i32 to index
      %swap3A_231 = arith.constant 0 : index
      %swap3A_232 = tpu.vector_load %arg11[%swap3A_230, %swap3A_231] {strides = array<i32>} : memref<2x768xf32, #tpu.memory_space<vmem>>, vector<16xf32>,
      tpu.vector_store %arg11[%swap3A_230, %swap3A_231], %scan3A_227#0 {strides = array<i32>} : memref<2x768xf32, #tpu.memory_space<vmem>>, vector<16xf32>,
      %swap3A_233 = arith.constant 0 : i32
      %swap3A_234 = arith.index_cast %swap3A_233 : i32 to index
      %swap3A_235 = arith.constant 16 : index
      %swap3A_236 = tpu.vector_load %arg11[%swap3A_234, %swap3A_235] {strides = array<i32>} : memref<2x768xf32, #tpu.memory_space<vmem>>, vector<16xf32>,
      tpu.vector_store %arg11[%swap3A_234, %swap3A_235], %scan3A_227#1 {strides = array<i32>} : memref<2x768xf32, #tpu.memory_space<vmem>>, vector<16xf32>,
      %swap3A_237 = arith.constant 0 : i32
      %swap3A_238 = arith.index_cast %swap3A_237 : i32 to index
      %swap3A_239 = arith.constant 32 : index
      %swap3A_240 = tpu.vector_load %arg11[%swap3A_238, %swap3A_239] {strides = array<i32>} : memref<2x768xf32, #tpu.memory_space<vmem>>, vector<16xf32>,
      tpu.vector_store %arg11[%swap3A_238, %swap3A_239], %scan3A_227#2 {strides = array<i32>} : memref<2x768xf32, #tpu.memory_space<vmem>>, vector<16xf32>,
      %swap3A_241 = arith.constant 0 : i32
      %swap3A_242 = arith.index_cast %swap3A_241 : i32 to index
      %swap3A_243 = arith.constant 48 : index
      %swap3A_244 = tpu.vector_load %arg11[%swap3A_242, %swap3A_243] {strides = array<i32>} : memref<2x768xf32, #tpu.memory_space<vmem>>, vector<16xf32>,
      tpu.vector_store %arg11[%swap3A_242, %swap3A_243], %scan3A_227#3 {strides = array<i32>} : memref<2x768xf32, #tpu.memory_space<vmem>>, vector<16xf32>,
      %swap3A_245 = arith.constant 0 : i32
      %swap3A_246 = arith.index_cast %swap3A_245 : i32 to index
      %swap3A_247 = arith.constant 64 : index
      %swap3A_248 = tpu.vector_load %arg11[%swap3A_246, %swap3A_247] {strides = array<i32>} : memref<2x768xf32, #tpu.memory_space<vmem>>, vector<16xf32>,
      tpu.vector_store %arg11[%swap3A_246, %swap3A_247], %scan3A_227#4 {strides = array<i32>} : memref<2x768xf32, #tpu.memory_space<vmem>>, vector<16xf32>,
      %swap3A_249 = arith.constant 0 : i32
      %swap3A_250 = arith.index_cast %swap3A_249 : i32 to index
      %swap3A_251 = arith.constant 80 : index
      %swap3A_252 = tpu.vector_load %arg11[%swap3A_250, %swap3A_251] {strides = array<i32>} : memref<2x768xf32, #tpu.memory_space<vmem>>, vector<16xf32>,
      tpu.vector_store %arg11[%swap3A_250, %swap3A_251], %scan3A_227#5 {strides = array<i32>} : memref<2x768xf32, #tpu.memory_space<vmem>>, vector<16xf32>,
      %swap3A_253 = arith.constant 0 : i32
      %swap3A_254 = arith.index_cast %swap3A_253 : i32 to index
      %swap3A_255 = arith.constant 96 : index
      %swap3A_256 = tpu.vector_load %arg11[%swap3A_254, %swap3A_255] {strides = array<i32>} : memref<2x768xf32, #tpu.memory_space<vmem>>, vector<16xf32>,
      tpu.vector_store %arg11[%swap3A_254, %swap3A_255], %scan3A_227#6 {strides = array<i32>} : memref<2x768xf32, #tpu.memory_space<vmem>>, vector<16xf32>,
      %swap3A_257 = arith.constant 0 : i32
      %swap3A_258 = arith.index_cast %swap3A_257 : i32 to index
      %swap3A_259 = arith.constant 112 : index
      %swap3A_260 = tpu.vector_load %arg11[%swap3A_258, %swap3A_259] {strides = array<i32>} : memref<2x768xf32, #tpu.memory_space<vmem>>, vector<16xf32>,
      tpu.vector_store %arg11[%swap3A_258, %swap3A_259], %scan3A_227#7 {strides = array<i32>} : memref<2x768xf32, #tpu.memory_space<vmem>>, vector<16xf32>,
      %swap3A_261 = arith.constant 0 : i32
      %swap3A_262 = arith.index_cast %swap3A_261 : i32 to index
      %swap3A_263 = arith.constant 128 : index
      %swap3A_264 = tpu.vector_load %arg11[%swap3A_262, %swap3A_263] {strides = array<i32>} : memref<2x768xf32, #tpu.memory_space<vmem>>, vector<16xf32>,
      tpu.vector_store %arg11[%swap3A_262, %swap3A_263], %scan3A_227#8 {strides = array<i32>} : memref<2x768xf32, #tpu.memory_space<vmem>>, vector<16xf32>,
      %swap3A_265 = arith.constant 0 : i32
      %swap3A_266 = arith.index_cast %swap3A_265 : i32 to index
      %swap3A_267 = arith.constant 144 : index
      %swap3A_268 = tpu.vector_load %arg11[%swap3A_266, %swap3A_267] {strides = array<i32>} : memref<2x768xf32, #tpu.memory_space<vmem>>, vector<16xf32>,
      tpu.vector_store %arg11[%swap3A_266, %swap3A_267], %scan3A_227#9 {strides = array<i32>} : memref<2x768xf32, #tpu.memory_space<vmem>>, vector<16xf32>,
      %swap3A_269 = arith.constant 0 : i32
      %swap3A_270 = arith.index_cast %swap3A_269 : i32 to index
      %swap3A_271 = arith.constant 160 : index
      %swap3A_272 = tpu.vector_load %arg11[%swap3A_270, %swap3A_271] {strides = array<i32>} : memref<2x768xf32, #tpu.memory_space<vmem>>, vector<16xf32>,
      tpu.vector_store %arg11[%swap3A_270, %swap3A_271], %scan3A_227#10 {strides = array<i32>} : memref<2x768xf32, #tpu.memory_space<vmem>>, vector<16xf32>,
      %swap3A_273 = arith.constant 0 : i32
      %swap3A_274 = arith.index_cast %swap3A_273 : i32 to index
      %swap3A_275 = arith.constant 176 : index
      %swap3A_276 = tpu.vector_load %arg11[%swap3A_274, %swap3A_275] {strides = array<i32>} : memref<2x768xf32, #tpu.memory_space<vmem>>, vector<16xf32>,
      tpu.vector_store %arg11[%swap3A_274, %swap3A_275], %scan3A_227#11 {strides = array<i32>} : memref<2x768xf32, #tpu.memory_space<vmem>>, vector<16xf32>,
      %swap3A_277 = arith.constant 0 : i32
      %swap3A_278 = arith.index_cast %swap3A_277 : i32 to index
      %swap3A_279 = arith.constant 192 : index
      %swap3A_280 = tpu.vector_load %arg11[%swap3A_278, %swap3A_279] {strides = array<i32>} : memref<2x768xf32, #tpu.memory_space<vmem>>, vector<16xf32>,
      tpu.vector_store %arg11[%swap3A_278, %swap3A_279], %scan3A_227#12 {strides = array<i32>} : memref<2x768xf32, #tpu.memory_space<vmem>>, vector<16xf32>,
      %swap3A_281 = arith.constant 0 : i32
      %swap3A_282 = arith.index_cast %swap3A_281 : i32 to index
      %swap3A_283 = arith.constant 208 : index
      %swap3A_284 = tpu.vector_load %arg11[%swap3A_282, %swap3A_283] {strides = array<i32>} : memref<2x768xf32, #tpu.memory_space<vmem>>, vector<16xf32>,
      tpu.vector_store %arg11[%swap3A_282, %swap3A_283], %scan3A_227#13 {strides = array<i32>} : memref<2x768xf32, #tpu.memory_space<vmem>>, vector<16xf32>,
      %swap3A_285 = arith.constant 0 : i32
      %swap3A_286 = arith.index_cast %swap3A_285 : i32 to index
      %swap3A_287 = arith.constant 224 : index
      %swap3A_288 = tpu.vector_load %arg11[%swap3A_286, %swap3A_287] {strides = array<i32>} : memref<2x768xf32, #tpu.memory_space<vmem>>, vector<16xf32>,
      tpu.vector_store %arg11[%swap3A_286, %swap3A_287], %scan3A_227#14 {strides = array<i32>} : memref<2x768xf32, #tpu.memory_space<vmem>>, vector<16xf32>,
      %swap3A_289 = arith.constant 0 : i32
      %swap3A_290 = arith.index_cast %swap3A_289 : i32 to index
      %swap3A_291 = arith.constant 240 : index
      %swap3A_292 = tpu.vector_load %arg11[%swap3A_290, %swap3A_291] {strides = array<i32>} : memref<2x768xf32, #tpu.memory_space<vmem>>, vector<16xf32>,
      tpu.vector_store %arg11[%swap3A_290, %swap3A_291], %scan3A_227#15 {strides = array<i32>} : memref<2x768xf32, #tpu.memory_space<vmem>>, vector<16xf32>,
      %swap3A_293 = arith.constant 0 : i32
      %swap3A_294 = arith.index_cast %swap3A_293 : i32 to index
      %swap3A_295 = arith.constant 256 : index
      %swap3A_296 = tpu.vector_load %arg11[%swap3A_294, %swap3A_295] {strides = array<i32>} : memref<2x768xf32, #tpu.memory_space<vmem>>, vector<16xf32>,
      tpu.vector_store %arg11[%swap3A_294, %swap3A_295], %scan3A_227#16 {strides = array<i32>} : memref<2x768xf32, #tpu.memory_space<vmem>>, vector<16xf32>,
      %swap3A_297 = arith.constant 0 : i32
      %swap3A_298 = arith.index_cast %swap3A_297 : i32 to index
      %swap3A_299 = arith.constant 272 : index
      %swap3A_300 = tpu.vector_load %arg11[%swap3A_298, %swap3A_299] {strides = array<i32>} : memref<2x768xf32, #tpu.memory_space<vmem>>, vector<16xf32>,
      tpu.vector_store %arg11[%swap3A_298, %swap3A_299], %scan3A_227#17 {strides = array<i32>} : memref<2x768xf32, #tpu.memory_space<vmem>>, vector<16xf32>,
      %swap3A_301 = arith.constant 0 : i32
      %swap3A_302 = arith.index_cast %swap3A_301 : i32 to index
      %swap3A_303 = arith.constant 288 : index
      %swap3A_304 = tpu.vector_load %arg11[%swap3A_302, %swap3A_303] {strides = array<i32>} : memref<2x768xf32, #tpu.memory_space<vmem>>, vector<16xf32>,
      tpu.vector_store %arg11[%swap3A_302, %swap3A_303], %scan3A_227#18 {strides = array<i32>} : memref<2x768xf32, #tpu.memory_space<vmem>>, vector<16xf32>,
      %swap3A_305 = arith.constant 0 : i32
      %swap3A_306 = arith.index_cast %swap3A_305 : i32 to index
      %swap3A_307 = arith.constant 304 : index
      %swap3A_308 = tpu.vector_load %arg11[%swap3A_306, %swap3A_307] {strides = array<i32>} : memref<2x768xf32, #tpu.memory_space<vmem>>, vector<16xf32>,
      tpu.vector_store %arg11[%swap3A_306, %swap3A_307], %scan3A_227#19 {strides = array<i32>} : memref<2x768xf32, #tpu.memory_space<vmem>>, vector<16xf32>,
      %swap3A_309 = arith.constant 0 : i32
      %swap3A_310 = arith.index_cast %swap3A_309 : i32 to index
      %swap3A_311 = arith.constant 320 : index
      %swap3A_312 = tpu.vector_load %arg11[%swap3A_310, %swap3A_311] {strides = array<i32>} : memref<2x768xf32, #tpu.memory_space<vmem>>, vector<16xf32>,
      tpu.vector_store %arg11[%swap3A_310, %swap3A_311], %scan3A_227#20 {strides = array<i32>} : memref<2x768xf32, #tpu.memory_space<vmem>>, vector<16xf32>,
      %swap3A_313 = arith.constant 0 : i32
      %swap3A_314 = arith.index_cast %swap3A_313 : i32 to index
      %swap3A_315 = arith.constant 336 : index
      %swap3A_316 = tpu.vector_load %arg11[%swap3A_314, %swap3A_315] {strides = array<i32>} : memref<2x768xf32, #tpu.memory_space<vmem>>, vector<16xf32>,
      tpu.vector_store %arg11[%swap3A_314, %swap3A_315], %scan3A_227#21 {strides = array<i32>} : memref<2x768xf32, #tpu.memory_space<vmem>>, vector<16xf32>,
      %swap3A_317 = arith.constant 0 : i32
      %swap3A_318 = arith.index_cast %swap3A_317 : i32 to index
      %swap3A_319 = arith.constant 352 : index
      %swap3A_320 = tpu.vector_load %arg11[%swap3A_318, %swap3A_319] {strides = array<i32>} : memref<2x768xf32, #tpu.memory_space<vmem>>, vector<16xf32>,
      tpu.vector_store %arg11[%swap3A_318, %swap3A_319], %scan3A_227#22 {strides = array<i32>} : memref<2x768xf32, #tpu.memory_space<vmem>>, vector<16xf32>,
      %swap3A_321 = arith.constant 0 : i32
      %swap3A_322 = arith.index_cast %swap3A_321 : i32 to index
      %swap3A_323 = arith.constant 368 : index
      %swap3A_324 = tpu.vector_load %arg11[%swap3A_322, %swap3A_323] {strides = array<i32>} : memref<2x768xf32, #tpu.memory_space<vmem>>, vector<16xf32>,
      tpu.vector_store %arg11[%swap3A_322, %swap3A_323], %scan3A_227#23 {strides = array<i32>} : memref<2x768xf32, #tpu.memory_space<vmem>>, vector<16xf32>,
      %scan3A_325 = arith.constant 0 : i32
      %scan3A_326 = arith.constant 50 : i32
      %scan3A_327 = arith.addi %scan3A_325, %scan3A_326 : i32
      %scan3A_328 = arith.constant 1 : i32
      %scan3A_329:24 = scf.for %scan3A_798 = %scan3A_325 to %scan3A_327 step %scan3A_328 iter_args(%scan3A_799 = %broadcast_in_dim3A_3, %scan3A_800 = %broadcast_in_dim3A_3, %scan3A_801 = %broadcast_in_dim3A_3, %scan3A_802 = %broadcast_in_dim3A_3, %scan3A_803 = %broadcast_in_dim3A_3, %scan3A_804 = %broadcast_in_dim3A_3, %scan3A_805 = %broadcast_in_dim3A_3, %scan3A_806 = %broadcast_in_dim3A_3, %scan3A_807 = %broadcast_in_dim3A_3, %scan3A_808 = %broadcast_in_dim3A_3, %scan3A_809 = %broadcast_in_dim3A_3, %scan3A_810 = %broadcast_in_dim3A_3, %scan3A_811 = %broadcast_in_dim3A_3, %scan3A_812 = %broadcast_in_dim3A_3, %scan3A_813 = %broadcast_in_dim3A_3, %scan3A_814 = %broadcast_in_dim3A_3, %scan3A_815 = %broadcast_in_dim3A_3, %scan3A_816 = %broadcast_in_dim3A_3, %scan3A_817 = %broadcast_in_dim3A_3, %scan3A_818 = %broadcast_in_dim3A_3, %scan3A_819 = %broadcast_in_dim3A_3, %scan3A_820 = %broadcast_in_dim3A_3, %scan3A_821 = %broadcast_in_dim3A_3, %scan3A_822 = %broadcast_in_dim3A_3) -> (vector<16xf32>, vector<16xf32>, vector<16xf32>, vector<16xf32>, vector<16xf32>, vector<16xf32>, vector<16xf32>, vector<16xf32>, vector<16xf32>, vector<16xf32>, vector<16xf32>, vector<16xf32>, vector<16xf32>, vector<16xf32>, vector<16xf32>, vector<16xf32>, vector<16xf32>, vector<16xf32>, vector<16xf32>, vector<16xf32>, vector<16xf32>, vector<16xf32>, vector<16xf32>, vector<16xf32>)  : i32 {
        %broadcast_in_dim3A_823 = arith.constant 0 : i32
        %broadcast_in_dim3A_824 = vector.broadcast %broadcast_in_dim3A_823 : i32 to vector<16xi32>
        %broadcast_in_dim3A_825 = vector.broadcast %scan3A_798 : i32 to vector<16xi32>
        %gather3A_826 = tpu.vector_load_idx %arg8[%broadcast_in_dim3A_824, %broadcast_in_dim3A_825] : memref<2x64xf32, #tpu.memory_space<vmem>>[vector<16xi32>, vector<16xi32>], vector<16xf32>,
        %get3A_827 = arith.constant 0 : i32
        %get3A_828 = arith.index_cast %get3A_827 : i32 to index
        %get3A_829 = arith.index_cast %scan3A_798 : i32 to index
        %get3A_830 = arith.constant 384 : index
        %get3A_831 = tpu.vector_load %arg10[%get3A_828, %get3A_829, %get3A_830] {strides = array<i32>} : memref<2x56x768xf32, #tpu.memory_space<vmem>>, vector<16xf32>,
        %mul3A_832 = arith.mulf %gather3A_826, %get3A_831 : vector<16xf32>
        %add3A_833 = arith.addf %scan3A_799, %mul3A_832 : vector<16xf32>
        %get3A_834 = arith.constant 0 : i32
        %get3A_835 = arith.index_cast %get3A_834 : i32 to index
        %get3A_836 = arith.index_cast %scan3A_798 : i32 to index
        %get3A_837 = arith.constant 400 : index
        %get3A_838 = tpu.vector_load %arg10[%get3A_835, %get3A_836, %get3A_837] {strides = array<i32>} : memref<2x56x768xf32, #tpu.memory_space<vmem>>, vector<16xf32>,
        %mul3A_839 = arith.mulf %gather3A_826, %get3A_838 : vector<16xf32>
        %add3A_840 = arith.addf %scan3A_800, %mul3A_839 : vector<16xf32>
        %get3A_841 = arith.constant 0 : i32
        %get3A_842 = arith.index_cast %get3A_841 : i32 to index
        %get3A_843 = arith.index_cast %scan3A_798 : i32 to index
        %get3A_844 = arith.constant 416 : index
        %get3A_845 = tpu.vector_load %arg10[%get3A_842, %get3A_843, %get3A_844] {strides = array<i32>} : memref<2x56x768xf32, #tpu.memory_space<vmem>>, vector<16xf32>,
        %mul3A_846 = arith.mulf %gather3A_826, %get3A_845 : vector<16xf32>
        %add3A_847 = arith.addf %scan3A_801, %mul3A_846 : vector<16xf32>
        %get3A_848 = arith.constant 0 : i32
        %get3A_849 = arith.index_cast %get3A_848 : i32 to index
        %get3A_850 = arith.index_cast %scan3A_798 : i32 to index
        %get3A_851 = arith.constant 432 : index
        %get3A_852 = tpu.vector_load %arg10[%get3A_849, %get3A_850, %get3A_851] {strides = array<i32>} : memref<2x56x768xf32, #tpu.memory_space<vmem>>, vector<16xf32>,
        %mul3A_853 = arith.mulf %gather3A_826, %get3A_852 : vector<16xf32>
        %add3A_854 = arith.addf %scan3A_802, %mul3A_853 : vector<16xf32>
        %get3A_855 = arith.constant 0 : i32
        %get3A_856 = arith.index_cast %get3A_855 : i32 to index
        %get3A_857 = arith.index_cast %scan3A_798 : i32 to index
        %get3A_858 = arith.constant 448 : index
        %get3A_859 = tpu.vector_load %arg10[%get3A_856, %get3A_857, %get3A_858] {strides = array<i32>} : memref<2x56x768xf32, #tpu.memory_space<vmem>>, vector<16xf32>,
        %mul3A_860 = arith.mulf %gather3A_826, %get3A_859 : vector<16xf32>
        %add3A_861 = arith.addf %scan3A_803, %mul3A_860 : vector<16xf32>
        %get3A_862 = arith.constant 0 : i32
        %get3A_863 = arith.index_cast %get3A_862 : i32 to index
        %get3A_864 = arith.index_cast %scan3A_798 : i32 to index
        %get3A_865 = arith.constant 464 : index
        %get3A_866 = tpu.vector_load %arg10[%get3A_863, %get3A_864, %get3A_865] {strides = array<i32>} : memref<2x56x768xf32, #tpu.memory_space<vmem>>, vector<16xf32>,
        %mul3A_867 = arith.mulf %gather3A_826, %get3A_866 : vector<16xf32>
        %add3A_868 = arith.addf %scan3A_804, %mul3A_867 : vector<16xf32>
        %get3A_869 = arith.constant 0 : i32
        %get3A_870 = arith.index_cast %get3A_869 : i32 to index
        %get3A_871 = arith.index_cast %scan3A_798 : i32 to index
        %get3A_872 = arith.constant 480 : index
        %get3A_873 = tpu.vector_load %arg10[%get3A_870, %get3A_871, %get3A_872] {strides = array<i32>} : memref<2x56x768xf32, #tpu.memory_space<vmem>>, vector<16xf32>,
        %mul3A_874 = arith.mulf %gather3A_826, %get3A_873 : vector<16xf32>
        %add3A_875 = arith.addf %scan3A_805, %mul3A_874 : vector<16xf32>
        %get3A_876 = arith.constant 0 : i32
        %get3A_877 = arith.index_cast %get3A_876 : i32 to index
        %get3A_878 = arith.index_cast %scan3A_798 : i32 to index
        %get3A_879 = arith.constant 496 : index
        %get3A_880 = tpu.vector_load %arg10[%get3A_877, %get3A_878, %get3A_879] {strides = array<i32>} : memref<2x56x768xf32, #tpu.memory_space<vmem>>, vector<16xf32>,
        %mul3A_881 = arith.mulf %gather3A_826, %get3A_880 : vector<16xf32>
        %add3A_882 = arith.addf %scan3A_806, %mul3A_881 : vector<16xf32>
        %get3A_883 = arith.constant 0 : i32
        %get3A_884 = arith.index_cast %get3A_883 : i32 to index
        %get3A_885 = arith.index_cast %scan3A_798 : i32 to index
        %get3A_886 = arith.constant 512 : index
        %get3A_887 = tpu.vector_load %arg10[%get3A_884, %get3A_885, %get3A_886] {strides = array<i32>} : memref<2x56x768xf32, #tpu.memory_space<vmem>>, vector<16xf32>,
        %mul3A_888 = arith.mulf %gather3A_826, %get3A_887 : vector<16xf32>
        %add3A_889 = arith.addf %scan3A_807, %mul3A_888 : vector<16xf32>
        %get3A_890 = arith.constant 0 : i32
        %get3A_891 = arith.index_cast %get3A_890 : i32 to index
        %get3A_892 = arith.index_cast %scan3A_798 : i32 to index
        %get3A_893 = arith.constant 528 : index
        %get3A_894 = tpu.vector_load %arg10[%get3A_891, %get3A_892, %get3A_893] {strides = array<i32>} : memref<2x56x768xf32, #tpu.memory_space<vmem>>, vector<16xf32>,
        %mul3A_895 = arith.mulf %gather3A_826, %get3A_894 : vector<16xf32>
        %add3A_896 = arith.addf %scan3A_808, %mul3A_895 : vector<16xf32>
        %get3A_897 = arith.constant 0 : i32
        %get3A_898 = arith.index_cast %get3A_897 : i32 to index
        %get3A_899 = arith.index_cast %scan3A_798 : i32 to index
        %get3A_900 = arith.constant 544 : index
        %get3A_901 = tpu.vector_load %arg10[%get3A_898, %get3A_899, %get3A_900] {strides = array<i32>} : memref<2x56x768xf32, #tpu.memory_space<vmem>>, vector<16xf32>,
        %mul3A_902 = arith.mulf %gather3A_826, %get3A_901 : vector<16xf32>
        %add3A_903 = arith.addf %scan3A_809, %mul3A_902 : vector<16xf32>
        %get3A_904 = arith.constant 0 : i32
        %get3A_905 = arith.index_cast %get3A_904 : i32 to index
        %get3A_906 = arith.index_cast %scan3A_798 : i32 to index
        %get3A_907 = arith.constant 560 : index
        %get3A_908 = tpu.vector_load %arg10[%get3A_905, %get3A_906, %get3A_907] {strides = array<i32>} : memref<2x56x768xf32, #tpu.memory_space<vmem>>, vector<16xf32>,
        %mul3A_909 = arith.mulf %gather3A_826, %get3A_908 : vector<16xf32>
        %add3A_910 = arith.addf %scan3A_810, %mul3A_909 : vector<16xf32>
        %get3A_911 = arith.constant 0 : i32
        %get3A_912 = arith.index_cast %get3A_911 : i32 to index
        %get3A_913 = arith.index_cast %scan3A_798 : i32 to index
        %get3A_914 = arith.constant 576 : index
        %get3A_915 = tpu.vector_load %arg10[%get3A_912, %get3A_913, %get3A_914] {strides = array<i32>} : memref<2x56x768xf32, #tpu.memory_space<vmem>>, vector<16xf32>,
        %mul3A_916 = arith.mulf %gather3A_826, %get3A_915 : vector<16xf32>
        %add3A_917 = arith.addf %scan3A_811, %mul3A_916 : vector<16xf32>
        %get3A_918 = arith.constant 0 : i32
        %get3A_919 = arith.index_cast %get3A_918 : i32 to index
        %get3A_920 = arith.index_cast %scan3A_798 : i32 to index
        %get3A_921 = arith.constant 592 : index
        %get3A_922 = tpu.vector_load %arg10[%get3A_919, %get3A_920, %get3A_921] {strides = array<i32>} : memref<2x56x768xf32, #tpu.memory_space<vmem>>, vector<16xf32>,
        %mul3A_923 = arith.mulf %gather3A_826, %get3A_922 : vector<16xf32>
        %add3A_924 = arith.addf %scan3A_812, %mul3A_923 : vector<16xf32>
        %get3A_925 = arith.constant 0 : i32
        %get3A_926 = arith.index_cast %get3A_925 : i32 to index
        %get3A_927 = arith.index_cast %scan3A_798 : i32 to index
        %get3A_928 = arith.constant 608 : index
        %get3A_929 = tpu.vector_load %arg10[%get3A_926, %get3A_927, %get3A_928] {strides = array<i32>} : memref<2x56x768xf32, #tpu.memory_space<vmem>>, vector<16xf32>,
        %mul3A_930 = arith.mulf %gather3A_826, %get3A_929 : vector<16xf32>
        %add3A_931 = arith.addf %scan3A_813, %mul3A_930 : vector<16xf32>
        %get3A_932 = arith.constant 0 : i32
        %get3A_933 = arith.index_cast %get3A_932 : i32 to index
        %get3A_934 = arith.index_cast %scan3A_798 : i32 to index
        %get3A_935 = arith.constant 624 : index
        %get3A_936 = tpu.vector_load %arg10[%get3A_933, %get3A_934, %get3A_935] {strides = array<i32>} : memref<2x56x768xf32, #tpu.memory_space<vmem>>, vector<16xf32>,
        %mul3A_937 = arith.mulf %gather3A_826, %get3A_936 : vector<16xf32>
        %add3A_938 = arith.addf %scan3A_814, %mul3A_937 : vector<16xf32>
        %get3A_939 = arith.constant 0 : i32
        %get3A_940 = arith.index_cast %get3A_939 : i32 to index
        %get3A_941 = arith.index_cast %scan3A_798 : i32 to index
        %get3A_942 = arith.constant 640 : index
        %get3A_943 = tpu.vector_load %arg10[%get3A_940, %get3A_941, %get3A_942] {strides = array<i32>} : memref<2x56x768xf32, #tpu.memory_space<vmem>>, vector<16xf32>,
        %mul3A_944 = arith.mulf %gather3A_826, %get3A_943 : vector<16xf32>
        %add3A_945 = arith.addf %scan3A_815, %mul3A_944 : vector<16xf32>
        %get3A_946 = arith.constant 0 : i32
        %get3A_947 = arith.index_cast %get3A_946 : i32 to index
        %get3A_948 = arith.index_cast %scan3A_798 : i32 to index
        %get3A_949 = arith.constant 656 : index
        %get3A_950 = tpu.vector_load %arg10[%get3A_947, %get3A_948, %get3A_949] {strides = array<i32>} : memref<2x56x768xf32, #tpu.memory_space<vmem>>, vector<16xf32>,
        %mul3A_951 = arith.mulf %gather3A_826, %get3A_950 : vector<16xf32>
        %add3A_952 = arith.addf %scan3A_816, %mul3A_951 : vector<16xf32>
        %get3A_953 = arith.constant 0 : i32
        %get3A_954 = arith.index_cast %get3A_953 : i32 to index
        %get3A_955 = arith.index_cast %scan3A_798 : i32 to index
        %get3A_956 = arith.constant 672 : index
        %get3A_957 = tpu.vector_load %arg10[%get3A_954, %get3A_955, %get3A_956] {strides = array<i32>} : memref<2x56x768xf32, #tpu.memory_space<vmem>>, vector<16xf32>,
        %mul3A_958 = arith.mulf %gather3A_826, %get3A_957 : vector<16xf32>
        %add3A_959 = arith.addf %scan3A_817, %mul3A_958 : vector<16xf32>
        %get3A_960 = arith.constant 0 : i32
        %get3A_961 = arith.index_cast %get3A_960 : i32 to index
        %get3A_962 = arith.index_cast %scan3A_798 : i32 to index
        %get3A_963 = arith.constant 688 : index
        %get3A_964 = tpu.vector_load %arg10[%get3A_961, %get3A_962, %get3A_963] {strides = array<i32>} : memref<2x56x768xf32, #tpu.memory_space<vmem>>, vector<16xf32>,
        %mul3A_965 = arith.mulf %gather3A_826, %get3A_964 : vector<16xf32>
        %add3A_966 = arith.addf %scan3A_818, %mul3A_965 : vector<16xf32>
        %get3A_967 = arith.constant 0 : i32
        %get3A_968 = arith.index_cast %get3A_967 : i32 to index
        %get3A_969 = arith.index_cast %scan3A_798 : i32 to index
        %get3A_970 = arith.constant 704 : index
        %get3A_971 = tpu.vector_load %arg10[%get3A_968, %get3A_969, %get3A_970] {strides = array<i32>} : memref<2x56x768xf32, #tpu.memory_space<vmem>>, vector<16xf32>,
        %mul3A_972 = arith.mulf %gather3A_826, %get3A_971 : vector<16xf32>
        %add3A_973 = arith.addf %scan3A_819, %mul3A_972 : vector<16xf32>
        %get3A_974 = arith.constant 0 : i32
        %get3A_975 = arith.index_cast %get3A_974 : i32 to index
        %get3A_976 = arith.index_cast %scan3A_798 : i32 to index
        %get3A_977 = arith.constant 720 : index
        %get3A_978 = tpu.vector_load %arg10[%get3A_975, %get3A_976, %get3A_977] {strides = array<i32>} : memref<2x56x768xf32, #tpu.memory_space<vmem>>, vector<16xf32>,
        %mul3A_979 = arith.mulf %gather3A_826, %get3A_978 : vector<16xf32>
        %add3A_980 = arith.addf %scan3A_820, %mul3A_979 : vector<16xf32>
        %get3A_981 = arith.constant 0 : i32
        %get3A_982 = arith.index_cast %get3A_981 : i32 to index
        %get3A_983 = arith.index_cast %scan3A_798 : i32 to index
        %get3A_984 = arith.constant 736 : index
        %get3A_985 = tpu.vector_load %arg10[%get3A_982, %get3A_983, %get3A_984] {strides = array<i32>} : memref<2x56x768xf32, #tpu.memory_space<vmem>>, vector<16xf32>,
        %mul3A_986 = arith.mulf %gather3A_826, %get3A_985 : vector<16xf32>
        %add3A_987 = arith.addf %scan3A_821, %mul3A_986 : vector<16xf32>
        %get3A_988 = arith.constant 0 : i32
        %get3A_989 = arith.index_cast %get3A_988 : i32 to index
        %get3A_990 = arith.index_cast %scan3A_798 : i32 to index
        %get3A_991 = arith.constant 752 : index
        %get3A_992 = tpu.vector_load %arg10[%get3A_989, %get3A_990, %get3A_991] {strides = array<i32>} : memref<2x56x768xf32, #tpu.memory_space<vmem>>, vector<16xf32>,
        %mul3A_993 = arith.mulf %gather3A_826, %get3A_992 : vector<16xf32>
        %add3A_994 = arith.addf %scan3A_822, %mul3A_993 : vector<16xf32>
        scf.yield %add3A_833, %add3A_840, %add3A_847, %add3A_854, %add3A_861, %add3A_868, %add3A_875, %add3A_882, %add3A_889, %add3A_896, %add3A_903, %add3A_910, %add3A_917, %add3A_924, %add3A_931, %add3A_938, %add3A_945, %add3A_952, %add3A_959, %add3A_966, %add3A_973, %add3A_980, %add3A_987, %add3A_994 : vector<16xf32>, vector<16xf32>, vector<16xf32>, vector<16xf32>, vector<16xf32>, vector<16xf32>, vector<16xf32>, vector<16xf32>, vector<16xf32>, vector<16xf32>, vector<16xf32>, vector<16xf32>, vector<16xf32>, vector<16xf32>, vector<16xf32>, vector<16xf32>, vector<16xf32>, vector<16xf32>, vector<16xf32>, vector<16xf32>, vector<16xf32>, vector<16xf32>, vector<16xf32>, vector<16xf32>
      }
      %scan3A_330 = arith.constant 50 : i32
      %swap3A_331 = arith.constant 0 : i32
      %swap3A_332 = arith.index_cast %swap3A_331 : i32 to index
      %swap3A_333 = arith.constant 384 : index
      %swap3A_334 = tpu.vector_load %arg11[%swap3A_332, %swap3A_333] {strides = array<i32>} : memref<2x768xf32, #tpu.memory_space<vmem>>, vector<16xf32>,
      tpu.vector_store %arg11[%swap3A_332, %swap3A_333], %scan3A_329#0 {strides = array<i32>} : memref<2x768xf32, #tpu.memory_space<vmem>>, vector<16xf32>,
      %swap3A_335 = arith.constant 0 : i32
      %swap3A_336 = arith.index_cast %swap3A_335 : i32 to index
      %swap3A_337 = arith.constant 400 : index
      %swap3A_338 = tpu.vector_load %arg11[%swap3A_336, %swap3A_337] {strides = array<i32>} : memref<2x768xf32, #tpu.memory_space<vmem>>, vector<16xf32>,
      tpu.vector_store %arg11[%swap3A_336, %swap3A_337], %scan3A_329#1 {strides = array<i32>} : memref<2x768xf32, #tpu.memory_space<vmem>>, vector<16xf32>,
      %swap3A_339 = arith.constant 0 : i32
      %swap3A_340 = arith.index_cast %swap3A_339 : i32 to index
      %swap3A_341 = arith.constant 416 : index
      %swap3A_342 = tpu.vector_load %arg11[%swap3A_340, %swap3A_341] {strides = array<i32>} : memref<2x768xf32, #tpu.memory_space<vmem>>, vector<16xf32>,
      tpu.vector_store %arg11[%swap3A_340, %swap3A_341], %scan3A_329#2 {strides = array<i32>} : memref<2x768xf32, #tpu.memory_space<vmem>>, vector<16xf32>,
      %swap3A_343 = arith.constant 0 : i32
      %swap3A_344 = arith.index_cast %swap3A_343 : i32 to index
      %swap3A_345 = arith.constant 432 : index
      %swap3A_346 = tpu.vector_load %arg11[%swap3A_344, %swap3A_345] {strides = array<i32>} : memref<2x768xf32, #tpu.memory_space<vmem>>, vector<16xf32>,
      tpu.vector_store %arg11[%swap3A_344, %swap3A_345], %scan3A_329#3 {strides = array<i32>} : memref<2x768xf32, #tpu.memory_space<vmem>>, vector<16xf32>,
      %swap3A_347 = arith.constant 0 : i32
      %swap3A_348 = arith.index_cast %swap3A_347 : i32 to index
      %swap3A_349 = arith.constant 448 : index
      %swap3A_350 = tpu.vector_load %arg11[%swap3A_348, %swap3A_349] {strides = array<i32>} : memref<2x768xf32, #tpu.memory_space<vmem>>, vector<16xf32>,
      tpu.vector_store %arg11[%swap3A_348, %swap3A_349], %scan3A_329#4 {strides = array<i32>} : memref<2x768xf32, #tpu.memory_space<vmem>>, vector<16xf32>,
      %swap3A_351 = arith.constant 0 : i32
      %swap3A_352 = arith.index_cast %swap3A_351 : i32 to index
      %swap3A_353 = arith.constant 464 : index
      %swap3A_354 = tpu.vector_load %arg11[%swap3A_352, %swap3A_353] {strides = array<i32>} : memref<2x768xf32, #tpu.memory_space<vmem>>, vector<16xf32>,
      tpu.vector_store %arg11[%swap3A_352, %swap3A_353], %scan3A_329#5 {strides = array<i32>} : memref<2x768xf32, #tpu.memory_space<vmem>>, vector<16xf32>,
      %swap3A_355 = arith.constant 0 : i32
      %swap3A_356 = arith.index_cast %swap3A_355 : i32 to index
      %swap3A_357 = arith.constant 480 : index
      %swap3A_358 = tpu.vector_load %arg11[%swap3A_356, %swap3A_357] {strides = array<i32>} : memref<2x768xf32, #tpu.memory_space<vmem>>, vector<16xf32>,
      tpu.vector_store %arg11[%swap3A_356, %swap3A_357], %scan3A_329#6 {strides = array<i32>} : memref<2x768xf32, #tpu.memory_space<vmem>>, vector<16xf32>,
      %swap3A_359 = arith.constant 0 : i32
      %swap3A_360 = arith.index_cast %swap3A_359 : i32 to index
      %swap3A_361 = arith.constant 496 : index
      %swap3A_362 = tpu.vector_load %arg11[%swap3A_360, %swap3A_361] {strides = array<i32>} : memref<2x768xf32, #tpu.memory_space<vmem>>, vector<16xf32>,
      tpu.vector_store %arg11[%swap3A_360, %swap3A_361], %scan3A_329#7 {strides = array<i32>} : memref<2x768xf32, #tpu.memory_space<vmem>>, vector<16xf32>,
      %swap3A_363 = arith.constant 0 : i32
      %swap3A_364 = arith.index_cast %swap3A_363 : i32 to index
      %swap3A_365 = arith.constant 512 : index
      %swap3A_366 = tpu.vector_load %arg11[%swap3A_364, %swap3A_365] {strides = array<i32>} : memref<2x768xf32, #tpu.memory_space<vmem>>, vector<16xf32>,
      tpu.vector_store %arg11[%swap3A_364, %swap3A_365], %scan3A_329#8 {strides = array<i32>} : memref<2x768xf32, #tpu.memory_space<vmem>>, vector<16xf32>,
      %swap3A_367 = arith.constant 0 : i32
      %swap3A_368 = arith.index_cast %swap3A_367 : i32 to index
      %swap3A_369 = arith.constant 528 : index
      %swap3A_370 = tpu.vector_load %arg11[%swap3A_368, %swap3A_369] {strides = array<i32>} : memref<2x768xf32, #tpu.memory_space<vmem>>, vector<16xf32>,
      tpu.vector_store %arg11[%swap3A_368, %swap3A_369], %scan3A_329#9 {strides = array<i32>} : memref<2x768xf32, #tpu.memory_space<vmem>>, vector<16xf32>,
      %swap3A_371 = arith.constant 0 : i32
      %swap3A_372 = arith.index_cast %swap3A_371 : i32 to index
      %swap3A_373 = arith.constant 544 : index
      %swap3A_374 = tpu.vector_load %arg11[%swap3A_372, %swap3A_373] {strides = array<i32>} : memref<2x768xf32, #tpu.memory_space<vmem>>, vector<16xf32>,
      tpu.vector_store %arg11[%swap3A_372, %swap3A_373], %scan3A_329#10 {strides = array<i32>} : memref<2x768xf32, #tpu.memory_space<vmem>>, vector<16xf32>,
      %swap3A_375 = arith.constant 0 : i32
      %swap3A_376 = arith.index_cast %swap3A_375 : i32 to index
      %swap3A_377 = arith.constant 560 : index
      %swap3A_378 = tpu.vector_load %arg11[%swap3A_376, %swap3A_377] {strides = array<i32>} : memref<2x768xf32, #tpu.memory_space<vmem>>, vector<16xf32>,
      tpu.vector_store %arg11[%swap3A_376, %swap3A_377], %scan3A_329#11 {strides = array<i32>} : memref<2x768xf32, #tpu.memory_space<vmem>>, vector<16xf32>,
      %swap3A_379 = arith.constant 0 : i32
      %swap3A_380 = arith.index_cast %swap3A_379 : i32 to index
      %swap3A_381 = arith.constant 576 : index
      %swap3A_382 = tpu.vector_load %arg11[%swap3A_380, %swap3A_381] {strides = array<i32>} : memref<2x768xf32, #tpu.memory_space<vmem>>, vector<16xf32>,
      tpu.vector_store %arg11[%swap3A_380, %swap3A_381], %scan3A_329#12 {strides = array<i32>} : memref<2x768xf32, #tpu.memory_space<vmem>>, vector<16xf32>,
      %swap3A_383 = arith.constant 0 : i32
      %swap3A_384 = arith.index_cast %swap3A_383 : i32 to index
      %swap3A_385 = arith.constant 592 : index
      %swap3A_386 = tpu.vector_load %arg11[%swap3A_384, %swap3A_385] {strides = array<i32>} : memref<2x768xf32, #tpu.memory_space<vmem>>, vector<16xf32>,
      tpu.vector_store %arg11[%swap3A_384, %swap3A_385], %scan3A_329#13 {strides = array<i32>} : memref<2x768xf32, #tpu.memory_space<vmem>>, vector<16xf32>,
      %swap3A_387 = arith.constant 0 : i32
      %swap3A_388 = arith.index_cast %swap3A_387 : i32 to index
      %swap3A_389 = arith.constant 608 : index
      %swap3A_390 = tpu.vector_load %arg11[%swap3A_388, %swap3A_389] {strides = array<i32>} : memref<2x768xf32, #tpu.memory_space<vmem>>, vector<16xf32>,
      tpu.vector_store %arg11[%swap3A_388, %swap3A_389], %scan3A_329#14 {strides = array<i32>} : memref<2x768xf32, #tpu.memory_space<vmem>>, vector<16xf32>,
      %swap3A_391 = arith.constant 0 : i32
      %swap3A_392 = arith.index_cast %swap3A_391 : i32 to index
      %swap3A_393 = arith.constant 624 : index
      %swap3A_394 = tpu.vector_load %arg11[%swap3A_392, %swap3A_393] {strides = array<i32>} : memref<2x768xf32, #tpu.memory_space<vmem>>, vector<16xf32>,
      tpu.vector_store %arg11[%swap3A_392, %swap3A_393], %scan3A_329#15 {strides = array<i32>} : memref<2x768xf32, #tpu.memory_space<vmem>>, vector<16xf32>,
      %swap3A_395 = arith.constant 0 : i32
      %swap3A_396 = arith.index_cast %swap3A_395 : i32 to index
      %swap3A_397 = arith.constant 640 : index
      %swap3A_398 = tpu.vector_load %arg11[%swap3A_396, %swap3A_397] {strides = array<i32>} : memref<2x768xf32, #tpu.memory_space<vmem>>, vector<16xf32>,
      tpu.vector_store %arg11[%swap3A_396, %swap3A_397], %scan3A_329#16 {strides = array<i32>} : memref<2x768xf32, #tpu.memory_space<vmem>>, vector<16xf32>,
      %swap3A_399 = arith.constant 0 : i32
      %swap3A_400 = arith.index_cast %swap3A_399 : i32 to index
      %swap3A_401 = arith.constant 656 : index
      %swap3A_402 = tpu.vector_load %arg11[%swap3A_400, %swap3A_401] {strides = array<i32>} : memref<2x768xf32, #tpu.memory_space<vmem>>, vector<16xf32>,
      tpu.vector_store %arg11[%swap3A_400, %swap3A_401], %scan3A_329#17 {strides = array<i32>} : memref<2x768xf32, #tpu.memory_space<vmem>>, vector<16xf32>,
      %swap3A_403 = arith.constant 0 : i32
      %swap3A_404 = arith.index_cast %swap3A_403 : i32 to index
      %swap3A_405 = arith.constant 672 : index
      %swap3A_406 = tpu.vector_load %arg11[%swap3A_404, %swap3A_405] {strides = array<i32>} : memref<2x768xf32, #tpu.memory_space<vmem>>, vector<16xf32>,
      tpu.vector_store %arg11[%swap3A_404, %swap3A_405], %scan3A_329#18 {strides = array<i32>} : memref<2x768xf32, #tpu.memory_space<vmem>>, vector<16xf32>,
      %swap3A_407 = arith.constant 0 : i32
      %swap3A_408 = arith.index_cast %swap3A_407 : i32 to index
      %swap3A_409 = arith.constant 688 : index
      %swap3A_410 = tpu.vector_load %arg11[%swap3A_408, %swap3A_409] {strides = array<i32>} : memref<2x768xf32, #tpu.memory_space<vmem>>, vector<16xf32>,
      tpu.vector_store %arg11[%swap3A_408, %swap3A_409], %scan3A_329#19 {strides = array<i32>} : memref<2x768xf32, #tpu.memory_space<vmem>>, vector<16xf32>,
      %swap3A_411 = arith.constant 0 : i32
      %swap3A_412 = arith.index_cast %swap3A_411 : i32 to index
      %swap3A_413 = arith.constant 704 : index
      %swap3A_414 = tpu.vector_load %arg11[%swap3A_412, %swap3A_413] {strides = array<i32>} : memref<2x768xf32, #tpu.memory_space<vmem>>, vector<16xf32>,
      tpu.vector_store %arg11[%swap3A_412, %swap3A_413], %scan3A_329#20 {strides = array<i32>} : memref<2x768xf32, #tpu.memory_space<vmem>>, vector<16xf32>,
      %swap3A_415 = arith.constant 0 : i32
      %swap3A_416 = arith.index_cast %swap3A_415 : i32 to index
      %swap3A_417 = arith.constant 720 : index
      %swap3A_418 = tpu.vector_load %arg11[%swap3A_416, %swap3A_417] {strides = array<i32>} : memref<2x768xf32, #tpu.memory_space<vmem>>, vector<16xf32>,
      tpu.vector_store %arg11[%swap3A_416, %swap3A_417], %scan3A_329#21 {strides = array<i32>} : memref<2x768xf32, #tpu.memory_space<vmem>>, vector<16xf32>,
      %swap3A_419 = arith.constant 0 : i32
      %swap3A_420 = arith.index_cast %swap3A_419 : i32 to index
      %swap3A_421 = arith.constant 736 : index
      %swap3A_422 = tpu.vector_load %arg11[%swap3A_420, %swap3A_421] {strides = array<i32>} : memref<2x768xf32, #tpu.memory_space<vmem>>, vector<16xf32>,
      tpu.vector_store %arg11[%swap3A_420, %swap3A_421], %scan3A_329#22 {strides = array<i32>} : memref<2x768xf32, #tpu.memory_space<vmem>>, vector<16xf32>,
      %swap3A_423 = arith.constant 0 : i32
      %swap3A_424 = arith.index_cast %swap3A_423 : i32 to index
      %swap3A_425 = arith.constant 752 : index
      %swap3A_426 = tpu.vector_load %arg11[%swap3A_424, %swap3A_425] {strides = array<i32>} : memref<2x768xf32, #tpu.memory_space<vmem>>, vector<16xf32>,
      tpu.vector_store %arg11[%swap3A_424, %swap3A_425], %scan3A_329#23 {strides = array<i32>} : memref<2x768xf32, #tpu.memory_space<vmem>>, vector<16xf32>,
      %add3A_427 = arith.addi %mul3A_2, %add3A_95 : i32
      %dma_start3A_428 = arith.constant 0 : i32
      %dma_start3A_429 = arith.constant 0 : i32
      %dma_start3A_430 = tpu.memref_slice %arg11[%dma_start3A_428, %dma_start3A_429] : memref<2x768xf32, #tpu.memory_space<vmem>> -> memref<1x768xf32, #tpu.memory_space<vmem>>
      %dma_start3A_431 = tpu.memref_squeeze %dma_start3A_430 : memref<1x768xf32, #tpu.memory_space<vmem>> -> memref<768xf32, #tpu.memory_space<vmem>>
      %dma_start3A_432 = arith.constant 0 : i32
      %dma_start3A_433 = tpu.memref_slice %arg6[%add3A_427, %dma_start3A_432] : memref<4096x768xf32, #tpu.memory_space<hbm>> -> memref<1x768xf32, #tpu.memory_space<hbm>>
      %dma_start3A_434 = tpu.memref_squeeze %dma_start3A_433 : memref<1x768xf32, #tpu.memory_space<hbm>> -> memref<768xf32, #tpu.memory_space<hbm>>
      %dma_start3A_435 = arith.constant 0 : i32
      %dma_start3A_436 = tpu.memref_slice %arg6[%add3A_427, %dma_start3A_435] : memref<4096x768xf32, #tpu.memory_space<hbm>> -> memref<1x768xf32, #tpu.memory_space<hbm>>
      %dma_start3A_437 = tpu.memref_squeeze %dma_start3A_436 : memref<1x768xf32, #tpu.memory_space<hbm>> -> memref<768xf32, #tpu.memory_space<hbm>>
      %dma_start3A_438 = arith.constant 0 : i32
      %dma_start3A_439 = tpu.memref_slice %arg11[%dma_start3A_428, %dma_start3A_438] : memref<2x768xf32, #tpu.memory_space<vmem>> -> memref<1x768xf32, #tpu.memory_space<vmem>>
      %dma_start3A_440 = tpu.memref_squeeze %dma_start3A_439 : memref<1x768xf32, #tpu.memory_space<vmem>> -> memref<768xf32, #tpu.memory_space<vmem>>
      tpu.enqueue_dma source(%dma_start3A_440 : memref<768xf32, #tpu.memory_space<vmem>>) target(%dma_start3A_437 : memref<768xf32, #tpu.memory_space<hbm>>) target_semaphore(%arg15 : memref<!tpu.dma_semaphore, #tpu.memory_space<semaphore_mem>>)
      %mul3A_441 = arith.constant 2 : i32
      %mul3A_442 = arith.muli %mul3A_441, %scan3A_91 : i32
      %add3A_443 = arith.constant 1 : i32
      %add3A_444 = arith.addi %mul3A_442, %add3A_443 : i32
      %add3A_445 = arith.constant 1 : i32
      %add3A_446 = arith.addi %add3A_444, %add3A_445 : i32
      %lt3A_447 = arith.constant 128 : i32
      %lt3A_448 = arith.cmpi slt, %add3A_446, %lt3A_447 : i32
      %convert_element_type3A_449 = arith.extui %lt3A_448 : i1 to i32
      %cond3A_450 = arith.constant 0 : i32
      %cond3A_451 = arith.cmpi ne, %convert_element_type3A_449, %cond3A_450 : i32
      scf.if %cond3A_451 {
        %add3A_798 = arith.constant 1 : i32
        %add3A_799 = arith.addi %add3A_444, %add3A_798 : i32
        %add3A_800 = arith.addi %mul3A_2, %add3A_799 : i32
        %run_scoped3A_801 = arith.constant 0 : i32
        "tpu.region"() ({
          %run_scoped3A_826 = tpu.sem_alloc : memref<!tpu.dma_semaphore, #tpu.memory_space<semaphore_mem>>
          %dma_start3A_827 = arith.constant 0 : i32
          %dma_start3A_828 = tpu.memref_slice %arg7[%run_scoped3A_801, %dma_start3A_827] : memref<2x64xi32, #tpu.memory_space<vmem>> -> memref<1x64xi32, #tpu.memory_space<vmem>>
          %dma_start3A_829 = tpu.memref_squeeze %dma_start3A_828 : memref<1x64xi32, #tpu.memory_space<vmem>> -> memref<64xi32, #tpu.memory_space<vmem>>
          %dma_start3A_830 = arith.constant 0 : i32
          %dma_start3A_831 = tpu.memref_slice %arg3[%add3A_800, %dma_start3A_830] : memref<4096x64xi32, #tpu.memory_space<hbm>> -> memref<1x64xi32, #tpu.memory_space<hbm>>
          %dma_start3A_832 = tpu.memref_squeeze %dma_start3A_831 : memref<1x64xi32, #tpu.memory_space<hbm>> -> memref<64xi32, #tpu.memory_space<hbm>>
          %dma_start3A_833 = arith.constant 0 : i32
          %dma_start3A_834 = tpu.memref_slice %arg7[%run_scoped3A_801, %dma_start3A_833] : memref<2x64xi32, #tpu.memory_space<vmem>> -> memref<1x64xi32, #tpu.memory_space<vmem>>
          %dma_start3A_835 = tpu.memref_squeeze %dma_start3A_834 : memref<1x64xi32, #tpu.memory_space<vmem>> -> memref<64xi32, #tpu.memory_space<vmem>>
          %dma_start3A_836 = arith.constant 0 : i32
          %dma_start3A_837 = tpu.memref_slice %arg3[%add3A_800, %dma_start3A_836] : memref<4096x64xi32, #tpu.memory_space<hbm>> -> memref<1x64xi32, #tpu.memory_space<hbm>>
          %dma_start3A_838 = tpu.memref_squeeze %dma_start3A_837 : memref<1x64xi32, #tpu.memory_space<hbm>> -> memref<64xi32, #tpu.memory_space<hbm>>
          tpu.enqueue_dma source(%dma_start3A_838 : memref<64xi32, #tpu.memory_space<hbm>>) target(%dma_start3A_835 : memref<64xi32, #tpu.memory_space<vmem>>) target_semaphore(%run_scoped3A_826 : memref<!tpu.dma_semaphore, #tpu.memory_space<semaphore_mem>>)
          %dma_wait3A_839 = arith.constant 0 : i32
          %dma_wait3A_840 = tpu.memref_slice %arg7[%run_scoped3A_801, %dma_wait3A_839] : memref<2x64xi32, #tpu.memory_space<vmem>> -> memref<1x64xi32, #tpu.memory_space<vmem>>
          %dma_wait3A_841 = tpu.memref_squeeze %dma_wait3A_840 : memref<1x64xi32, #tpu.memory_space<vmem>> -> memref<64xi32, #tpu.memory_space<vmem>>
          %dma_wait3A_842 = arith.constant 0 : i32
          %dma_wait3A_843 = tpu.memref_slice %arg3[%add3A_800, %dma_wait3A_842] : memref<4096x64xi32, #tpu.memory_space<hbm>> -> memref<1x64xi32, #tpu.memory_space<hbm>>
          %dma_wait3A_844 = tpu.memref_squeeze %dma_wait3A_843 : memref<1x64xi32, #tpu.memory_space<hbm>> -> memref<64xi32, #tpu.memory_space<hbm>>
          %dma_wait3A_845 = arith.constant 0 : i32
          %dma_wait3A_846 = tpu.memref_slice %arg7[%run_scoped3A_801, %dma_wait3A_845] : memref<2x64xi32, #tpu.memory_space<vmem>> -> memref<1x64xi32, #tpu.memory_space<vmem>>
          %dma_wait3A_847 = tpu.memref_squeeze %dma_wait3A_846 : memref<1x64xi32, #tpu.memory_space<vmem>> -> memref<64xi32, #tpu.memory_space<vmem>>
          %dma_wait3A_848 = arith.constant 0 : i32
          %dma_wait3A_849 = tpu.memref_slice %arg3[%add3A_800, %dma_wait3A_848] : memref<4096x64xi32, #tpu.memory_space<hbm>> -> memref<1x64xi32, #tpu.memory_space<hbm>>
          %dma_wait3A_850 = tpu.memref_squeeze %dma_wait3A_849 : memref<1x64xi32, #tpu.memory_space<hbm>> -> memref<64xi32, #tpu.memory_space<hbm>>
          tpu.wait_dma2 semaphore(%run_scoped3A_826 : memref<!tpu.dma_semaphore, #tpu.memory_space<semaphore_mem>>) src(%dma_wait3A_850 : memref<64xi32, #tpu.memory_space<hbm>>) dst(%dma_wait3A_847 : memref<64xi32, #tpu.memory_space<vmem>>)
          tpu.yield
        }) : () -> ()
        %add3A_802 = arith.addi %mul3A_2, %add3A_799 : i32
        %run_scoped3A_803 = arith.constant 0 : i32
        "tpu.region"() ({
          %run_scoped3A_826 = tpu.sem_alloc : memref<!tpu.dma_semaphore, #tpu.memory_space<semaphore_mem>>
          %dma_start3A_827 = arith.constant 0 : i32
          %dma_start3A_828 = tpu.memref_slice %arg9[%run_scoped3A_803, %dma_start3A_827] : memref<2x64xi32, #tpu.memory_space<vmem>> -> memref<1x64xi32, #tpu.memory_space<vmem>>
          %dma_start3A_829 = tpu.memref_squeeze %dma_start3A_828 : memref<1x64xi32, #tpu.memory_space<vmem>> -> memref<64xi32, #tpu.memory_space<vmem>>
          %dma_start3A_830 = arith.constant 0 : i32
          %dma_start3A_831 = tpu.memref_slice %arg4[%add3A_802, %dma_start3A_830] : memref<4096x64xi32, #tpu.memory_space<hbm>> -> memref<1x64xi32, #tpu.memory_space<hbm>>
          %dma_start3A_832 = tpu.memref_squeeze %dma_start3A_831 : memref<1x64xi32, #tpu.memory_space<hbm>> -> memref<64xi32, #tpu.memory_space<hbm>>
          %dma_start3A_833 = arith.constant 0 : i32
          %dma_start3A_834 = tpu.memref_slice %arg9[%run_scoped3A_803, %dma_start3A_833] : memref<2x64xi32, #tpu.memory_space<vmem>> -> memref<1x64xi32, #tpu.memory_space<vmem>>
          %dma_start3A_835 = tpu.memref_squeeze %dma_start3A_834 : memref<1x64xi32, #tpu.memory_space<vmem>> -> memref<64xi32, #tpu.memory_space<vmem>>
          %dma_start3A_836 = arith.constant 0 : i32
          %dma_start3A_837 = tpu.memref_slice %arg4[%add3A_802, %dma_start3A_836] : memref<4096x64xi32, #tpu.memory_space<hbm>> -> memref<1x64xi32, #tpu.memory_space<hbm>>
          %dma_start3A_838 = tpu.memref_squeeze %dma_start3A_837 : memref<1x64xi32, #tpu.memory_space<hbm>> -> memref<64xi32, #tpu.memory_space<hbm>>
          tpu.enqueue_dma source(%dma_start3A_838 : memref<64xi32, #tpu.memory_space<hbm>>) target(%dma_start3A_835 : memref<64xi32, #tpu.memory_space<vmem>>) target_semaphore(%run_scoped3A_826 : memref<!tpu.dma_semaphore, #tpu.memory_space<semaphore_mem>>)
          %dma_wait3A_839 = arith.constant 0 : i32
          %dma_wait3A_840 = tpu.memref_slice %arg9[%run_scoped3A_803, %dma_wait3A_839] : memref<2x64xi32, #tpu.memory_space<vmem>> -> memref<1x64xi32, #tpu.memory_space<vmem>>
          %dma_wait3A_841 = tpu.memref_squeeze %dma_wait3A_840 : memref<1x64xi32, #tpu.memory_space<vmem>> -> memref<64xi32, #tpu.memory_space<vmem>>
          %dma_wait3A_842 = arith.constant 0 : i32
          %dma_wait3A_843 = tpu.memref_slice %arg4[%add3A_802, %dma_wait3A_842] : memref<4096x64xi32, #tpu.memory_space<hbm>> -> memref<1x64xi32, #tpu.memory_space<hbm>>
          %dma_wait3A_844 = tpu.memref_squeeze %dma_wait3A_843 : memref<1x64xi32, #tpu.memory_space<hbm>> -> memref<64xi32, #tpu.memory_space<hbm>>
          %dma_wait3A_845 = arith.constant 0 : i32
          %dma_wait3A_846 = tpu.memref_slice %arg9[%run_scoped3A_803, %dma_wait3A_845] : memref<2x64xi32, #tpu.memory_space<vmem>> -> memref<1x64xi32, #tpu.memory_space<vmem>>
          %dma_wait3A_847 = tpu.memref_squeeze %dma_wait3A_846 : memref<1x64xi32, #tpu.memory_space<vmem>> -> memref<64xi32, #tpu.memory_space<vmem>>
          %dma_wait3A_848 = arith.constant 0 : i32
          %dma_wait3A_849 = tpu.memref_slice %arg4[%add3A_802, %dma_wait3A_848] : memref<4096x64xi32, #tpu.memory_space<hbm>> -> memref<1x64xi32, #tpu.memory_space<hbm>>
          %dma_wait3A_850 = tpu.memref_squeeze %dma_wait3A_849 : memref<1x64xi32, #tpu.memory_space<hbm>> -> memref<64xi32, #tpu.memory_space<hbm>>
          tpu.wait_dma2 semaphore(%run_scoped3A_826 : memref<!tpu.dma_semaphore, #tpu.memory_space<semaphore_mem>>) src(%dma_wait3A_850 : memref<64xi32, #tpu.memory_space<hbm>>) dst(%dma_wait3A_847 : memref<64xi32, #tpu.memory_space<vmem>>)
          tpu.yield
        }) : () -> ()
        %dma_start3A_804 = arith.constant 0 : i32
        %dma_start3A_805 = arith.constant 0 : i32
        %dma_start3A_806 = arith.constant 0 : i32
        %dma_start3A_807 = tpu.memref_slice %arg8[%dma_start3A_805, %dma_start3A_806] : memref<2x64xf32, #tpu.memory_space<vmem>> -> memref<1x56xf32, #tpu.memory_space<vmem>>
        %dma_start3A_808 = tpu.memref_squeeze %dma_start3A_807 : memref<1x56xf32, #tpu.memory_space<vmem>> -> memref<56xf32, #tpu.memory_space<vmem>>
        %dma_start3A_809 = arith.constant 0 : i32
        %dma_start3A_810 = tpu.memref_slice %arg7[%dma_start3A_804, %dma_start3A_809] : memref<2x64xi32, #tpu.memory_space<vmem>> -> memref<1x56xi32, #tpu.memory_space<vmem>>
        %dma_start3A_811 = tpu.memref_squeeze %dma_start3A_810 : memref<1x56xi32, #tpu.memory_space<vmem>> -> memref<56xi32, #tpu.memory_space<vmem>>
        %dma_start3A_812 = arith.constant 0 : i32
        %dma_start3A_813 = tpu.memref_slice %arg5[%dma_start3A_812] : memref<30522xf32, #tpu.memory_space<hbm>> -> memref<30522xf32, #tpu.memory_space<hbm>>
        tpu.enqueue_indirect_dma source(%dma_start3A_813 : memref<30522xf32, #tpu.memory_space<hbm>>) target(%dma_start3A_808 : memref<56xf32, #tpu.memory_space<vmem>>) offsets(%dma_start3A_811 : memref<56xi32, #tpu.memory_space<vmem>>) semaphore(%arg14 : memref<!tpu.dma_semaphore, #tpu.memory_space<semaphore_mem>>)
        %dma_start3A_814 = arith.constant 0 : i32
        %dma_start3A_815 = arith.constant 0 : i32
        %dma_start3A_816 = arith.constant 0 : i32
        %dma_start3A_817 = arith.constant 0 : i32
        %dma_start3A_818 = tpu.memref_slice %arg10[%dma_start3A_815, %dma_start3A_816, %dma_start3A_817] : memref<2x56x768xf32, #tpu.memory_space<vmem>> -> memref<1x56x768xf32, #tpu.memory_space<vmem>>
        %dma_start3A_819 = tpu.memref_squeeze %dma_start3A_818 : memref<1x56x768xf32, #tpu.memory_space<vmem>> -> memref<56x768xf32, #tpu.memory_space<vmem>>
        %dma_start3A_820 = arith.constant 0 : i32
        %dma_start3A_821 = tpu.memref_slice %arg7[%dma_start3A_814, %dma_start3A_820] : memref<2x64xi32, #tpu.memory_space<vmem>> -> memref<1x56xi32, #tpu.memory_space<vmem>>
        %dma_start3A_822 = tpu.memref_squeeze %dma_start3A_821 : memref<1x56xi32, #tpu.memory_space<vmem>> -> memref<56xi32, #tpu.memory_space<vmem>>
        %dma_start3A_823 = arith.constant 0 : i32
        %dma_start3A_824 = arith.constant 0 : i32
        %dma_start3A_825 = tpu.memref_slice %arg2[%dma_start3A_823, %dma_start3A_824] : memref<30522x768xf32, #tpu.memory_space<hbm>> -> memref<30522x768xf32, #tpu.memory_space<hbm>>
        tpu.enqueue_indirect_dma source(%dma_start3A_825 : memref<30522x768xf32, #tpu.memory_space<hbm>>) target(%dma_start3A_819 : memref<56x768xf32, #tpu.memory_space<vmem>>) offsets(%dma_start3A_822 : memref<56xi32, #tpu.memory_space<vmem>>) semaphore(%arg13 : memref<!tpu.dma_semaphore, #tpu.memory_space<semaphore_mem>>)
      } else {
      }
      %dma_wait3A_452 = arith.constant 1 : i32
      %dma_wait3A_453 = arith.constant 0 : i32
      %dma_wait3A_454 = tpu.memref_slice %arg8[%dma_wait3A_452, %dma_wait3A_453] : memref<2x64xf32, #tpu.memory_space<vmem>> -> memref<1x56xf32, #tpu.memory_space<vmem>>
      %dma_wait3A_455 = tpu.memref_squeeze %dma_wait3A_454 : memref<1x56xf32, #tpu.memory_space<vmem>> -> memref<56xf32, #tpu.memory_space<vmem>>
      %dma_wait3A_456 = arith.constant 0 : i32
      %dma_wait3A_457 = tpu.memref_slice %arg5[%dma_wait3A_456] : memref<30522xf32, #tpu.memory_space<hbm>> -> memref<56xf32, #tpu.memory_space<hbm>>
      %dma_wait3A_458 = arith.constant 0 : i32
      %dma_wait3A_459 = tpu.memref_slice %arg8[%dma_wait3A_452, %dma_wait3A_458] : memref<2x64xf32, #tpu.memory_space<vmem>> -> memref<1x56xf32, #tpu.memory_space<vmem>>
      %dma_wait3A_460 = tpu.memref_squeeze %dma_wait3A_459 : memref<1x56xf32, #tpu.memory_space<vmem>> -> memref<56xf32, #tpu.memory_space<vmem>>
      %dma_wait3A_461 = arith.constant 0 : i32
      %dma_wait3A_462 = tpu.memref_slice %arg5[%dma_wait3A_461] : memref<30522xf32, #tpu.memory_space<hbm>> -> memref<56xf32, #tpu.memory_space<hbm>>
      tpu.wait_dma2 semaphore(%arg14 : memref<!tpu.dma_semaphore, #tpu.memory_space<semaphore_mem>>) src(%dma_wait3A_462 : memref<56xf32, #tpu.memory_space<hbm>>) dst(%dma_wait3A_460 : memref<56xf32, #tpu.memory_space<vmem>>)
      %dma_wait3A_463 = arith.constant 1 : i32
      %dma_wait3A_464 = arith.constant 0 : i32
      %dma_wait3A_465 = arith.constant 0 : i32
      %dma_wait3A_466 = tpu.memref_slice %arg10[%dma_wait3A_463, %dma_wait3A_464, %dma_wait3A_465] : memref<2x56x768xf32, #tpu.memory_space<vmem>> -> memref<1x56x768xf32, #tpu.memory_space<vmem>>
      %dma_wait3A_467 = tpu.memref_squeeze %dma_wait3A_466 : memref<1x56x768xf32, #tpu.memory_space<vmem>> -> memref<56x768xf32, #tpu.memory_space<vmem>>
      %dma_wait3A_468 = arith.constant 0 : i32
      %dma_wait3A_469 = arith.constant 0 : i32
      %dma_wait3A_470 = tpu.memref_slice %arg2[%dma_wait3A_468, %dma_wait3A_469] : memref<30522x768xf32, #tpu.memory_space<hbm>> -> memref<56x768xf32, #tpu.memory_space<hbm>>
      %dma_wait3A_471 = arith.constant 0 : i32
      %dma_wait3A_472 = arith.constant 0 : i32
      %dma_wait3A_473 = tpu.memref_slice %arg10[%dma_wait3A_463, %dma_wait3A_471, %dma_wait3A_472] : memref<2x56x768xf32, #tpu.memory_space<vmem>> -> memref<1x56x768xf32, #tpu.memory_space<vmem>>
      %dma_wait3A_474 = tpu.memref_squeeze %dma_wait3A_473 : memref<1x56x768xf32, #tpu.memory_space<vmem>> -> memref<56x768xf32, #tpu.memory_space<vmem>>
      %dma_wait3A_475 = arith.constant 0 : i32
      %dma_wait3A_476 = arith.constant 0 : i32
      %dma_wait3A_477 = tpu.memref_slice %arg2[%dma_wait3A_475, %dma_wait3A_476] : memref<30522x768xf32, #tpu.memory_space<hbm>> -> memref<56x768xf32, #tpu.memory_space<hbm>>
      tpu.wait_dma2 semaphore(%arg13 : memref<!tpu.dma_semaphore, #tpu.memory_space<semaphore_mem>>) src(%dma_wait3A_477 : memref<56x768xf32, #tpu.memory_space<hbm>>) dst(%dma_wait3A_474 : memref<56x768xf32, #tpu.memory_space<vmem>>)
      %ge3A_478 = arith.constant 2 : i32
      %ge3A_479 = arith.cmpi sge, %add3A_444, %ge3A_478 : i32
      %convert_element_type3A_480 = arith.extui %ge3A_479 : i1 to i32
      %cond3A_481 = arith.constant 0 : i32
      %cond3A_482 = arith.cmpi ne, %convert_element_type3A_480, %cond3A_481 : i32
      scf.if %cond3A_482 {
        %dma_wait3A_798 = arith.constant 1 : i32
        %dma_wait3A_799 = arith.constant 0 : i32
        %dma_wait3A_800 = tpu.memref_slice %arg11[%dma_wait3A_798, %dma_wait3A_799] : memref<2x768xf32, #tpu.memory_space<vmem>> -> memref<1x768xf32, #tpu.memory_space<vmem>>
        %dma_wait3A_801 = tpu.memref_squeeze %dma_wait3A_800 : memref<1x768xf32, #tpu.memory_space<vmem>> -> memref<768xf32, #tpu.memory_space<vmem>>
        %dma_wait3A_802 = arith.constant 0 : i32
        %dma_wait3A_803 = tpu.memref_slice %arg6[%mul3A_2, %dma_wait3A_802] : memref<4096x768xf32, #tpu.memory_space<hbm>> -> memref<1x768xf32, #tpu.memory_space<hbm>>
        %dma_wait3A_804 = tpu.memref_squeeze %dma_wait3A_803 : memref<1x768xf32, #tpu.memory_space<hbm>> -> memref<768xf32, #tpu.memory_space<hbm>>
        %dma_wait3A_805 = arith.constant 0 : i32
        %dma_wait3A_806 = tpu.memref_slice %arg11[%dma_wait3A_798, %dma_wait3A_805] : memref<2x768xf32, #tpu.memory_space<vmem>> -> memref<1x768xf32, #tpu.memory_space<vmem>>
        %dma_wait3A_807 = tpu.memref_squeeze %dma_wait3A_806 : memref<1x768xf32, #tpu.memory_space<vmem>> -> memref<768xf32, #tpu.memory_space<vmem>>
        %dma_wait3A_808 = arith.constant 0 : i32
        %dma_wait3A_809 = tpu.memref_slice %arg6[%mul3A_2, %dma_wait3A_808] : memref<4096x768xf32, #tpu.memory_space<hbm>> -> memref<1x768xf32, #tpu.memory_space<hbm>>
        %dma_wait3A_810 = tpu.memref_squeeze %dma_wait3A_809 : memref<1x768xf32, #tpu.memory_space<hbm>> -> memref<768xf32, #tpu.memory_space<hbm>>
        tpu.wait_dma2 semaphore(%arg15 : memref<!tpu.dma_semaphore, #tpu.memory_space<semaphore_mem>>) src(%dma_wait3A_810 : memref<768xf32, #tpu.memory_space<hbm>>) dst(%dma_wait3A_807 : memref<768xf32, #tpu.memory_space<vmem>>)
      } else {
      }
      %broadcast_in_dim3A_483 = arith.constant 0.000000e+00 : f32
      %broadcast_in_dim3A_484 = vector.broadcast %broadcast_in_dim3A_483 : f32 to vector<16xf32>
      %get3A_485 = arith.constant 1 : i32
      %get3A_486 = arith.index_cast %get3A_485 : i32 to index
      %get3A_487 = arith.constant 0 : index
      %get3A_488 = tpu.vector_load %arg8[%get3A_486, %get3A_487] {strides = array<i32>} : memref<2x64xf32, #tpu.memory_space<vmem>>, vector<16xf32>,
      %get3A_489 = arith.constant 1 : i32
      %get3A_490 = arith.index_cast %get3A_489 : i32 to index
      %get3A_491 = arith.constant 0 : index
      %get3A_492 = tpu.vector_load %arg9[%get3A_490, %get3A_491] {strides = array<i32>} : memref<2x64xi32, #tpu.memory_space<vmem>>, vector<16xi32>,
      %convert_element_type3A_493 = arith.sitofp %get3A_492 : vector<16xi32> to vector<16xf32>
      %mul3A_494 = arith.mulf %get3A_488, %convert_element_type3A_493 : vector<16xf32>
      %add3A_495 = arith.addf %broadcast_in_dim3A_484, %mul3A_494 : vector<16xf32>
      %get3A_496 = arith.constant 1 : i32
      %get3A_497 = arith.index_cast %get3A_496 : i32 to index
      %get3A_498 = arith.constant 16 : index
      %get3A_499 = tpu.vector_load %arg8[%get3A_497, %get3A_498] {strides = array<i32>} : memref<2x64xf32, #tpu.memory_space<vmem>>, vector<16xf32>,
      %get3A_500 = arith.constant 1 : i32
      %get3A_501 = arith.index_cast %get3A_500 : i32 to index
      %get3A_502 = arith.constant 16 : index
      %get3A_503 = tpu.vector_load %arg9[%get3A_501, %get3A_502] {strides = array<i32>} : memref<2x64xi32, #tpu.memory_space<vmem>>, vector<16xi32>,
      %convert_element_type3A_504 = arith.sitofp %get3A_503 : vector<16xi32> to vector<16xf32>
      %mul3A_505 = arith.mulf %get3A_499, %convert_element_type3A_504 : vector<16xf32>
      %add3A_506 = arith.addf %add3A_495, %mul3A_505 : vector<16xf32>
      %get3A_507 = arith.constant 1 : i32
      %get3A_508 = arith.index_cast %get3A_507 : i32 to index
      %get3A_509 = arith.constant 32 : index
      %get3A_510 = tpu.vector_load %arg8[%get3A_508, %get3A_509] {strides = array<i32>} : memref<2x64xf32, #tpu.memory_space<vmem>>, vector<16xf32>,
      %get3A_511 = arith.constant 1 : i32
      %get3A_512 = arith.index_cast %get3A_511 : i32 to index
      %get3A_513 = arith.constant 32 : index
      %get3A_514 = tpu.vector_load %arg9[%get3A_512, %get3A_513] {strides = array<i32>} : memref<2x64xi32, #tpu.memory_space<vmem>>, vector<16xi32>,
      %convert_element_type3A_515 = arith.sitofp %get3A_514 : vector<16xi32> to vector<16xf32>
      %mul3A_516 = arith.mulf %get3A_510, %convert_element_type3A_515 : vector<16xf32>
      %add3A_517 = arith.addf %add3A_506, %mul3A_516 : vector<16xf32>
      %get3A_518 = arith.constant 1 : i32
      %get3A_519 = arith.index_cast %get3A_518 : i32 to index
      %get3A_520 = arith.constant 48 : index
      %get3A_521 = tpu.vector_load %arg8[%get3A_519, %get3A_520] {strides = array<i32>} : memref<2x64xf32, #tpu.memory_space<vmem>>, vector<16xf32>,
      %get3A_522 = arith.constant 1 : i32
      %get3A_523 = arith.index_cast %get3A_522 : i32 to index
      %get3A_524 = arith.constant 48 : index
      %get3A_525 = tpu.vector_load %arg9[%get3A_523, %get3A_524] {strides = array<i32>} : memref<2x64xi32, #tpu.memory_space<vmem>>, vector<16xi32>,
      %convert_element_type3A_526 = arith.sitofp %get3A_525 : vector<16xi32> to vector<16xf32>
      %mul3A_527 = arith.mulf %get3A_521, %convert_element_type3A_526 : vector<16xf32>
      %add3A_528 = arith.addf %add3A_517, %mul3A_527 : vector<16xf32>
      %swap3A_529 = arith.constant 0 : index
      %swap3A_530 = tpu.vector_load %arg12[%swap3A_529] {strides = array<i32>} : memref<16xf32, #tpu.memory_space<vmem>>, vector<16xf32>,
      tpu.vector_store %arg12[%swap3A_529], %add3A_528 {strides = array<i32>} : memref<16xf32, #tpu.memory_space<vmem>>, vector<16xf32>,
      %xor3A_531 = arith.constant 8 : i32
      %xor3A_532 = vector.broadcast %xor3A_531 : i32 to vector<16xi32>
      %xor3A_533 = arith.xori %iota3A, %xor3A_532 : vector<16xi32>
      %gather3A_534 = tpu.vector_load_idx %arg12[%xor3A_533] : memref<16xf32, #tpu.memory_space<vmem>>[vector<16xi32>], vector<16xf32>,
      %add3A_535 = arith.addf %add3A_528, %gather3A_534 : vector<16xf32>
      %swap3A_536 = arith.constant 0 : index
      %swap3A_537 = tpu.vector_load %arg12[%swap3A_536] {strides = array<i32>} : memref<16xf32, #tpu.memory_space<vmem>>, vector<16xf32>,
      tpu.vector_store %arg12[%swap3A_536], %add3A_535 {strides = array<i32>} : memref<16xf32, #tpu.memory_space<vmem>>, vector<16xf32>,
      %xor3A_538 = arith.constant 4 : i32
      %xor3A_539 = vector.broadcast %xor3A_538 : i32 to vector<16xi32>
      %xor3A_540 = arith.xori %iota3A, %xor3A_539 : vector<16xi32>
      %gather3A_541 = tpu.vector_load_idx %arg12[%xor3A_540] : memref<16xf32, #tpu.memory_space<vmem>>[vector<16xi32>], vector<16xf32>,
      %add3A_542 = arith.addf %add3A_535, %gather3A_541 : vector<16xf32>
      %swap3A_543 = arith.constant 0 : index
      %swap3A_544 = tpu.vector_load %arg12[%swap3A_543] {strides = array<i32>} : memref<16xf32, #tpu.memory_space<vmem>>, vector<16xf32>,
      tpu.vector_store %arg12[%swap3A_543], %add3A_542 {strides = array<i32>} : memref<16xf32, #tpu.memory_space<vmem>>, vector<16xf32>,
      %xor3A_545 = arith.constant 2 : i32
      %xor3A_546 = vector.broadcast %xor3A_545 : i32 to vector<16xi32>
      %xor3A_547 = arith.xori %iota3A, %xor3A_546 : vector<16xi32>
      %gather3A_548 = tpu.vector_load_idx %arg12[%xor3A_547] : memref<16xf32, #tpu.memory_space<vmem>>[vector<16xi32>], vector<16xf32>,
      %add3A_549 = arith.addf %add3A_542, %gather3A_548 : vector<16xf32>
      %swap3A_550 = arith.constant 0 : index
      %swap3A_551 = tpu.vector_load %arg12[%swap3A_550] {strides = array<i32>} : memref<16xf32, #tpu.memory_space<vmem>>, vector<16xf32>,
      tpu.vector_store %arg12[%swap3A_550], %add3A_549 {strides = array<i32>} : memref<16xf32, #tpu.memory_space<vmem>>, vector<16xf32>,
      %xor3A_552 = arith.constant 1 : i32
      %xor3A_553 = vector.broadcast %xor3A_552 : i32 to vector<16xi32>
      %xor3A_554 = arith.xori %iota3A, %xor3A_553 : vector<16xi32>
      %gather3A_555 = tpu.vector_load_idx %arg12[%xor3A_554] : memref<16xf32, #tpu.memory_space<vmem>>[vector<16xi32>], vector<16xf32>,
      %add3A_556 = arith.addf %add3A_549, %gather3A_555 : vector<16xf32>
      %div3A_557 = arith.constant 1.000000e+00 : f32
      %div3A_558 = vector.broadcast %div3A_557 : f32 to vector<16xf32>
      %div3A_559 = arith.divf %div3A_558, %add3A_556 : vector<16xf32>
      %mul3A_560 = arith.mulf %mul3A_494, %div3A_559 : vector<16xf32>
      %swap3A_561 = arith.constant 1 : i32
      %swap3A_562 = arith.index_cast %swap3A_561 : i32 to index
      %swap3A_563 = arith.constant 0 : index
      %swap3A_564 = tpu.vector_load %arg8[%swap3A_562, %swap3A_563] {strides = array<i32>} : memref<2x64xf32, #tpu.memory_space<vmem>>, vector<16xf32>,
      tpu.vector_store %arg8[%swap3A_562, %swap3A_563], %mul3A_560 {strides = array<i32>} : memref<2x64xf32, #tpu.memory_space<vmem>>, vector<16xf32>,
      %mul3A_565 = arith.mulf %mul3A_505, %div3A_559 : vector<16xf32>
      %swap3A_566 = arith.constant 1 : i32
      %swap3A_567 = arith.index_cast %swap3A_566 : i32 to index
      %swap3A_568 = arith.constant 16 : index
      %swap3A_569 = tpu.vector_load %arg8[%swap3A_567, %swap3A_568] {strides = array<i32>} : memref<2x64xf32, #tpu.memory_space<vmem>>, vector<16xf32>,
      tpu.vector_store %arg8[%swap3A_567, %swap3A_568], %mul3A_565 {strides = array<i32>} : memref<2x64xf32, #tpu.memory_space<vmem>>, vector<16xf32>,
      %mul3A_570 = arith.mulf %mul3A_516, %div3A_559 : vector<16xf32>
      %swap3A_571 = arith.constant 1 : i32
      %swap3A_572 = arith.index_cast %swap3A_571 : i32 to index
      %swap3A_573 = arith.constant 32 : index
      %swap3A_574 = tpu.vector_load %arg8[%swap3A_572, %swap3A_573] {strides = array<i32>} : memref<2x64xf32, #tpu.memory_space<vmem>>, vector<16xf32>,
      tpu.vector_store %arg8[%swap3A_572, %swap3A_573], %mul3A_570 {strides = array<i32>} : memref<2x64xf32, #tpu.memory_space<vmem>>, vector<16xf32>,
      %mul3A_575 = arith.mulf %mul3A_527, %div3A_559 : vector<16xf32>
      %swap3A_576 = arith.constant 1 : i32
      %swap3A_577 = arith.index_cast %swap3A_576 : i32 to index
      %swap3A_578 = arith.constant 48 : index
      %swap3A_579 = tpu.vector_load %arg8[%swap3A_577, %swap3A_578] {strides = array<i32>} : memref<2x64xf32, #tpu.memory_space<vmem>>, vector<16xf32>,
      tpu.vector_store %arg8[%swap3A_577, %swap3A_578], %mul3A_575 {strides = array<i32>} : memref<2x64xf32, #tpu.memory_space<vmem>>, vector<16xf32>,
      %scan3A_580 = arith.constant 0 : i32
      %scan3A_581 = arith.constant 50 : i32
      %scan3A_582 = arith.addi %scan3A_580, %scan3A_581 : i32
      %scan3A_583 = arith.constant 1 : i32
      %scan3A_584:24 = scf.for %scan3A_798 = %scan3A_580 to %scan3A_582 step %scan3A_583 iter_args(%scan3A_799 = %broadcast_in_dim3A_3, %scan3A_800 = %broadcast_in_dim3A_3, %scan3A_801 = %broadcast_in_dim3A_3, %scan3A_802 = %broadcast_in_dim3A_3, %scan3A_803 = %broadcast_in_dim3A_3, %scan3A_804 = %broadcast_in_dim3A_3, %scan3A_805 = %broadcast_in_dim3A_3, %scan3A_806 = %broadcast_in_dim3A_3, %scan3A_807 = %broadcast_in_dim3A_3, %scan3A_808 = %broadcast_in_dim3A_3, %scan3A_809 = %broadcast_in_dim3A_3, %scan3A_810 = %broadcast_in_dim3A_3, %scan3A_811 = %broadcast_in_dim3A_3, %scan3A_812 = %broadcast_in_dim3A_3, %scan3A_813 = %broadcast_in_dim3A_3, %scan3A_814 = %broadcast_in_dim3A_3, %scan3A_815 = %broadcast_in_dim3A_3, %scan3A_816 = %broadcast_in_dim3A_3, %scan3A_817 = %broadcast_in_dim3A_3, %scan3A_818 = %broadcast_in_dim3A_3, %scan3A_819 = %broadcast_in_dim3A_3, %scan3A_820 = %broadcast_in_dim3A_3, %scan3A_821 = %broadcast_in_dim3A_3, %scan3A_822 = %broadcast_in_dim3A_3) -> (vector<16xf32>, vector<16xf32>, vector<16xf32>, vector<16xf32>, vector<16xf32>, vector<16xf32>, vector<16xf32>, vector<16xf32>, vector<16xf32>, vector<16xf32>, vector<16xf32>, vector<16xf32>, vector<16xf32>, vector<16xf32>, vector<16xf32>, vector<16xf32>, vector<16xf32>, vector<16xf32>, vector<16xf32>, vector<16xf32>, vector<16xf32>, vector<16xf32>, vector<16xf32>, vector<16xf32>)  : i32 {
        %broadcast_in_dim3A_823 = arith.constant 1 : i32
        %broadcast_in_dim3A_824 = vector.broadcast %broadcast_in_dim3A_823 : i32 to vector<16xi32>
        %broadcast_in_dim3A_825 = vector.broadcast %scan3A_798 : i32 to vector<16xi32>
        %gather3A_826 = tpu.vector_load_idx %arg8[%broadcast_in_dim3A_824, %broadcast_in_dim3A_825] : memref<2x64xf32, #tpu.memory_space<vmem>>[vector<16xi32>, vector<16xi32>], vector<16xf32>,
        %get3A_827 = arith.constant 1 : i32
        %get3A_828 = arith.index_cast %get3A_827 : i32 to index
        %get3A_829 = arith.index_cast %scan3A_798 : i32 to index
        %get3A_830 = arith.constant 0 : index
        %get3A_831 = tpu.vector_load %arg10[%get3A_828, %get3A_829, %get3A_830] {strides = array<i32>} : memref<2x56x768xf32, #tpu.memory_space<vmem>>, vector<16xf32>,
        %mul3A_832 = arith.mulf %gather3A_826, %get3A_831 : vector<16xf32>
        %add3A_833 = arith.addf %scan3A_799, %mul3A_832 : vector<16xf32>
        %get3A_834 = arith.constant 1 : i32
        %get3A_835 = arith.index_cast %get3A_834 : i32 to index
        %get3A_836 = arith.index_cast %scan3A_798 : i32 to index
        %get3A_837 = arith.constant 16 : index
        %get3A_838 = tpu.vector_load %arg10[%get3A_835, %get3A_836, %get3A_837] {strides = array<i32>} : memref<2x56x768xf32, #tpu.memory_space<vmem>>, vector<16xf32>,
        %mul3A_839 = arith.mulf %gather3A_826, %get3A_838 : vector<16xf32>
        %add3A_840 = arith.addf %scan3A_800, %mul3A_839 : vector<16xf32>
        %get3A_841 = arith.constant 1 : i32
        %get3A_842 = arith.index_cast %get3A_841 : i32 to index
        %get3A_843 = arith.index_cast %scan3A_798 : i32 to index
        %get3A_844 = arith.constant 32 : index
        %get3A_845 = tpu.vector_load %arg10[%get3A_842, %get3A_843, %get3A_844] {strides = array<i32>} : memref<2x56x768xf32, #tpu.memory_space<vmem>>, vector<16xf32>,
        %mul3A_846 = arith.mulf %gather3A_826, %get3A_845 : vector<16xf32>
        %add3A_847 = arith.addf %scan3A_801, %mul3A_846 : vector<16xf32>
        %get3A_848 = arith.constant 1 : i32
        %get3A_849 = arith.index_cast %get3A_848 : i32 to index
        %get3A_850 = arith.index_cast %scan3A_798 : i32 to index
        %get3A_851 = arith.constant 48 : index
        %get3A_852 = tpu.vector_load %arg10[%get3A_849, %get3A_850, %get3A_851] {strides = array<i32>} : memref<2x56x768xf32, #tpu.memory_space<vmem>>, vector<16xf32>,
        %mul3A_853 = arith.mulf %gather3A_826, %get3A_852 : vector<16xf32>
        %add3A_854 = arith.addf %scan3A_802, %mul3A_853 : vector<16xf32>
        %get3A_855 = arith.constant 1 : i32
        %get3A_856 = arith.index_cast %get3A_855 : i32 to index
        %get3A_857 = arith.index_cast %scan3A_798 : i32 to index
        %get3A_858 = arith.constant 64 : index
        %get3A_859 = tpu.vector_load %arg10[%get3A_856, %get3A_857, %get3A_858] {strides = array<i32>} : memref<2x56x768xf32, #tpu.memory_space<vmem>>, vector<16xf32>,
        %mul3A_860 = arith.mulf %gather3A_826, %get3A_859 : vector<16xf32>
        %add3A_861 = arith.addf %scan3A_803, %mul3A_860 : vector<16xf32>
        %get3A_862 = arith.constant 1 : i32
        %get3A_863 = arith.index_cast %get3A_862 : i32 to index
        %get3A_864 = arith.index_cast %scan3A_798 : i32 to index
        %get3A_865 = arith.constant 80 : index
        %get3A_866 = tpu.vector_load %arg10[%get3A_863, %get3A_864, %get3A_865] {strides = array<i32>} : memref<2x56x768xf32, #tpu.memory_space<vmem>>, vector<16xf32>,
        %mul3A_867 = arith.mulf %gather3A_826, %get3A_866 : vector<16xf32>
        %add3A_868 = arith.addf %scan3A_804, %mul3A_867 : vector<16xf32>
        %get3A_869 = arith.constant 1 : i32
        %get3A_870 = arith.index_cast %get3A_869 : i32 to index
        %get3A_871 = arith.index_cast %scan3A_798 : i32 to index
        %get3A_872 = arith.constant 96 : index
        %get3A_873 = tpu.vector_load %arg10[%get3A_870, %get3A_871, %get3A_872] {strides = array<i32>} : memref<2x56x768xf32, #tpu.memory_space<vmem>>, vector<16xf32>,
        %mul3A_874 = arith.mulf %gather3A_826, %get3A_873 : vector<16xf32>
        %add3A_875 = arith.addf %scan3A_805, %mul3A_874 : vector<16xf32>
        %get3A_876 = arith.constant 1 : i32
        %get3A_877 = arith.index_cast %get3A_876 : i32 to index
        %get3A_878 = arith.index_cast %scan3A_798 : i32 to index
        %get3A_879 = arith.constant 112 : index
        %get3A_880 = tpu.vector_load %arg10[%get3A_877, %get3A_878, %get3A_879] {strides = array<i32>} : memref<2x56x768xf32, #tpu.memory_space<vmem>>, vector<16xf32>,
        %mul3A_881 = arith.mulf %gather3A_826, %get3A_880 : vector<16xf32>
        %add3A_882 = arith.addf %scan3A_806, %mul3A_881 : vector<16xf32>
        %get3A_883 = arith.constant 1 : i32
        %get3A_884 = arith.index_cast %get3A_883 : i32 to index
        %get3A_885 = arith.index_cast %scan3A_798 : i32 to index
        %get3A_886 = arith.constant 128 : index
        %get3A_887 = tpu.vector_load %arg10[%get3A_884, %get3A_885, %get3A_886] {strides = array<i32>} : memref<2x56x768xf32, #tpu.memory_space<vmem>>, vector<16xf32>,
        %mul3A_888 = arith.mulf %gather3A_826, %get3A_887 : vector<16xf32>
        %add3A_889 = arith.addf %scan3A_807, %mul3A_888 : vector<16xf32>
        %get3A_890 = arith.constant 1 : i32
        %get3A_891 = arith.index_cast %get3A_890 : i32 to index
        %get3A_892 = arith.index_cast %scan3A_798 : i32 to index
        %get3A_893 = arith.constant 144 : index
        %get3A_894 = tpu.vector_load %arg10[%get3A_891, %get3A_892, %get3A_893] {strides = array<i32>} : memref<2x56x768xf32, #tpu.memory_space<vmem>>, vector<16xf32>,
        %mul3A_895 = arith.mulf %gather3A_826, %get3A_894 : vector<16xf32>
        %add3A_896 = arith.addf %scan3A_808, %mul3A_895 : vector<16xf32>
        %get3A_897 = arith.constant 1 : i32
        %get3A_898 = arith.index_cast %get3A_897 : i32 to index
        %get3A_899 = arith.index_cast %scan3A_798 : i32 to index
        %get3A_900 = arith.constant 160 : index
        %get3A_901 = tpu.vector_load %arg10[%get3A_898, %get3A_899, %get3A_900] {strides = array<i32>} : memref<2x56x768xf32, #tpu.memory_space<vmem>>, vector<16xf32>,
        %mul3A_902 = arith.mulf %gather3A_826, %get3A_901 : vector<16xf32>
        %add3A_903 = arith.addf %scan3A_809, %mul3A_902 : vector<16xf32>
        %get3A_904 = arith.constant 1 : i32
        %get3A_905 = arith.index_cast %get3A_904 : i32 to index
        %get3A_906 = arith.index_cast %scan3A_798 : i32 to index
        %get3A_907 = arith.constant 176 : index
        %get3A_908 = tpu.vector_load %arg10[%get3A_905, %get3A_906, %get3A_907] {strides = array<i32>} : memref<2x56x768xf32, #tpu.memory_space<vmem>>, vector<16xf32>,
        %mul3A_909 = arith.mulf %gather3A_826, %get3A_908 : vector<16xf32>
        %add3A_910 = arith.addf %scan3A_810, %mul3A_909 : vector<16xf32>
        %get3A_911 = arith.constant 1 : i32
        %get3A_912 = arith.index_cast %get3A_911 : i32 to index
        %get3A_913 = arith.index_cast %scan3A_798 : i32 to index
        %get3A_914 = arith.constant 192 : index
        %get3A_915 = tpu.vector_load %arg10[%get3A_912, %get3A_913, %get3A_914] {strides = array<i32>} : memref<2x56x768xf32, #tpu.memory_space<vmem>>, vector<16xf32>,
        %mul3A_916 = arith.mulf %gather3A_826, %get3A_915 : vector<16xf32>
        %add3A_917 = arith.addf %scan3A_811, %mul3A_916 : vector<16xf32>
        %get3A_918 = arith.constant 1 : i32
        %get3A_919 = arith.index_cast %get3A_918 : i32 to index
        %get3A_920 = arith.index_cast %scan3A_798 : i32 to index
        %get3A_921 = arith.constant 208 : index
        %get3A_922 = tpu.vector_load %arg10[%get3A_919, %get3A_920, %get3A_921] {strides = array<i32>} : memref<2x56x768xf32, #tpu.memory_space<vmem>>, vector<16xf32>,
        %mul3A_923 = arith.mulf %gather3A_826, %get3A_922 : vector<16xf32>
        %add3A_924 = arith.addf %scan3A_812, %mul3A_923 : vector<16xf32>
        %get3A_925 = arith.constant 1 : i32
        %get3A_926 = arith.index_cast %get3A_925 : i32 to index
        %get3A_927 = arith.index_cast %scan3A_798 : i32 to index
        %get3A_928 = arith.constant 224 : index
        %get3A_929 = tpu.vector_load %arg10[%get3A_926, %get3A_927, %get3A_928] {strides = array<i32>} : memref<2x56x768xf32, #tpu.memory_space<vmem>>, vector<16xf32>,
        %mul3A_930 = arith.mulf %gather3A_826, %get3A_929 : vector<16xf32>
        %add3A_931 = arith.addf %scan3A_813, %mul3A_930 : vector<16xf32>
        %get3A_932 = arith.constant 1 : i32
        %get3A_933 = arith.index_cast %get3A_932 : i32 to index
        %get3A_934 = arith.index_cast %scan3A_798 : i32 to index
        %get3A_935 = arith.constant 240 : index
        %get3A_936 = tpu.vector_load %arg10[%get3A_933, %get3A_934, %get3A_935] {strides = array<i32>} : memref<2x56x768xf32, #tpu.memory_space<vmem>>, vector<16xf32>,
        %mul3A_937 = arith.mulf %gather3A_826, %get3A_936 : vector<16xf32>
        %add3A_938 = arith.addf %scan3A_814, %mul3A_937 : vector<16xf32>
        %get3A_939 = arith.constant 1 : i32
        %get3A_940 = arith.index_cast %get3A_939 : i32 to index
        %get3A_941 = arith.index_cast %scan3A_798 : i32 to index
        %get3A_942 = arith.constant 256 : index
        %get3A_943 = tpu.vector_load %arg10[%get3A_940, %get3A_941, %get3A_942] {strides = array<i32>} : memref<2x56x768xf32, #tpu.memory_space<vmem>>, vector<16xf32>,
        %mul3A_944 = arith.mulf %gather3A_826, %get3A_943 : vector<16xf32>
        %add3A_945 = arith.addf %scan3A_815, %mul3A_944 : vector<16xf32>
        %get3A_946 = arith.constant 1 : i32
        %get3A_947 = arith.index_cast %get3A_946 : i32 to index
        %get3A_948 = arith.index_cast %scan3A_798 : i32 to index
        %get3A_949 = arith.constant 272 : index
        %get3A_950 = tpu.vector_load %arg10[%get3A_947, %get3A_948, %get3A_949] {strides = array<i32>} : memref<2x56x768xf32, #tpu.memory_space<vmem>>, vector<16xf32>,
        %mul3A_951 = arith.mulf %gather3A_826, %get3A_950 : vector<16xf32>
        %add3A_952 = arith.addf %scan3A_816, %mul3A_951 : vector<16xf32>
        %get3A_953 = arith.constant 1 : i32
        %get3A_954 = arith.index_cast %get3A_953 : i32 to index
        %get3A_955 = arith.index_cast %scan3A_798 : i32 to index
        %get3A_956 = arith.constant 288 : index
        %get3A_957 = tpu.vector_load %arg10[%get3A_954, %get3A_955, %get3A_956] {strides = array<i32>} : memref<2x56x768xf32, #tpu.memory_space<vmem>>, vector<16xf32>,
        %mul3A_958 = arith.mulf %gather3A_826, %get3A_957 : vector<16xf32>
        %add3A_959 = arith.addf %scan3A_817, %mul3A_958 : vector<16xf32>
        %get3A_960 = arith.constant 1 : i32
        %get3A_961 = arith.index_cast %get3A_960 : i32 to index
        %get3A_962 = arith.index_cast %scan3A_798 : i32 to index
        %get3A_963 = arith.constant 304 : index
        %get3A_964 = tpu.vector_load %arg10[%get3A_961, %get3A_962, %get3A_963] {strides = array<i32>} : memref<2x56x768xf32, #tpu.memory_space<vmem>>, vector<16xf32>,
        %mul3A_965 = arith.mulf %gather3A_826, %get3A_964 : vector<16xf32>
        %add3A_966 = arith.addf %scan3A_818, %mul3A_965 : vector<16xf32>
        %get3A_967 = arith.constant 1 : i32
        %get3A_968 = arith.index_cast %get3A_967 : i32 to index
        %get3A_969 = arith.index_cast %scan3A_798 : i32 to index
        %get3A_970 = arith.constant 320 : index
        %get3A_971 = tpu.vector_load %arg10[%get3A_968, %get3A_969, %get3A_970] {strides = array<i32>} : memref<2x56x768xf32, #tpu.memory_space<vmem>>, vector<16xf32>,
        %mul3A_972 = arith.mulf %gather3A_826, %get3A_971 : vector<16xf32>
        %add3A_973 = arith.addf %scan3A_819, %mul3A_972 : vector<16xf32>
        %get3A_974 = arith.constant 1 : i32
        %get3A_975 = arith.index_cast %get3A_974 : i32 to index
        %get3A_976 = arith.index_cast %scan3A_798 : i32 to index
        %get3A_977 = arith.constant 336 : index
        %get3A_978 = tpu.vector_load %arg10[%get3A_975, %get3A_976, %get3A_977] {strides = array<i32>} : memref<2x56x768xf32, #tpu.memory_space<vmem>>, vector<16xf32>,
        %mul3A_979 = arith.mulf %gather3A_826, %get3A_978 : vector<16xf32>
        %add3A_980 = arith.addf %scan3A_820, %mul3A_979 : vector<16xf32>
        %get3A_981 = arith.constant 1 : i32
        %get3A_982 = arith.index_cast %get3A_981 : i32 to index
        %get3A_983 = arith.index_cast %scan3A_798 : i32 to index
        %get3A_984 = arith.constant 352 : index
        %get3A_985 = tpu.vector_load %arg10[%get3A_982, %get3A_983, %get3A_984] {strides = array<i32>} : memref<2x56x768xf32, #tpu.memory_space<vmem>>, vector<16xf32>,
        %mul3A_986 = arith.mulf %gather3A_826, %get3A_985 : vector<16xf32>
        %add3A_987 = arith.addf %scan3A_821, %mul3A_986 : vector<16xf32>
        %get3A_988 = arith.constant 1 : i32
        %get3A_989 = arith.index_cast %get3A_988 : i32 to index
        %get3A_990 = arith.index_cast %scan3A_798 : i32 to index
        %get3A_991 = arith.constant 368 : index
        %get3A_992 = tpu.vector_load %arg10[%get3A_989, %get3A_990, %get3A_991] {strides = array<i32>} : memref<2x56x768xf32, #tpu.memory_space<vmem>>, vector<16xf32>,
        %mul3A_993 = arith.mulf %gather3A_826, %get3A_992 : vector<16xf32>
        %add3A_994 = arith.addf %scan3A_822, %mul3A_993 : vector<16xf32>
        scf.yield %add3A_833, %add3A_840, %add3A_847, %add3A_854, %add3A_861, %add3A_868, %add3A_875, %add3A_882, %add3A_889, %add3A_896, %add3A_903, %add3A_910, %add3A_917, %add3A_924, %add3A_931, %add3A_938, %add3A_945, %add3A_952, %add3A_959, %add3A_966, %add3A_973, %add3A_980, %add3A_987, %add3A_994 : vector<16xf32>, vector<16xf32>, vector<16xf32>, vector<16xf32>, vector<16xf32>, vector<16xf32>, vector<16xf32>, vector<16xf32>, vector<16xf32>, vector<16xf32>, vector<16xf32>, vector<16xf32>, vector<16xf32>, vector<16xf32>, vector<16xf32>, vector<16xf32>, vector<16xf32>, vector<16xf32>, vector<16xf32>, vector<16xf32>, vector<16xf32>, vector<16xf32>, vector<16xf32>, vector<16xf32>
      }
      %scan3A_585 = arith.constant 50 : i32
      %swap3A_586 = arith.constant 1 : i32
      %swap3A_587 = arith.index_cast %swap3A_586 : i32 to index
      %swap3A_588 = arith.constant 0 : index
      %swap3A_589 = tpu.vector_load %arg11[%swap3A_587, %swap3A_588] {strides = array<i32>} : memref<2x768xf32, #tpu.memory_space<vmem>>, vector<16xf32>,
      tpu.vector_store %arg11[%swap3A_587, %swap3A_588], %scan3A_584#0 {strides = array<i32>} : memref<2x768xf32, #tpu.memory_space<vmem>>, vector<16xf32>,
      %swap3A_590 = arith.constant 1 : i32
      %swap3A_591 = arith.index_cast %swap3A_590 : i32 to index
      %swap3A_592 = arith.constant 16 : index
      %swap3A_593 = tpu.vector_load %arg11[%swap3A_591, %swap3A_592] {strides = array<i32>} : memref<2x768xf32, #tpu.memory_space<vmem>>, vector<16xf32>,
      tpu.vector_store %arg11[%swap3A_591, %swap3A_592], %scan3A_584#1 {strides = array<i32>} : memref<2x768xf32, #tpu.memory_space<vmem>>, vector<16xf32>,
      %swap3A_594 = arith.constant 1 : i32
      %swap3A_595 = arith.index_cast %swap3A_594 : i32 to index
      %swap3A_596 = arith.constant 32 : index
      %swap3A_597 = tpu.vector_load %arg11[%swap3A_595, %swap3A_596] {strides = array<i32>} : memref<2x768xf32, #tpu.memory_space<vmem>>, vector<16xf32>,
      tpu.vector_store %arg11[%swap3A_595, %swap3A_596], %scan3A_584#2 {strides = array<i32>} : memref<2x768xf32, #tpu.memory_space<vmem>>, vector<16xf32>,
      %swap3A_598 = arith.constant 1 : i32
      %swap3A_599 = arith.index_cast %swap3A_598 : i32 to index
      %swap3A_600 = arith.constant 48 : index
      %swap3A_601 = tpu.vector_load %arg11[%swap3A_599, %swap3A_600] {strides = array<i32>} : memref<2x768xf32, #tpu.memory_space<vmem>>, vector<16xf32>,
      tpu.vector_store %arg11[%swap3A_599, %swap3A_600], %scan3A_584#3 {strides = array<i32>} : memref<2x768xf32, #tpu.memory_space<vmem>>, vector<16xf32>,
      %swap3A_602 = arith.constant 1 : i32
      %swap3A_603 = arith.index_cast %swap3A_602 : i32 to index
      %swap3A_604 = arith.constant 64 : index
      %swap3A_605 = tpu.vector_load %arg11[%swap3A_603, %swap3A_604] {strides = array<i32>} : memref<2x768xf32, #tpu.memory_space<vmem>>, vector<16xf32>,
      tpu.vector_store %arg11[%swap3A_603, %swap3A_604], %scan3A_584#4 {strides = array<i32>} : memref<2x768xf32, #tpu.memory_space<vmem>>, vector<16xf32>,
      %swap3A_606 = arith.constant 1 : i32
      %swap3A_607 = arith.index_cast %swap3A_606 : i32 to index
      %swap3A_608 = arith.constant 80 : index
      %swap3A_609 = tpu.vector_load %arg11[%swap3A_607, %swap3A_608] {strides = array<i32>} : memref<2x768xf32, #tpu.memory_space<vmem>>, vector<16xf32>,
      tpu.vector_store %arg11[%swap3A_607, %swap3A_608], %scan3A_584#5 {strides = array<i32>} : memref<2x768xf32, #tpu.memory_space<vmem>>, vector<16xf32>,
      %swap3A_610 = arith.constant 1 : i32
      %swap3A_611 = arith.index_cast %swap3A_610 : i32 to index
      %swap3A_612 = arith.constant 96 : index
      %swap3A_613 = tpu.vector_load %arg11[%swap3A_611, %swap3A_612] {strides = array<i32>} : memref<2x768xf32, #tpu.memory_space<vmem>>, vector<16xf32>,
      tpu.vector_store %arg11[%swap3A_611, %swap3A_612], %scan3A_584#6 {strides = array<i32>} : memref<2x768xf32, #tpu.memory_space<vmem>>, vector<16xf32>,
      %swap3A_614 = arith.constant 1 : i32
      %swap3A_615 = arith.index_cast %swap3A_614 : i32 to index
      %swap3A_616 = arith.constant 112 : index
      %swap3A_617 = tpu.vector_load %arg11[%swap3A_615, %swap3A_616] {strides = array<i32>} : memref<2x768xf32, #tpu.memory_space<vmem>>, vector<16xf32>,
      tpu.vector_store %arg11[%swap3A_615, %swap3A_616], %scan3A_584#7 {strides = array<i32>} : memref<2x768xf32, #tpu.memory_space<vmem>>, vector<16xf32>,
      %swap3A_618 = arith.constant 1 : i32
      %swap3A_619 = arith.index_cast %swap3A_618 : i32 to index
      %swap3A_620 = arith.constant 128 : index
      %swap3A_621 = tpu.vector_load %arg11[%swap3A_619, %swap3A_620] {strides = array<i32>} : memref<2x768xf32, #tpu.memory_space<vmem>>, vector<16xf32>,
      tpu.vector_store %arg11[%swap3A_619, %swap3A_620], %scan3A_584#8 {strides = array<i32>} : memref<2x768xf32, #tpu.memory_space<vmem>>, vector<16xf32>,
      %swap3A_622 = arith.constant 1 : i32
      %swap3A_623 = arith.index_cast %swap3A_622 : i32 to index
      %swap3A_624 = arith.constant 144 : index
      %swap3A_625 = tpu.vector_load %arg11[%swap3A_623, %swap3A_624] {strides = array<i32>} : memref<2x768xf32, #tpu.memory_space<vmem>>, vector<16xf32>,
      tpu.vector_store %arg11[%swap3A_623, %swap3A_624], %scan3A_584#9 {strides = array<i32>} : memref<2x768xf32, #tpu.memory_space<vmem>>, vector<16xf32>,
      %swap3A_626 = arith.constant 1 : i32
      %swap3A_627 = arith.index_cast %swap3A_626 : i32 to index
      %swap3A_628 = arith.constant 160 : index
      %swap3A_629 = tpu.vector_load %arg11[%swap3A_627, %swap3A_628] {strides = array<i32>} : memref<2x768xf32, #tpu.memory_space<vmem>>, vector<16xf32>,
      tpu.vector_store %arg11[%swap3A_627, %swap3A_628], %scan3A_584#10 {strides = array<i32>} : memref<2x768xf32, #tpu.memory_space<vmem>>, vector<16xf32>,
      %swap3A_630 = arith.constant 1 : i32
      %swap3A_631 = arith.index_cast %swap3A_630 : i32 to index
      %swap3A_632 = arith.constant 176 : index
      %swap3A_633 = tpu.vector_load %arg11[%swap3A_631, %swap3A_632] {strides = array<i32>} : memref<2x768xf32, #tpu.memory_space<vmem>>, vector<16xf32>,
      tpu.vector_store %arg11[%swap3A_631, %swap3A_632], %scan3A_584#11 {strides = array<i32>} : memref<2x768xf32, #tpu.memory_space<vmem>>, vector<16xf32>,
      %swap3A_634 = arith.constant 1 : i32
      %swap3A_635 = arith.index_cast %swap3A_634 : i32 to index
      %swap3A_636 = arith.constant 192 : index
      %swap3A_637 = tpu.vector_load %arg11[%swap3A_635, %swap3A_636] {strides = array<i32>} : memref<2x768xf32, #tpu.memory_space<vmem>>, vector<16xf32>,
      tpu.vector_store %arg11[%swap3A_635, %swap3A_636], %scan3A_584#12 {strides = array<i32>} : memref<2x768xf32, #tpu.memory_space<vmem>>, vector<16xf32>,
      %swap3A_638 = arith.constant 1 : i32
      %swap3A_639 = arith.index_cast %swap3A_638 : i32 to index
      %swap3A_640 = arith.constant 208 : index
      %swap3A_641 = tpu.vector_load %arg11[%swap3A_639, %swap3A_640] {strides = array<i32>} : memref<2x768xf32, #tpu.memory_space<vmem>>, vector<16xf32>,
      tpu.vector_store %arg11[%swap3A_639, %swap3A_640], %scan3A_584#13 {strides = array<i32>} : memref<2x768xf32, #tpu.memory_space<vmem>>, vector<16xf32>,
      %swap3A_642 = arith.constant 1 : i32
      %swap3A_643 = arith.index_cast %swap3A_642 : i32 to index
      %swap3A_644 = arith.constant 224 : index
      %swap3A_645 = tpu.vector_load %arg11[%swap3A_643, %swap3A_644] {strides = array<i32>} : memref<2x768xf32, #tpu.memory_space<vmem>>, vector<16xf32>,
      tpu.vector_store %arg11[%swap3A_643, %swap3A_644], %scan3A_584#14 {strides = array<i32>} : memref<2x768xf32, #tpu.memory_space<vmem>>, vector<16xf32>,
      %swap3A_646 = arith.constant 1 : i32
      %swap3A_647 = arith.index_cast %swap3A_646 : i32 to index
      %swap3A_648 = arith.constant 240 : index
      %swap3A_649 = tpu.vector_load %arg11[%swap3A_647, %swap3A_648] {strides = array<i32>} : memref<2x768xf32, #tpu.memory_space<vmem>>, vector<16xf32>,
      tpu.vector_store %arg11[%swap3A_647, %swap3A_648], %scan3A_584#15 {strides = array<i32>} : memref<2x768xf32, #tpu.memory_space<vmem>>, vector<16xf32>,
      %swap3A_650 = arith.constant 1 : i32
      %swap3A_651 = arith.index_cast %swap3A_650 : i32 to index
      %swap3A_652 = arith.constant 256 : index
      %swap3A_653 = tpu.vector_load %arg11[%swap3A_651, %swap3A_652] {strides = array<i32>} : memref<2x768xf32, #tpu.memory_space<vmem>>, vector<16xf32>,
      tpu.vector_store %arg11[%swap3A_651, %swap3A_652], %scan3A_584#16 {strides = array<i32>} : memref<2x768xf32, #tpu.memory_space<vmem>>, vector<16xf32>,
      %swap3A_654 = arith.constant 1 : i32
      %swap3A_655 = arith.index_cast %swap3A_654 : i32 to index
      %swap3A_656 = arith.constant 272 : index
      %swap3A_657 = tpu.vector_load %arg11[%swap3A_655, %swap3A_656] {strides = array<i32>} : memref<2x768xf32, #tpu.memory_space<vmem>>, vector<16xf32>,
      tpu.vector_store %arg11[%swap3A_655, %swap3A_656], %scan3A_584#17 {strides = array<i32>} : memref<2x768xf32, #tpu.memory_space<vmem>>, vector<16xf32>,
      %swap3A_658 = arith.constant 1 : i32
      %swap3A_659 = arith.index_cast %swap3A_658 : i32 to index
      %swap3A_660 = arith.constant 288 : index
      %swap3A_661 = tpu.vector_load %arg11[%swap3A_659, %swap3A_660] {strides = array<i32>} : memref<2x768xf32, #tpu.memory_space<vmem>>, vector<16xf32>,
      tpu.vector_store %arg11[%swap3A_659, %swap3A_660], %scan3A_584#18 {strides = array<i32>} : memref<2x768xf32, #tpu.memory_space<vmem>>, vector<16xf32>,
      %swap3A_662 = arith.constant 1 : i32
      %swap3A_663 = arith.index_cast %swap3A_662 : i32 to index
      %swap3A_664 = arith.constant 304 : index
      %swap3A_665 = tpu.vector_load %arg11[%swap3A_663, %swap3A_664] {strides = array<i32>} : memref<2x768xf32, #tpu.memory_space<vmem>>, vector<16xf32>,
      tpu.vector_store %arg11[%swap3A_663, %swap3A_664], %scan3A_584#19 {strides = array<i32>} : memref<2x768xf32, #tpu.memory_space<vmem>>, vector<16xf32>,
      %swap3A_666 = arith.constant 1 : i32
      %swap3A_667 = arith.index_cast %swap3A_666 : i32 to index
      %swap3A_668 = arith.constant 320 : index
      %swap3A_669 = tpu.vector_load %arg11[%swap3A_667, %swap3A_668] {strides = array<i32>} : memref<2x768xf32, #tpu.memory_space<vmem>>, vector<16xf32>,
      tpu.vector_store %arg11[%swap3A_667, %swap3A_668], %scan3A_584#20 {strides = array<i32>} : memref<2x768xf32, #tpu.memory_space<vmem>>, vector<16xf32>,
      %swap3A_670 = arith.constant 1 : i32
      %swap3A_671 = arith.index_cast %swap3A_670 : i32 to index
      %swap3A_672 = arith.constant 336 : index
      %swap3A_673 = tpu.vector_load %arg11[%swap3A_671, %swap3A_672] {strides = array<i32>} : memref<2x768xf32, #tpu.memory_space<vmem>>, vector<16xf32>,
      tpu.vector_store %arg11[%swap3A_671, %swap3A_672], %scan3A_584#21 {strides = array<i32>} : memref<2x768xf32, #tpu.memory_space<vmem>>, vector<16xf32>,
      %swap3A_674 = arith.constant 1 : i32
      %swap3A_675 = arith.index_cast %swap3A_674 : i32 to index
      %swap3A_676 = arith.constant 352 : index
      %swap3A_677 = tpu.vector_load %arg11[%swap3A_675, %swap3A_676] {strides = array<i32>} : memref<2x768xf32, #tpu.memory_space<vmem>>, vector<16xf32>,
      tpu.vector_store %arg11[%swap3A_675, %swap3A_676], %scan3A_584#22 {strides = array<i32>} : memref<2x768xf32, #tpu.memory_space<vmem>>, vector<16xf32>,
      %swap3A_678 = arith.constant 1 : i32
      %swap3A_679 = arith.index_cast %swap3A_678 : i32 to index
      %swap3A_680 = arith.constant 368 : index
      %swap3A_681 = tpu.vector_load %arg11[%swap3A_679, %swap3A_680] {strides = array<i32>} : memref<2x768xf32, #tpu.memory_space<vmem>>, vector<16xf32>,
      tpu.vector_store %arg11[%swap3A_679, %swap3A_680], %scan3A_584#23 {strides = array<i32>} : memref<2x768xf32, #tpu.memory_space<vmem>>, vector<16xf32>,
      %scan3A_682 = arith.constant 0 : i32
      %scan3A_683 = arith.constant 50 : i32
      %scan3A_684 = arith.addi %scan3A_682, %scan3A_683 : i32
      %scan3A_685 = arith.constant 1 : i32
      %scan3A_686:24 = scf.for %scan3A_798 = %scan3A_682 to %scan3A_684 step %scan3A_685 iter_args(%scan3A_799 = %broadcast_in_dim3A_3, %scan3A_800 = %broadcast_in_dim3A_3, %scan3A_801 = %broadcast_in_dim3A_3, %scan3A_802 = %broadcast_in_dim3A_3, %scan3A_803 = %broadcast_in_dim3A_3, %scan3A_804 = %broadcast_in_dim3A_3, %scan3A_805 = %broadcast_in_dim3A_3, %scan3A_806 = %broadcast_in_dim3A_3, %scan3A_807 = %broadcast_in_dim3A_3, %scan3A_808 = %broadcast_in_dim3A_3, %scan3A_809 = %broadcast_in_dim3A_3, %scan3A_810 = %broadcast_in_dim3A_3, %scan3A_811 = %broadcast_in_dim3A_3, %scan3A_812 = %broadcast_in_dim3A_3, %scan3A_813 = %broadcast_in_dim3A_3, %scan3A_814 = %broadcast_in_dim3A_3, %scan3A_815 = %broadcast_in_dim3A_3, %scan3A_816 = %broadcast_in_dim3A_3, %scan3A_817 = %broadcast_in_dim3A_3, %scan3A_818 = %broadcast_in_dim3A_3, %scan3A_819 = %broadcast_in_dim3A_3, %scan3A_820 = %broadcast_in_dim3A_3, %scan3A_821 = %broadcast_in_dim3A_3, %scan3A_822 = %broadcast_in_dim3A_3) -> (vector<16xf32>, vector<16xf32>, vector<16xf32>, vector<16xf32>, vector<16xf32>, vector<16xf32>, vector<16xf32>, vector<16xf32>, vector<16xf32>, vector<16xf32>, vector<16xf32>, vector<16xf32>, vector<16xf32>, vector<16xf32>, vector<16xf32>, vector<16xf32>, vector<16xf32>, vector<16xf32>, vector<16xf32>, vector<16xf32>, vector<16xf32>, vector<16xf32>, vector<16xf32>, vector<16xf32>)  : i32 {
        %broadcast_in_dim3A_823 = arith.constant 1 : i32
        %broadcast_in_dim3A_824 = vector.broadcast %broadcast_in_dim3A_823 : i32 to vector<16xi32>
        %broadcast_in_dim3A_825 = vector.broadcast %scan3A_798 : i32 to vector<16xi32>
        %gather3A_826 = tpu.vector_load_idx %arg8[%broadcast_in_dim3A_824, %broadcast_in_dim3A_825] : memref<2x64xf32, #tpu.memory_space<vmem>>[vector<16xi32>, vector<16xi32>], vector<16xf32>,
        %get3A_827 = arith.constant 1 : i32
        %get3A_828 = arith.index_cast %get3A_827 : i32 to index
        %get3A_829 = arith.index_cast %scan3A_798 : i32 to index
        %get3A_830 = arith.constant 384 : index
        %get3A_831 = tpu.vector_load %arg10[%get3A_828, %get3A_829, %get3A_830] {strides = array<i32>} : memref<2x56x768xf32, #tpu.memory_space<vmem>>, vector<16xf32>,
        %mul3A_832 = arith.mulf %gather3A_826, %get3A_831 : vector<16xf32>
        %add3A_833 = arith.addf %scan3A_799, %mul3A_832 : vector<16xf32>
        %get3A_834 = arith.constant 1 : i32
        %get3A_835 = arith.index_cast %get3A_834 : i32 to index
        %get3A_836 = arith.index_cast %scan3A_798 : i32 to index
        %get3A_837 = arith.constant 400 : index
        %get3A_838 = tpu.vector_load %arg10[%get3A_835, %get3A_836, %get3A_837] {strides = array<i32>} : memref<2x56x768xf32, #tpu.memory_space<vmem>>, vector<16xf32>,
        %mul3A_839 = arith.mulf %gather3A_826, %get3A_838 : vector<16xf32>
        %add3A_840 = arith.addf %scan3A_800, %mul3A_839 : vector<16xf32>
        %get3A_841 = arith.constant 1 : i32
        %get3A_842 = arith.index_cast %get3A_841 : i32 to index
        %get3A_843 = arith.index_cast %scan3A_798 : i32 to index
        %get3A_844 = arith.constant 416 : index
        %get3A_845 = tpu.vector_load %arg10[%get3A_842, %get3A_843, %get3A_844] {strides = array<i32>} : memref<2x56x768xf32, #tpu.memory_space<vmem>>, vector<16xf32>,
        %mul3A_846 = arith.mulf %gather3A_826, %get3A_845 : vector<16xf32>
        %add3A_847 = arith.addf %scan3A_801, %mul3A_846 : vector<16xf32>
        %get3A_848 = arith.constant 1 : i32
        %get3A_849 = arith.index_cast %get3A_848 : i32 to index
        %get3A_850 = arith.index_cast %scan3A_798 : i32 to index
        %get3A_851 = arith.constant 432 : index
        %get3A_852 = tpu.vector_load %arg10[%get3A_849, %get3A_850, %get3A_851] {strides = array<i32>} : memref<2x56x768xf32, #tpu.memory_space<vmem>>, vector<16xf32>,
        %mul3A_853 = arith.mulf %gather3A_826, %get3A_852 : vector<16xf32>
        %add3A_854 = arith.addf %scan3A_802, %mul3A_853 : vector<16xf32>
        %get3A_855 = arith.constant 1 : i32
        %get3A_856 = arith.index_cast %get3A_855 : i32 to index
        %get3A_857 = arith.index_cast %scan3A_798 : i32 to index
        %get3A_858 = arith.constant 448 : index
        %get3A_859 = tpu.vector_load %arg10[%get3A_856, %get3A_857, %get3A_858] {strides = array<i32>} : memref<2x56x768xf32, #tpu.memory_space<vmem>>, vector<16xf32>,
        %mul3A_860 = arith.mulf %gather3A_826, %get3A_859 : vector<16xf32>
        %add3A_861 = arith.addf %scan3A_803, %mul3A_860 : vector<16xf32>
        %get3A_862 = arith.constant 1 : i32
        %get3A_863 = arith.index_cast %get3A_862 : i32 to index
        %get3A_864 = arith.index_cast %scan3A_798 : i32 to index
        %get3A_865 = arith.constant 464 : index
        %get3A_866 = tpu.vector_load %arg10[%get3A_863, %get3A_864, %get3A_865] {strides = array<i32>} : memref<2x56x768xf32, #tpu.memory_space<vmem>>, vector<16xf32>,
        %mul3A_867 = arith.mulf %gather3A_826, %get3A_866 : vector<16xf32>
        %add3A_868 = arith.addf %scan3A_804, %mul3A_867 : vector<16xf32>
        %get3A_869 = arith.constant 1 : i32
        %get3A_870 = arith.index_cast %get3A_869 : i32 to index
        %get3A_871 = arith.index_cast %scan3A_798 : i32 to index
        %get3A_872 = arith.constant 480 : index
        %get3A_873 = tpu.vector_load %arg10[%get3A_870, %get3A_871, %get3A_872] {strides = array<i32>} : memref<2x56x768xf32, #tpu.memory_space<vmem>>, vector<16xf32>,
        %mul3A_874 = arith.mulf %gather3A_826, %get3A_873 : vector<16xf32>
        %add3A_875 = arith.addf %scan3A_805, %mul3A_874 : vector<16xf32>
        %get3A_876 = arith.constant 1 : i32
        %get3A_877 = arith.index_cast %get3A_876 : i32 to index
        %get3A_878 = arith.index_cast %scan3A_798 : i32 to index
        %get3A_879 = arith.constant 496 : index
        %get3A_880 = tpu.vector_load %arg10[%get3A_877, %get3A_878, %get3A_879] {strides = array<i32>} : memref<2x56x768xf32, #tpu.memory_space<vmem>>, vector<16xf32>,
        %mul3A_881 = arith.mulf %gather3A_826, %get3A_880 : vector<16xf32>
        %add3A_882 = arith.addf %scan3A_806, %mul3A_881 : vector<16xf32>
        %get3A_883 = arith.constant 1 : i32
        %get3A_884 = arith.index_cast %get3A_883 : i32 to index
        %get3A_885 = arith.index_cast %scan3A_798 : i32 to index
        %get3A_886 = arith.constant 512 : index
        %get3A_887 = tpu.vector_load %arg10[%get3A_884, %get3A_885, %get3A_886] {strides = array<i32>} : memref<2x56x768xf32, #tpu.memory_space<vmem>>, vector<16xf32>,
        %mul3A_888 = arith.mulf %gather3A_826, %get3A_887 : vector<16xf32>
        %add3A_889 = arith.addf %scan3A_807, %mul3A_888 : vector<16xf32>
        %get3A_890 = arith.constant 1 : i32
        %get3A_891 = arith.index_cast %get3A_890 : i32 to index
        %get3A_892 = arith.index_cast %scan3A_798 : i32 to index
        %get3A_893 = arith.constant 528 : index
        %get3A_894 = tpu.vector_load %arg10[%get3A_891, %get3A_892, %get3A_893] {strides = array<i32>} : memref<2x56x768xf32, #tpu.memory_space<vmem>>, vector<16xf32>,
        %mul3A_895 = arith.mulf %gather3A_826, %get3A_894 : vector<16xf32>
        %add3A_896 = arith.addf %scan3A_808, %mul3A_895 : vector<16xf32>
        %get3A_897 = arith.constant 1 : i32
        %get3A_898 = arith.index_cast %get3A_897 : i32 to index
        %get3A_899 = arith.index_cast %scan3A_798 : i32 to index
        %get3A_900 = arith.constant 544 : index
        %get3A_901 = tpu.vector_load %arg10[%get3A_898, %get3A_899, %get3A_900] {strides = array<i32>} : memref<2x56x768xf32, #tpu.memory_space<vmem>>, vector<16xf32>,
        %mul3A_902 = arith.mulf %gather3A_826, %get3A_901 : vector<16xf32>
        %add3A_903 = arith.addf %scan3A_809, %mul3A_902 : vector<16xf32>
        %get3A_904 = arith.constant 1 : i32
        %get3A_905 = arith.index_cast %get3A_904 : i32 to index
        %get3A_906 = arith.index_cast %scan3A_798 : i32 to index
        %get3A_907 = arith.constant 560 : index
        %get3A_908 = tpu.vector_load %arg10[%get3A_905, %get3A_906, %get3A_907] {strides = array<i32>} : memref<2x56x768xf32, #tpu.memory_space<vmem>>, vector<16xf32>,
        %mul3A_909 = arith.mulf %gather3A_826, %get3A_908 : vector<16xf32>
        %add3A_910 = arith.addf %scan3A_810, %mul3A_909 : vector<16xf32>
        %get3A_911 = arith.constant 1 : i32
        %get3A_912 = arith.index_cast %get3A_911 : i32 to index
        %get3A_913 = arith.index_cast %scan3A_798 : i32 to index
        %get3A_914 = arith.constant 576 : index
        %get3A_915 = tpu.vector_load %arg10[%get3A_912, %get3A_913, %get3A_914] {strides = array<i32>} : memref<2x56x768xf32, #tpu.memory_space<vmem>>, vector<16xf32>,
        %mul3A_916 = arith.mulf %gather3A_826, %get3A_915 : vector<16xf32>
        %add3A_917 = arith.addf %scan3A_811, %mul3A_916 : vector<16xf32>
        %get3A_918 = arith.constant 1 : i32
        %get3A_919 = arith.index_cast %get3A_918 : i32 to index
        %get3A_920 = arith.index_cast %scan3A_798 : i32 to index
        %get3A_921 = arith.constant 592 : index
        %get3A_922 = tpu.vector_load %arg10[%get3A_919, %get3A_920, %get3A_921] {strides = array<i32>} : memref<2x56x768xf32, #tpu.memory_space<vmem>>, vector<16xf32>,
        %mul3A_923 = arith.mulf %gather3A_826, %get3A_922 : vector<16xf32>
        %add3A_924 = arith.addf %scan3A_812, %mul3A_923 : vector<16xf32>
        %get3A_925 = arith.constant 1 : i32
        %get3A_926 = arith.index_cast %get3A_925 : i32 to index
        %get3A_927 = arith.index_cast %scan3A_798 : i32 to index
        %get3A_928 = arith.constant 608 : index
        %get3A_929 = tpu.vector_load %arg10[%get3A_926, %get3A_927, %get3A_928] {strides = array<i32>} : memref<2x56x768xf32, #tpu.memory_space<vmem>>, vector<16xf32>,
        %mul3A_930 = arith.mulf %gather3A_826, %get3A_929 : vector<16xf32>
        %add3A_931 = arith.addf %scan3A_813, %mul3A_930 : vector<16xf32>
        %get3A_932 = arith.constant 1 : i32
        %get3A_933 = arith.index_cast %get3A_932 : i32 to index
        %get3A_934 = arith.index_cast %scan3A_798 : i32 to index
        %get3A_935 = arith.constant 624 : index
        %get3A_936 = tpu.vector_load %arg10[%get3A_933, %get3A_934, %get3A_935] {strides = array<i32>} : memref<2x56x768xf32, #tpu.memory_space<vmem>>, vector<16xf32>,
        %mul3A_937 = arith.mulf %gather3A_826, %get3A_936 : vector<16xf32>
        %add3A_938 = arith.addf %scan3A_814, %mul3A_937 : vector<16xf32>
        %get3A_939 = arith.constant 1 : i32
        %get3A_940 = arith.index_cast %get3A_939 : i32 to index
        %get3A_941 = arith.index_cast %scan3A_798 : i32 to index
        %get3A_942 = arith.constant 640 : index
        %get3A_943 = tpu.vector_load %arg10[%get3A_940, %get3A_941, %get3A_942] {strides = array<i32>} : memref<2x56x768xf32, #tpu.memory_space<vmem>>, vector<16xf32>,
        %mul3A_944 = arith.mulf %gather3A_826, %get3A_943 : vector<16xf32>
        %add3A_945 = arith.addf %scan3A_815, %mul3A_944 : vector<16xf32>
        %get3A_946 = arith.constant 1 : i32
        %get3A_947 = arith.index_cast %get3A_946 : i32 to index
        %get3A_948 = arith.index_cast %scan3A_798 : i32 to index
        %get3A_949 = arith.constant 656 : index
        %get3A_950 = tpu.vector_load %arg10[%get3A_947, %get3A_948, %get3A_949] {strides = array<i32>} : memref<2x56x768xf32, #tpu.memory_space<vmem>>, vector<16xf32>,
        %mul3A_951 = arith.mulf %gather3A_826, %get3A_950 : vector<16xf32>
        %add3A_952 = arith.addf %scan3A_816, %mul3A_951 : vector<16xf32>
        %get3A_953 = arith.constant 1 : i32
        %get3A_954 = arith.index_cast %get3A_953 : i32 to index
        %get3A_955 = arith.index_cast %scan3A_798 : i32 to index
        %get3A_956 = arith.constant 672 : index
        %get3A_957 = tpu.vector_load %arg10[%get3A_954, %get3A_955, %get3A_956] {strides = array<i32>} : memref<2x56x768xf32, #tpu.memory_space<vmem>>, vector<16xf32>,
        %mul3A_958 = arith.mulf %gather3A_826, %get3A_957 : vector<16xf32>
        %add3A_959 = arith.addf %scan3A_817, %mul3A_958 : vector<16xf32>
        %get3A_960 = arith.constant 1 : i32
        %get3A_961 = arith.index_cast %get3A_960 : i32 to index
        %get3A_962 = arith.index_cast %scan3A_798 : i32 to index
        %get3A_963 = arith.constant 688 : index
        %get3A_964 = tpu.vector_load %arg10[%get3A_961, %get3A_962, %get3A_963] {strides = array<i32>} : memref<2x56x768xf32, #tpu.memory_space<vmem>>, vector<16xf32>,
        %mul3A_965 = arith.mulf %gather3A_826, %get3A_964 : vector<16xf32>
        %add3A_966 = arith.addf %scan3A_818, %mul3A_965 : vector<16xf32>
        %get3A_967 = arith.constant 1 : i32
        %get3A_968 = arith.index_cast %get3A_967 : i32 to index
        %get3A_969 = arith.index_cast %scan3A_798 : i32 to index
        %get3A_970 = arith.constant 704 : index
        %get3A_971 = tpu.vector_load %arg10[%get3A_968, %get3A_969, %get3A_970] {strides = array<i32>} : memref<2x56x768xf32, #tpu.memory_space<vmem>>, vector<16xf32>,
        %mul3A_972 = arith.mulf %gather3A_826, %get3A_971 : vector<16xf32>
        %add3A_973 = arith.addf %scan3A_819, %mul3A_972 : vector<16xf32>
        %get3A_974 = arith.constant 1 : i32
        %get3A_975 = arith.index_cast %get3A_974 : i32 to index
        %get3A_976 = arith.index_cast %scan3A_798 : i32 to index
        %get3A_977 = arith.constant 720 : index
        %get3A_978 = tpu.vector_load %arg10[%get3A_975, %get3A_976, %get3A_977] {strides = array<i32>} : memref<2x56x768xf32, #tpu.memory_space<vmem>>, vector<16xf32>,
        %mul3A_979 = arith.mulf %gather3A_826, %get3A_978 : vector<16xf32>
        %add3A_980 = arith.addf %scan3A_820, %mul3A_979 : vector<16xf32>
        %get3A_981 = arith.constant 1 : i32
        %get3A_982 = arith.index_cast %get3A_981 : i32 to index
        %get3A_983 = arith.index_cast %scan3A_798 : i32 to index
        %get3A_984 = arith.constant 736 : index
        %get3A_985 = tpu.vector_load %arg10[%get3A_982, %get3A_983, %get3A_984] {strides = array<i32>} : memref<2x56x768xf32, #tpu.memory_space<vmem>>, vector<16xf32>,
        %mul3A_986 = arith.mulf %gather3A_826, %get3A_985 : vector<16xf32>
        %add3A_987 = arith.addf %scan3A_821, %mul3A_986 : vector<16xf32>
        %get3A_988 = arith.constant 1 : i32
        %get3A_989 = arith.index_cast %get3A_988 : i32 to index
        %get3A_990 = arith.index_cast %scan3A_798 : i32 to index
        %get3A_991 = arith.constant 752 : index
        %get3A_992 = tpu.vector_load %arg10[%get3A_989, %get3A_990, %get3A_991] {strides = array<i32>} : memref<2x56x768xf32, #tpu.memory_space<vmem>>, vector<16xf32>,
        %mul3A_993 = arith.mulf %gather3A_826, %get3A_992 : vector<16xf32>
        %add3A_994 = arith.addf %scan3A_822, %mul3A_993 : vector<16xf32>
        scf.yield %add3A_833, %add3A_840, %add3A_847, %add3A_854, %add3A_861, %add3A_868, %add3A_875, %add3A_882, %add3A_889, %add3A_896, %add3A_903, %add3A_910, %add3A_917, %add3A_924, %add3A_931, %add3A_938, %add3A_945, %add3A_952, %add3A_959, %add3A_966, %add3A_973, %add3A_980, %add3A_987, %add3A_994 : vector<16xf32>, vector<16xf32>, vector<16xf32>, vector<16xf32>, vector<16xf32>, vector<16xf32>, vector<16xf32>, vector<16xf32>, vector<16xf32>, vector<16xf32>, vector<16xf32>, vector<16xf32>, vector<16xf32>, vector<16xf32>, vector<16xf32>, vector<16xf32>, vector<16xf32>, vector<16xf32>, vector<16xf32>, vector<16xf32>, vector<16xf32>, vector<16xf32>, vector<16xf32>, vector<16xf32>
      }
      %scan3A_687 = arith.constant 50 : i32
      %swap3A_688 = arith.constant 1 : i32
      %swap3A_689 = arith.index_cast %swap3A_688 : i32 to index
      %swap3A_690 = arith.constant 384 : index
      %swap3A_691 = tpu.vector_load %arg11[%swap3A_689, %swap3A_690] {strides = array<i32>} : memref<2x768xf32, #tpu.memory_space<vmem>>, vector<16xf32>,
      tpu.vector_store %arg11[%swap3A_689, %swap3A_690], %scan3A_686#0 {strides = array<i32>} : memref<2x768xf32, #tpu.memory_space<vmem>>, vector<16xf32>,
      %swap3A_692 = arith.constant 1 : i32
      %swap3A_693 = arith.index_cast %swap3A_692 : i32 to index
      %swap3A_694 = arith.constant 400 : index
      %swap3A_695 = tpu.vector_load %arg11[%swap3A_693, %swap3A_694] {strides = array<i32>} : memref<2x768xf32, #tpu.memory_space<vmem>>, vector<16xf32>,
      tpu.vector_store %arg11[%swap3A_693, %swap3A_694], %scan3A_686#1 {strides = array<i32>} : memref<2x768xf32, #tpu.memory_space<vmem>>, vector<16xf32>,
      %swap3A_696 = arith.constant 1 : i32
      %swap3A_697 = arith.index_cast %swap3A_696 : i32 to index
      %swap3A_698 = arith.constant 416 : index
      %swap3A_699 = tpu.vector_load %arg11[%swap3A_697, %swap3A_698] {strides = array<i32>} : memref<2x768xf32, #tpu.memory_space<vmem>>, vector<16xf32>,
      tpu.vector_store %arg11[%swap3A_697, %swap3A_698], %scan3A_686#2 {strides = array<i32>} : memref<2x768xf32, #tpu.memory_space<vmem>>, vector<16xf32>,
      %swap3A_700 = arith.constant 1 : i32
      %swap3A_701 = arith.index_cast %swap3A_700 : i32 to index
      %swap3A_702 = arith.constant 432 : index
      %swap3A_703 = tpu.vector_load %arg11[%swap3A_701, %swap3A_702] {strides = array<i32>} : memref<2x768xf32, #tpu.memory_space<vmem>>, vector<16xf32>,
      tpu.vector_store %arg11[%swap3A_701, %swap3A_702], %scan3A_686#3 {strides = array<i32>} : memref<2x768xf32, #tpu.memory_space<vmem>>, vector<16xf32>,
      %swap3A_704 = arith.constant 1 : i32
      %swap3A_705 = arith.index_cast %swap3A_704 : i32 to index
      %swap3A_706 = arith.constant 448 : index
      %swap3A_707 = tpu.vector_load %arg11[%swap3A_705, %swap3A_706] {strides = array<i32>} : memref<2x768xf32, #tpu.memory_space<vmem>>, vector<16xf32>,
      tpu.vector_store %arg11[%swap3A_705, %swap3A_706], %scan3A_686#4 {strides = array<i32>} : memref<2x768xf32, #tpu.memory_space<vmem>>, vector<16xf32>,
      %swap3A_708 = arith.constant 1 : i32
      %swap3A_709 = arith.index_cast %swap3A_708 : i32 to index
      %swap3A_710 = arith.constant 464 : index
      %swap3A_711 = tpu.vector_load %arg11[%swap3A_709, %swap3A_710] {strides = array<i32>} : memref<2x768xf32, #tpu.memory_space<vmem>>, vector<16xf32>,
      tpu.vector_store %arg11[%swap3A_709, %swap3A_710], %scan3A_686#5 {strides = array<i32>} : memref<2x768xf32, #tpu.memory_space<vmem>>, vector<16xf32>,
      %swap3A_712 = arith.constant 1 : i32
      %swap3A_713 = arith.index_cast %swap3A_712 : i32 to index
      %swap3A_714 = arith.constant 480 : index
      %swap3A_715 = tpu.vector_load %arg11[%swap3A_713, %swap3A_714] {strides = array<i32>} : memref<2x768xf32, #tpu.memory_space<vmem>>, vector<16xf32>,
      tpu.vector_store %arg11[%swap3A_713, %swap3A_714], %scan3A_686#6 {strides = array<i32>} : memref<2x768xf32, #tpu.memory_space<vmem>>, vector<16xf32>,
      %swap3A_716 = arith.constant 1 : i32
      %swap3A_717 = arith.index_cast %swap3A_716 : i32 to index
      %swap3A_718 = arith.constant 496 : index
      %swap3A_719 = tpu.vector_load %arg11[%swap3A_717, %swap3A_718] {strides = array<i32>} : memref<2x768xf32, #tpu.memory_space<vmem>>, vector<16xf32>,
      tpu.vector_store %arg11[%swap3A_717, %swap3A_718], %scan3A_686#7 {strides = array<i32>} : memref<2x768xf32, #tpu.memory_space<vmem>>, vector<16xf32>,
      %swap3A_720 = arith.constant 1 : i32
      %swap3A_721 = arith.index_cast %swap3A_720 : i32 to index
      %swap3A_722 = arith.constant 512 : index
      %swap3A_723 = tpu.vector_load %arg11[%swap3A_721, %swap3A_722] {strides = array<i32>} : memref<2x768xf32, #tpu.memory_space<vmem>>, vector<16xf32>,
      tpu.vector_store %arg11[%swap3A_721, %swap3A_722], %scan3A_686#8 {strides = array<i32>} : memref<2x768xf32, #tpu.memory_space<vmem>>, vector<16xf32>,
      %swap3A_724 = arith.constant 1 : i32
      %swap3A_725 = arith.index_cast %swap3A_724 : i32 to index
      %swap3A_726 = arith.constant 528 : index
      %swap3A_727 = tpu.vector_load %arg11[%swap3A_725, %swap3A_726] {strides = array<i32>} : memref<2x768xf32, #tpu.memory_space<vmem>>, vector<16xf32>,
      tpu.vector_store %arg11[%swap3A_725, %swap3A_726], %scan3A_686#9 {strides = array<i32>} : memref<2x768xf32, #tpu.memory_space<vmem>>, vector<16xf32>,
      %swap3A_728 = arith.constant 1 : i32
      %swap3A_729 = arith.index_cast %swap3A_728 : i32 to index
      %swap3A_730 = arith.constant 544 : index
      %swap3A_731 = tpu.vector_load %arg11[%swap3A_729, %swap3A_730] {strides = array<i32>} : memref<2x768xf32, #tpu.memory_space<vmem>>, vector<16xf32>,
      tpu.vector_store %arg11[%swap3A_729, %swap3A_730], %scan3A_686#10 {strides = array<i32>} : memref<2x768xf32, #tpu.memory_space<vmem>>, vector<16xf32>,
      %swap3A_732 = arith.constant 1 : i32
      %swap3A_733 = arith.index_cast %swap3A_732 : i32 to index
      %swap3A_734 = arith.constant 560 : index
      %swap3A_735 = tpu.vector_load %arg11[%swap3A_733, %swap3A_734] {strides = array<i32>} : memref<2x768xf32, #tpu.memory_space<vmem>>, vector<16xf32>,
      tpu.vector_store %arg11[%swap3A_733, %swap3A_734], %scan3A_686#11 {strides = array<i32>} : memref<2x768xf32, #tpu.memory_space<vmem>>, vector<16xf32>,
      %swap3A_736 = arith.constant 1 : i32
      %swap3A_737 = arith.index_cast %swap3A_736 : i32 to index
      %swap3A_738 = arith.constant 576 : index
      %swap3A_739 = tpu.vector_load %arg11[%swap3A_737, %swap3A_738] {strides = array<i32>} : memref<2x768xf32, #tpu.memory_space<vmem>>, vector<16xf32>,
      tpu.vector_store %arg11[%swap3A_737, %swap3A_738], %scan3A_686#12 {strides = array<i32>} : memref<2x768xf32, #tpu.memory_space<vmem>>, vector<16xf32>,
      %swap3A_740 = arith.constant 1 : i32
      %swap3A_741 = arith.index_cast %swap3A_740 : i32 to index
      %swap3A_742 = arith.constant 592 : index
      %swap3A_743 = tpu.vector_load %arg11[%swap3A_741, %swap3A_742] {strides = array<i32>} : memref<2x768xf32, #tpu.memory_space<vmem>>, vector<16xf32>,
      tpu.vector_store %arg11[%swap3A_741, %swap3A_742], %scan3A_686#13 {strides = array<i32>} : memref<2x768xf32, #tpu.memory_space<vmem>>, vector<16xf32>,
      %swap3A_744 = arith.constant 1 : i32
      %swap3A_745 = arith.index_cast %swap3A_744 : i32 to index
      %swap3A_746 = arith.constant 608 : index
      %swap3A_747 = tpu.vector_load %arg11[%swap3A_745, %swap3A_746] {strides = array<i32>} : memref<2x768xf32, #tpu.memory_space<vmem>>, vector<16xf32>,
      tpu.vector_store %arg11[%swap3A_745, %swap3A_746], %scan3A_686#14 {strides = array<i32>} : memref<2x768xf32, #tpu.memory_space<vmem>>, vector<16xf32>,
      %swap3A_748 = arith.constant 1 : i32
      %swap3A_749 = arith.index_cast %swap3A_748 : i32 to index
      %swap3A_750 = arith.constant 624 : index
      %swap3A_751 = tpu.vector_load %arg11[%swap3A_749, %swap3A_750] {strides = array<i32>} : memref<2x768xf32, #tpu.memory_space<vmem>>, vector<16xf32>,
      tpu.vector_store %arg11[%swap3A_749, %swap3A_750], %scan3A_686#15 {strides = array<i32>} : memref<2x768xf32, #tpu.memory_space<vmem>>, vector<16xf32>,
      %swap3A_752 = arith.constant 1 : i32
      %swap3A_753 = arith.index_cast %swap3A_752 : i32 to index
      %swap3A_754 = arith.constant 640 : index
      %swap3A_755 = tpu.vector_load %arg11[%swap3A_753, %swap3A_754] {strides = array<i32>} : memref<2x768xf32, #tpu.memory_space<vmem>>, vector<16xf32>,
      tpu.vector_store %arg11[%swap3A_753, %swap3A_754], %scan3A_686#16 {strides = array<i32>} : memref<2x768xf32, #tpu.memory_space<vmem>>, vector<16xf32>,
      %swap3A_756 = arith.constant 1 : i32
      %swap3A_757 = arith.index_cast %swap3A_756 : i32 to index
      %swap3A_758 = arith.constant 656 : index
      %swap3A_759 = tpu.vector_load %arg11[%swap3A_757, %swap3A_758] {strides = array<i32>} : memref<2x768xf32, #tpu.memory_space<vmem>>, vector<16xf32>,
      tpu.vector_store %arg11[%swap3A_757, %swap3A_758], %scan3A_686#17 {strides = array<i32>} : memref<2x768xf32, #tpu.memory_space<vmem>>, vector<16xf32>,
      %swap3A_760 = arith.constant 1 : i32
      %swap3A_761 = arith.index_cast %swap3A_760 : i32 to index
      %swap3A_762 = arith.constant 672 : index
      %swap3A_763 = tpu.vector_load %arg11[%swap3A_761, %swap3A_762] {strides = array<i32>} : memref<2x768xf32, #tpu.memory_space<vmem>>, vector<16xf32>,
      tpu.vector_store %arg11[%swap3A_761, %swap3A_762], %scan3A_686#18 {strides = array<i32>} : memref<2x768xf32, #tpu.memory_space<vmem>>, vector<16xf32>,
      %swap3A_764 = arith.constant 1 : i32
      %swap3A_765 = arith.index_cast %swap3A_764 : i32 to index
      %swap3A_766 = arith.constant 688 : index
      %swap3A_767 = tpu.vector_load %arg11[%swap3A_765, %swap3A_766] {strides = array<i32>} : memref<2x768xf32, #tpu.memory_space<vmem>>, vector<16xf32>,
      tpu.vector_store %arg11[%swap3A_765, %swap3A_766], %scan3A_686#19 {strides = array<i32>} : memref<2x768xf32, #tpu.memory_space<vmem>>, vector<16xf32>,
      %swap3A_768 = arith.constant 1 : i32
      %swap3A_769 = arith.index_cast %swap3A_768 : i32 to index
      %swap3A_770 = arith.constant 704 : index
      %swap3A_771 = tpu.vector_load %arg11[%swap3A_769, %swap3A_770] {strides = array<i32>} : memref<2x768xf32, #tpu.memory_space<vmem>>, vector<16xf32>,
      tpu.vector_store %arg11[%swap3A_769, %swap3A_770], %scan3A_686#20 {strides = array<i32>} : memref<2x768xf32, #tpu.memory_space<vmem>>, vector<16xf32>,
      %swap3A_772 = arith.constant 1 : i32
      %swap3A_773 = arith.index_cast %swap3A_772 : i32 to index
      %swap3A_774 = arith.constant 720 : index
      %swap3A_775 = tpu.vector_load %arg11[%swap3A_773, %swap3A_774] {strides = array<i32>} : memref<2x768xf32, #tpu.memory_space<vmem>>, vector<16xf32>,
      tpu.vector_store %arg11[%swap3A_773, %swap3A_774], %scan3A_686#21 {strides = array<i32>} : memref<2x768xf32, #tpu.memory_space<vmem>>, vector<16xf32>,
      %swap3A_776 = arith.constant 1 : i32
      %swap3A_777 = arith.index_cast %swap3A_776 : i32 to index
      %swap3A_778 = arith.constant 736 : index
      %swap3A_779 = tpu.vector_load %arg11[%swap3A_777, %swap3A_778] {strides = array<i32>} : memref<2x768xf32, #tpu.memory_space<vmem>>, vector<16xf32>,
      tpu.vector_store %arg11[%swap3A_777, %swap3A_778], %scan3A_686#22 {strides = array<i32>} : memref<2x768xf32, #tpu.memory_space<vmem>>, vector<16xf32>,
      %swap3A_780 = arith.constant 1 : i32
      %swap3A_781 = arith.index_cast %swap3A_780 : i32 to index
      %swap3A_782 = arith.constant 752 : index
      %swap3A_783 = tpu.vector_load %arg11[%swap3A_781, %swap3A_782] {strides = array<i32>} : memref<2x768xf32, #tpu.memory_space<vmem>>, vector<16xf32>,
      tpu.vector_store %arg11[%swap3A_781, %swap3A_782], %scan3A_686#23 {strides = array<i32>} : memref<2x768xf32, #tpu.memory_space<vmem>>, vector<16xf32>,
      %add3A_784 = arith.addi %mul3A_2, %add3A_444 : i32
      %dma_start3A_785 = arith.constant 1 : i32
      %dma_start3A_786 = arith.constant 0 : i32
      %dma_start3A_787 = tpu.memref_slice %arg11[%dma_start3A_785, %dma_start3A_786] : memref<2x768xf32, #tpu.memory_space<vmem>> -> memref<1x768xf32, #tpu.memory_space<vmem>>
      %dma_start3A_788 = tpu.memref_squeeze %dma_start3A_787 : memref<1x768xf32, #tpu.memory_space<vmem>> -> memref<768xf32, #tpu.memory_space<vmem>>
      %dma_start3A_789 = arith.constant 0 : i32
      %dma_start3A_790 = tpu.memref_slice %arg6[%add3A_784, %dma_start3A_789] : memref<4096x768xf32, #tpu.memory_space<hbm>> -> memref<1x768xf32, #tpu.memory_space<hbm>>
      %dma_start3A_791 = tpu.memref_squeeze %dma_start3A_790 : memref<1x768xf32, #tpu.memory_space<hbm>> -> memref<768xf32, #tpu.memory_space<hbm>>
      %dma_start3A_792 = arith.constant 0 : i32
      %dma_start3A_793 = tpu.memref_slice %arg6[%add3A_784, %dma_start3A_792] : memref<4096x768xf32, #tpu.memory_space<hbm>> -> memref<1x768xf32, #tpu.memory_space<hbm>>
      %dma_start3A_794 = tpu.memref_squeeze %dma_start3A_793 : memref<1x768xf32, #tpu.memory_space<hbm>> -> memref<768xf32, #tpu.memory_space<hbm>>
      %dma_start3A_795 = arith.constant 0 : i32
      %dma_start3A_796 = tpu.memref_slice %arg11[%dma_start3A_785, %dma_start3A_795] : memref<2x768xf32, #tpu.memory_space<vmem>> -> memref<1x768xf32, #tpu.memory_space<vmem>>
      %dma_start3A_797 = tpu.memref_squeeze %dma_start3A_796 : memref<1x768xf32, #tpu.memory_space<vmem>> -> memref<768xf32, #tpu.memory_space<vmem>>
      tpu.enqueue_dma source(%dma_start3A_797 : memref<768xf32, #tpu.memory_space<vmem>>) target(%dma_start3A_794 : memref<768xf32, #tpu.memory_space<hbm>>) target_semaphore(%arg15 : memref<!tpu.dma_semaphore, #tpu.memory_space<semaphore_mem>>)
    }
    %scan3A_65 = arith.constant 64 : i32
    %dma_wait3A = arith.constant 0 : i32
    %dma_wait3A_66 = arith.constant 0 : i32
    %dma_wait3A_67 = tpu.memref_slice %arg11[%dma_wait3A, %dma_wait3A_66] : memref<2x768xf32, #tpu.memory_space<vmem>> -> memref<1x768xf32, #tpu.memory_space<vmem>>
    %dma_wait3A_68 = tpu.memref_squeeze %dma_wait3A_67 : memref<1x768xf32, #tpu.memory_space<vmem>> -> memref<768xf32, #tpu.memory_space<vmem>>
    %dma_wait3A_69 = arith.constant 0 : i32
    %dma_wait3A_70 = tpu.memref_slice %arg6[%mul3A_2, %dma_wait3A_69] : memref<4096x768xf32, #tpu.memory_space<hbm>> -> memref<1x768xf32, #tpu.memory_space<hbm>>
    %dma_wait3A_71 = tpu.memref_squeeze %dma_wait3A_70 : memref<1x768xf32, #tpu.memory_space<hbm>> -> memref<768xf32, #tpu.memory_space<hbm>>
    %dma_wait3A_72 = arith.constant 0 : i32
    %dma_wait3A_73 = tpu.memref_slice %arg11[%dma_wait3A, %dma_wait3A_72] : memref<2x768xf32, #tpu.memory_space<vmem>> -> memref<1x768xf32, #tpu.memory_space<vmem>>
    %dma_wait3A_74 = tpu.memref_squeeze %dma_wait3A_73 : memref<1x768xf32, #tpu.memory_space<vmem>> -> memref<768xf32, #tpu.memory_space<vmem>>
    %dma_wait3A_75 = arith.constant 0 : i32
    %dma_wait3A_76 = tpu.memref_slice %arg6[%mul3A_2, %dma_wait3A_75] : memref<4096x768xf32, #tpu.memory_space<hbm>> -> memref<1x768xf32, #tpu.memory_space<hbm>>
    %dma_wait3A_77 = tpu.memref_squeeze %dma_wait3A_76 : memref<1x768xf32, #tpu.memory_space<hbm>> -> memref<768xf32, #tpu.memory_space<hbm>>
    tpu.wait_dma2 semaphore(%arg15 : memref<!tpu.dma_semaphore, #tpu.memory_space<semaphore_mem>>) src(%dma_wait3A_77 : memref<768xf32, #tpu.memory_space<hbm>>) dst(%dma_wait3A_74 : memref<768xf32, #tpu.memory_space<vmem>>)
    %dma_wait3A_78 = arith.constant 1 : i32
    %dma_wait3A_79 = arith.constant 0 : i32
    %dma_wait3A_80 = tpu.memref_slice %arg11[%dma_wait3A_78, %dma_wait3A_79] : memref<2x768xf32, #tpu.memory_space<vmem>> -> memref<1x768xf32, #tpu.memory_space<vmem>>
    %dma_wait3A_81 = tpu.memref_squeeze %dma_wait3A_80 : memref<1x768xf32, #tpu.memory_space<vmem>> -> memref<768xf32, #tpu.memory_space<vmem>>
    %dma_wait3A_82 = arith.constant 0 : i32
    %dma_wait3A_83 = tpu.memref_slice %arg6[%mul3A_2, %dma_wait3A_82] : memref<4096x768xf32, #tpu.memory_space<hbm>> -> memref<1x768xf32, #tpu.memory_space<hbm>>
    %dma_wait3A_84 = tpu.memref_squeeze %dma_wait3A_83 : memref<1x768xf32, #tpu.memory_space<hbm>> -> memref<768xf32, #tpu.memory_space<hbm>>
    %dma_wait3A_85 = arith.constant 0 : i32
    %dma_wait3A_86 = tpu.memref_slice %arg11[%dma_wait3A_78, %dma_wait3A_85] : memref<2x768xf32, #tpu.memory_space<vmem>> -> memref<1x768xf32, #tpu.memory_space<vmem>>
    %dma_wait3A_87 = tpu.memref_squeeze %dma_wait3A_86 : memref<1x768xf32, #tpu.memory_space<vmem>> -> memref<768xf32, #tpu.memory_space<vmem>>
    %dma_wait3A_88 = arith.constant 0 : i32
    %dma_wait3A_89 = tpu.memref_slice %arg6[%mul3A_2, %dma_wait3A_88] : memref<4096x768xf32, #tpu.memory_space<hbm>> -> memref<1x768xf32, #tpu.memory_space<hbm>>
    %dma_wait3A_90 = tpu.memref_squeeze %dma_wait3A_89 : memref<1x768xf32, #tpu.memory_space<hbm>> -> memref<768xf32, #tpu.memory_space<hbm>>
    tpu.wait_dma2 semaphore(%arg15 : memref<!tpu.dma_semaphore, #tpu.memory_space<semaphore_mem>>) src(%dma_wait3A_90 : memref<768xf32, #tpu.memory_space<hbm>>) dst(%dma_wait3A_87 : memref<768xf32, #tpu.memory_space<vmem>>)
    return
  }
}

</mosaic_0001>

<sc_bundles>
// kernel: kernel.3.cloned.1.call-start
scs
__scs_entry_jumppad:
0x0: {  	(pc) =	sbr.rel $0x88, $3  }
0x1: {  	(tag) =	ssettag $0x0;
	lr =	simm.s32 $0x1  }
0x2: {  	[smem:$0x3F9D] =	sst lr;
	_ =	strace $0xD0000000  }
0x3: {  	_ = 	snop  }
0x4: {  	_ = 	snop  }
0x5: {  	_ = 	snop  }
0x6: {  	_ = 	snop  }
0x7: {  	_ = 	snop  }
__scs_overlays_trampoline_lowered:
0x8: {  	[smem:$0x3FAC] =	sst s0  }
0x9: {  	[smem:$0x3FAD] =	sst s1  }
0xa: {  	[smem:$0x3FAE] =	sst s2  }
0xb: {  	[smem:$0x3FAF] =	sst s3  }
0xc: {  	[smem:$0x3FB0] =	sst s4  }
0xd: {  	[smem:$0x3FB1] =	sst s5  }
0xe: {  	[smem:$0x3FB2] =	sst s6  }
0xf: {  	[smem:$0x3FB3] =	sst s7  }
0x10: {  	[smem:$0x3FB4] =	sst s8  }
0x11: {  	[smem:$0x3FB5] =	sst s9;
	s0 =	simm.s32 @!p0 $0x0  }
0x12: {  	s1 =	sld [smem:$0x3F9B];
	s0 =	simm.s32 @p0 $0x1  }
0x13: {  	[smem:$0x3FB6] =	sst s0;
	s0 =	simm.s32 @!p1 $0x0  }
0x14: {  	s2 =	sld [smem:$0x3F9A];
	s0 =	simm.s32 @p1 $0x1  }
0x15: {  	[smem:$0x3FB7] =	sst s0;
	s0 =	simm.s32 @!p2 $0x0  }
0x16: {  	s3 =	sld [smem:$0x3FDB];
	s0 =	simm.s32 @p2 $0x1  }
0x17: {  	s4 =	simm.s32 $0x1BF5;
	[smem:$0x3FB9] =	sst s0  }
0x18: {  	s0 =	sld [smem:$0x3F9C];
	_ =	swait.ge [sflag:s4], $0x0  }
0x19: {  	s7 =	sld [smem:$0x3F9D]  }
0x1a: {  	s8 =	sadd.s32 $0xFFFFE003, lr  }
0x1b: {  	s9 =	sadd.s32 $0xFFFFFEF7, lr;
	s5 =	simm.s32 $0xFFFFFFFF;
	p2 =	slt.u32 s8, $0xFFFFF086  }
0x1c: {  	p1 =	slt.u32 s9, $0xF7A;
	s5 =	simm.s32 @!p2 $0x0  }
0x1d: {  	s5 =	simm.s32 @p1 $0x1;
	p0 =	seq.s32 s7, s2  }
0x1e: {  	s7 =	smul.u32 @!p0 $0xF7A, s2;
	p2 =	seq.s32 @!p0 s5, $0x0  }
0x1f: {  	s9 =	smul.u32 $0xF7A, s1;
	s8 =	simm.s32 @!p0 $0x1BF5;
	p2 =	por !p2, p0  }
0x20: {  	[sflag:s8] =	ssyncset.s32 @!p0 $0xFFFFF086;
	s6 =	sadd.s32 @!p0 s3, s7;
	s7 =	simm.s32 @!p0 $0x108  }
0x21: {  	s3 =	sadd.s32 s3, s9;
	s6 =	sadd.s32 @!p0 $0x88, s6;
	s7 =	simm.s32 @p2 $0x1082  }
0x22: {  	[simem:s7], [sflag:s8] =	dma.local @!p0 [hbm:s6], $0xF7A  }
0x23: {  	s9 =	sor.u32 $0xD0000000, s2;
	s6 =	simm.s32 $0x108;
	_ =	swait.ge @!p0 [sflag:s8], $0x0  }
0x24: {  	s3 =	sadd.s32 $0x88, s3;
	s6 =	simm.s32 @!p1 $0x1082;
	[sflag:s4] =	ssyncset.s32 $0xFFFFF086  }
0x25: {  	[simem:s6], [sflag:s4] =	dma.local [hbm:s3], $0xF7A  }
0x26: {  	[smem:$0x3F9D] =	sst s1;
	(tag) =	ssettag s2;
	_ =	strace s9  }
0x27: {  	s1 =	sld [smem:$0x3FAD]  }
0x28: {  	s2 =	sld [smem:$0x3FAE]  }
0x29: {  	s4 =	sld [smem:$0x3FB0]  }
0x2a: {  	p0 =	seq.s32 s5, $0x0;
	s5 =	sld [smem:$0x3FB1]  }
0x2b: {  	s6 =	sld [smem:$0x3FB2]  }
0x2c: {  	s7 =	sld [smem:$0x3FB3]  }
0x2d: {  	s3 =	simm.s32 $0x108;
	s8 =	sld [smem:$0x3FB4]  }
0x2e: {  	s3 =	simm.s32 @!p0 $0x1082;
	s9 =	sld [smem:$0x3FB5]  }
0x2f: {  	lr =	sadd.s32 s0, s3;
	s0 =	sld [smem:$0x3FAC]  }
0x30: {  	s3 =	sld [smem:$0x3FAF]  }
0x31: {  	[smem:$0x3FB8] =	sst s10  }
0x32: {  	s10 =	sld [smem:$0x3FB6];
	_ =	sdelay $0x3  }
0x33: {  	p0 =	seq.s32 s10, $0x1;
	s10 =	sld [smem:$0x3FB8];
	_ =	sdelay $0x3  }
0x34: {  	[smem:$0x3FB8] =	sst s10  }
0x35: {  	s10 =	sld [smem:$0x3FB7];
	_ =	sdelay $0x3  }
0x36: {  	p1 =	seq.s32 s10, $0x1;
	s10 =	sld [smem:$0x3FB8];
	_ =	sdelay $0x3  }
0x37: {  	[smem:$0x3FB8] =	sst s10  }
0x38: {  	s10 =	sld [smem:$0x3FB9]  }
0x39: {  	_ = 	snop;
	(pc) =	sbr.ind lr, $3  }
0x3a: {  	_ = 	snop  }
0x3b: {  	_ = 	snop  }
0x3c: {  	p2 =	seq.s32 s10, $0x1;
	s10 =	sld [smem:$0x3FB8]  }
0x3d: {  	_ =	shalt  }
0x3e: {  	_ =	shalt  }
0x3f: {  	_ =	shalt  }
0x40: {  	_ =	shalt  }
0x41: {  	_ =	shalt  }
0x42: {  	_ =	shalt  }
0x43: {  	_ =	shalt  }
0x44: {  	_ =	shalt  }
0x45: {  	_ =	shalt  }
0x46: {  	_ =	shalt  }
0x47: {  	_ =	shalt  }
0x48: {  	_ =	shalt  }
0x49: {  	_ =	shalt  }
0x4a: {  	_ =	shalt  }
0x4b: {  	_ =	shalt  }
0x4c: {  	_ =	shalt  }
0x4d: {  	_ =	shalt  }
0x4e: {  	_ =	shalt  }
0x4f: {  	_ =	shalt  }
0x50: {  	_ =	shalt  }
0x51: {  	_ =	shalt  }
0x52: {  	_ =	shalt  }
0x53: {  	_ =	shalt  }
0x54: {  	_ =	shalt  }
0x55: {  	_ =	shalt  }
0x56: {  	_ =	shalt  }
0x57: {  	_ =	shalt  }
0x58: {  	_ =	shalt  }
0x59: {  	_ =	shalt  }
0x5a: {  	_ =	shalt  }
0x5b: {  	_ =	shalt  }
0x5c: {  	_ =	shalt  }
0x5d: {  	_ =	shalt  }
0x5e: {  	_ =	shalt  }
0x5f: {  	_ =	shalt  }
0x60: {  	_ =	shalt  }
0x61: {  	_ =	shalt  }
0x62: {  	_ =	shalt  }
0x63: {  	_ =	shalt  }
0x64: {  	_ =	shalt  }
0x65: {  	_ =	shalt  }
0x66: {  	_ =	shalt  }
0x67: {  	_ =	shalt  }
0x68: {  	_ =	shalt  }
0x69: {  	_ =	shalt  }
0x6a: {  	_ =	shalt  }
0x6b: {  	_ =	shalt  }
0x6c: {  	_ =	shalt  }
0x6d: {  	_ =	shalt  }
0x6e: {  	_ =	shalt  }
0x6f: {  	_ =	shalt  }
0x70: {  	_ =	shalt  }
0x71: {  	_ =	shalt  }
0x72: {  	_ =	shalt  }
0x73: {  	_ =	shalt  }
0x74: {  	_ =	shalt  }
0x75: {  	_ =	shalt  }
0x76: {  	_ =	shalt  }
0x77: {  	_ =	shalt  }
0x78: {  	_ =	shalt  }
0x79: {  	_ =	shalt  }
0x7a: {  	_ =	shalt  }
0x7b: {  	_ =	shalt  }
0x7c: {  	_ =	shalt  }
0x7d: {  	_ =	shalt  }
0x7e: {  	_ =	shalt  }
0x7f: {  	_ =	shalt  }
0x80: {  	_ =	shalt  }
0x81: {  	_ =	shalt  }
0x82: {  	_ =	shalt  }
0x83: {  	_ =	shalt  }
0x84: {  	_ =	shalt  }
0x85: {  	_ =	shalt  }
0x86: {  	_ =	shalt  }
0x87: {  	_ =	shalt  }
.Lfunc_end0:
.L_simem_size_0:
called_computation_lowered:
.L_overlay_start_0:
0x88: {  	s2 =	sld [smem:$0x3FD9]  }
0x89: {  	s3 =	sld [smem:$0x3FFE];
	_ =	sdelay $0x1  }
0x8a: {  	s1 =	srdreg.scid  }
0x8b: {  	s0 =	sand.u32 $0x1, s1  }
0x8c: {  	s17 =	sshll.u32 s0, $0xA;
	s2 =	sadd.s32 s3, s2  }
0x8d: {  	s2 =	sadd.s32 s2, s17  }
0x8e: {  	[smem:$0x3FC4] =	sst s2  }
0x8f: {  	_ = 	snop  }
0x90: {  	s2 =	sld [smem:$0x3FC7]  }
0x91: {  	s18 =	sld [smem:$0x3FC6]  }
0x92: {  	s4 =	sld [smem:$0x3FD0];
	(tm) =	ssettm $0x1  }
0x93: {  	s5 =	sld [smem:$0x3FFB];
	_ =	sdelay $0x3  }
0x94: {  	_ =	strace s5  }
0x95: {  	s5 =	sld [smem:$0x3FFC];
	_ =	sdelay $0x3  }
0x96: {  	_ =	strace s5  }
0x97: {  	s5 =	sld [smem:$0x3FFD];
	_ =	sdelay $0x3  }
0x98: {  	_ =	strace s5  }
0x99: {  	_ =	strace $0x8FFFFFFF  }
0x9a: {  	s19 =	sld [smem:$0x3FDB];
	_ =	sdelay $0x1  }
0x9b: {  	s6 =	simm.s32 $_scs_section_size  }
0x9c: {  	s7 =	simm.s32 $_size__tile_overlayer_lowered;
	s8 =	simm.s32 $_tile_overlayer_lowered  }
0x9d: {  	s22 =	simm.s32 $0x1BFF;
	s21 =	sshll.u32 s8, $0x1;
	s5 =	sadd.s32 s6, s19  }
0x9e: {  	s9 =	simm.s32 $0x0;
	s20 =	sshll.u32 s7, $0x1;
	s7 =	sadd.s32 s21, s5  }
0x9f: {  	[timem:s9], [sflag:s22] =	dma.local [hbm:s7], s20  }
0xa0: {  	_ =	swait.ge [sflag:s22], s20  }
0xa1: {  	s6 =	ssub.s32 $0x0, s20;
	[sflag:s22] =	ssyncset.done $0x0  }
0xa2: {  	[sflag:s22] =	ssyncadd.s32 s6;
	_ =	sdelay $0x1  }
0xa3: {  	s23 =	simm.s32 $0x1B8B  }
0xa4: {  	_ =	swait.ge [sflag:s23], $0x1  }
0xa5: {  	[sflag:s23] =	ssyncset.done $0x0  }
0xa6: {  	s25 =	simm.s32 $0x1B8E;
	s24 =	sld [smem:$0x3FFE];
	[sflag:s23] =	ssyncadd.s32 $0xFFFFFFFF  }
0xa7: {  	s26 =	simm.s32 $execute0_lowered;
	[smem:$0x3FD2] =	sst s25  }
0xa8: {  	s7 =	sshll.u32 s26, $0x1;
	_ =	strace $0x80000046;
	[dreg:$0x1] =	wrdreg $0xFFFFFFFF  }
0xa9: {  	s28 =	simm.s32 $_size_execute0_lowered;
	s5 =	sadd.s32 s5, s7;
	[dreg:$0x0] =	wrdreg $0x0  }
0xaa: {  	s7 =	sshll.u32 s28, $0x1;
	[dreg:$0x2] =	wrdreg s5  }
0xab: {  	[dreg:$0x3] =	wrdreg s7  }
0xac: {  	[dreg:$0x4] =	wrdreg $0xC0  }
0xad: {  	_ =	task [dreg:s9], $0x5FFFF  }
0xae: {  	[dreg:$0x1] =	wrdreg $0xFFFFFFFF  }
0xaf: {  	[dreg:$0x0] =	wrdreg $0x60  }
0xb0: {  	[dreg:$0x2] =	wrdreg s2  }
0xb1: {  	[dreg:$0x3] =	wrdreg s24  }
0xb2: {  	[dreg:$0x4] =	wrdreg s18  }
0xb3: {  	[dreg:$0x5] =	wrdreg s4  }
0xb4: {  	[dreg:$0x6] =	wrdreg $0x9  }
0xb5: {  	_ =	task.clear_ibuf [dreg:s9], $0x7FFFF;
	_ =	strace $0x90000046  }
0xb6: {  	s29 =	simm.s32 $0x9;
	_ =	strace $0x80000048  }
0xb7: {  	_ =	swait.ge [sflag:s29], $0x1  }
0xb8: {  	[sflag:s29] =	ssyncadd.s32 $0xFFFFFFFF  }
0xb9: {  	_ =	strace $0x90000048  }
0xba: {  	_ =	sfence  }
0xbb: {  	s30 =	sld [smem:$0x0];
	_ =	sdelay $0x2  }
0xbc: {  	s31 =	sshll.u32 s1, $0xD;
	s1 =	sshrl.u32 s1, $0x2  }
0xbd: {  	s3 =	sand.u32 $0x4000, s31;
	s1 =	sadd.s32 s1, s30  }
0xbe: {  	s0 =	sor.u32 s3, s0;
	s1 =	sshll.u32 s1, $0x11  }
0xbf: {  	s0 =	sor.u32 s1, s0  }
0xc0: {  	s0 =	sadd.s32 $0x8F2B, s0  }
0xc1: {  	[sflag:s0] =	ssyncadd.remote.s32 $0x1  }
0xc2: {  	_ =	sfence.sel $0xFFFF  }
0xc3: {  	[dreg:$0x0] =	wrdreg $0xFFFFFFFF;
	(pc) =	sbr.abs _section_cstart, $3  }
0xc4: {  	[dreg:$0x1] =	wrdreg $0xFFFFFFFF  }
0xc5: {  	_ =	task.clear_ibuf [dreg:s9], $0x2FFFF;
	_ =	strace $0x9FFFFFFF  }
0xc6: {  	(tm) =	ssettm $0x7FFFFFFF  }
0xc7: {  	_ =	shalt  }
tec
execute0_lowered:
.L_overlay_start_1:
0x0: {  	(tag) =	ssettag $0x1  }
0x1: {  	s1 =	rddreg [dreg:$0x0]  }
0x2: {  	s0 =	rddreg [dreg:$0x1];
	v1 =	vimm.s32 $0x76543210;
	v2 =	vimm.s32 $0xFEDCBA98;
	v0 =	vimm.s32 $0xBA98FEDC  }
0x3: {  	s2 =	rddreg [dreg:$0x2];
	v3 =	vimm.s32 $0x32107654;
	v5 =	vimm.s32 $0xDCFE98BA;
	v6 =	vimm.s32 $0x54761032  }
0x4: {  	s3 =	rddreg [dreg:$0x3];
	v7 =	vimm.s32 $0xEFCDAB89;
	v4 =	vunpack.c.l.s4.s8 v0;
	v3 =	vunpack.c.l.s4.s8 v3  }
0x5: {  	s5 =	simm.s32 $0x0;
	s4 =	srdreg.scid;
	s6 =	stileid.u32;
	v8 =	vimm.s32 $0x67452301;
	v1 =	vunpack.c.l.s4.s8 v1;
	v5 =	vunpack.c.l.s4.s8 v5  }
0x6: {  	s14 =	simm.s32 $0x4;
	s16 =	simm.s32 $0x38;
	s17 =	simm.s32 $0x100;
	v6 =	vunpack.c.l.s4.s8 v6;
	v4 =	vunpack.c.0.s8.s32 v4;
	v3 =	vunpack.c.0.s8.s32 v3  }
0x7: {  	s20 =	simm.s32 $0x80;
	s28 =	simm.s32 $0x1;
	s29 =	simm.s32 $0x15900;
	v7 =	vunpack.c.l.s4.s8 v7;
	v8 =	vunpack.c.l.s4.s8 v8;
	v2 =	vunpack.c.l.s4.s8 v2  }
0x8: {  	s15 =	simm.s32 $0x15480;
	s18 =	simm.s32 $0x15580;
	s19 =	simm.s32 $0x15680;
	v5 =	vunpack.c.0.s8.s32 v5;
	v6 =	vunpack.c.0.s8.s32 v6;
	v9 =	vcombine.low v3, v4  }
0x9: {  	s21 =	simm.s32 $0x15780;
	s22 =	simm.s32 $0x15880;
	s4 =	sand.u32 $0x1, s4;
	v3 =	vunpack.c.0.s8.s32 v7;
	v4 =	vunpack.c.0.s8.s32 v8;
	v8 =	vunpack.c.0.s8.s32 v2  }
0xa: {  	[smem:$0x7FF] =	sst s5;
	s7 =	sshll.u32 s6, $0x8;
	s8 =	sshll.u32 s4, $0x7;
	v6 =	vcombine.low v6, v5;
	v5 =	vunpack.c.0.s8.s32 v1  }
0xb: {  	s6 =	sadd.s32 $0x600, s0;
	s11 =	sadd.s32 $0x100, s1;
	s7 =	sor.u32 s8, s7;
	v10 =	vcombine.low v4, v3;
	v4 =	vand.u32 $0xF, v8  }
0xc: {  	_ =	strace $0x80000047;
	s4 =	ssub.s32 $0x2, s4;
	s9 =	sshll.u32 s7, $0x4;
	v0 =	vcombine.low v4, v5  }
0xd: {  	s8 =	sadd.s32 $0x10600, s0;
	s26 =	sshrl.u32 s4, $0x1;
	s30 =	sadd.s32 s6, s9  }
0xe: {  	vm0 =	vmmov $0xffff;
	s0 =	ssub.s32 s4, s26;
	s31 =	sadd.s32 s8, s9;
	v7 =	vlaneseq.u32;
	[dreg:$0x5] =	wrdreg s30;
	[tilespmem:$0x1FFD0] =	vst v0;
	v0 =	vand.u32 $0xF, v9  }
0xf: {  	s12 =	sadd.s32 $0x200, s1;
	s0 =	smax.u32 s0, $0x1;
	[dreg:$0x6] =	wrdreg s31;
	v2 =	vshrl.u32 v7, $0x3;
	v1 =	vand.u32 $0x7, v7;
	[tilespmem:$0x1FFE0] =	vst v0;
	v0 =	vand.u32 $0xF, v6  }
0x10: {  	s26 =	simm.s32 $0x2;
	s9 =	simm.s32 $0x0;
	[dreg:$0x7] =	wrdreg s0;
	v2 =	vmul.u32 $0x8, v2;
	v3 =	vor.u32 $0x8, v7;
	v7 =	vand.u32 $0xF, v10;
	[tilespmem:$0x1FFF0] =	vst v0  }
.LBB2_1:
0x11: {  	v0 =	vimm.f32 $0.0e+00  }
0x12: {  	[tilespmem:$0x100] =	vst v0  }
0x13: {  	[tilespmem:$0x110] =	vst v0  }
0x14: {  	[tilespmem:$0x120] =	vst v0  }
0x15: {  	[tilespmem:$0x130] =	vst v0  }
0x16: {  	[tilespmem:$0x180] =	vst v0  }
0x17: {  	[tilespmem:$0x190] =	vst v0  }
0x18: {  	[dreg:$0x8] =	wrdreg s9;
	[tilespmem:$0x1A0] =	vst v0  }
0x19: {  	s0 =	rddreg [dreg:$0x5];
	[tilespmem:$0x1B0] =	vst v0  }
0x1a: {  	[tilespmem:s5], [sflag:$0x4] =	stream.linear.gather [hbm4b:s0+s5], $0x80, $0x38;
	[tilespmem:$0x15980] =	vst v63  }
0x1b: {  	_ =	swait.ge [sflag:s14], $0x80  }
0x1c: {  	[sflag:s14] =	ssyncset.done $0x0  }
0x1d: {  	s4 =	simm.s32 $0x200;
	s24 =	rddreg [dreg:$0x6];
	[sflag:s14] =	ssyncadd.s32 $0xFFFFFF80  }
0x1e: {  	[tilespmem:s4], [sflag:$0x4] =	stream.linear.gather [hbm4b:s24+s5], $0x80, $0x38;
	[tilespmem:$0x15980] =	vst v63  }
0x1f: {  	_ =	swait.ge [sflag:s14], $0x80  }
0x20: {  	[sflag:s14] =	ssyncset.done $0x0  }
0x21: {  	[sflag:s14] =	ssyncadd.s32 $0xFFFFFF80  }
0x22: {  	[tilespmem:s17], [sflag:$0x2] =	stream.indirect.gather [hbm4b:s2+s16], $0x1, s5, s16, $0xb8;
	[tilespmem:$0x15980] =	vst v63  }
0x23: {  	v8 =	vld [tilespmem:$0x0];
	_ =	sdelay $0x4  }
0x24: {  	v9 =	vshrl.u32 v8, $0x3  }
0x25: {  	v9 =	vmul.u32 $0x30, v9  }
0x26: {  	v8 =	vand.u32 $0x7, v8  }
0x27: {  	v8 =	vor.u32 v8, v9  }
0x28: {  	v9 =	vperm.xlane v8, v1;
	_ =	sdelay $0x1  }
0x29: {  	v9 =	vadd.s32 v2, v9;
	_ =	sdelay $0x3  }
0x2a: {  	s25 =	simm.s32 $0x300;
	v8 =	vperm.xlane v8, v3  }
0x2b: {  	[tilespmem:s25], [sflag:$0x1] =	stream.indirect_vreg.gather [hbm4b:s1+s5], $0x80, v9, vm0, $0xb8;
	[tilespmem:$0x15980] =	vst v63  }
0x2c: {  	s30 =	simm.s32 $0xB00;
	v8 =	vadd.s32 v2, v8  }
0x2d: {  	[tilespmem:s30], [sflag:$0x1] =	stream.indirect_vreg.gather [hbm4b:s11+s5], $0x80, v9, vm0, $0xb8;
	[tilespmem:$0x15980] =	vst v63  }
0x2e: {  	s31 =	simm.s32 $0x1300  }
0x2f: {  	[tilespmem:s31], [sflag:$0x1] =	stream.indirect_vreg.gather [hbm4b:s12+s5], $0x80, v9, vm0, $0xb8;
	[tilespmem:$0x15980] =	vst v63  }
0x30: {  	s4 =	simm.s32 $0x1B00  }
0x31: {  	[tilespmem:s4], [sflag:$0x1] =	stream.indirect_vreg.gather [hbm4b:s1+s5], $0x80, v8, vm0, $0xb8;
	[tilespmem:$0x15980] =	vst v63  }
0x32: {  	s9 =	simm.s32 $0x2300  }
0x33: {  	[tilespmem:s9], [sflag:$0x1] =	stream.indirect_vreg.gather [hbm4b:s11+s5], $0x80, v8, vm0, $0xb8;
	[tilespmem:$0x15980] =	vst v63  }
0x34: {  	s10 =	simm.s32 $0x2B00  }
0x35: {  	[tilespmem:s10], [sflag:$0x1] =	stream.indirect_vreg.gather [hbm4b:s12+s5], $0x80, v8, vm0, $0xb8;
	[tilespmem:$0x15980] =	vst v63  }
0x36: {  	v8 =	vld [tilespmem:$0x10];
	_ =	sdelay $0x4  }
0x37: {  	v61 =	vshrl.u32 v8, $0x3  }
0x38: {  	v9 =	vmul.u32 $0x30, v61  }
0x39: {  	v8 =	vand.u32 $0x7, v8  }
0x3a: {  	v8 =	vor.u32 v8, v9  }
0x3b: {  	v9 =	vperm.xlane v8, v1;
	_ =	sdelay $0x1  }
0x3c: {  	v9 =	vadd.s32 v2, v9;
	_ =	sdelay $0x3  }
0x3d: {  	s13 =	simm.s32 $0x3300;
	v8 =	vperm.xlane v8, v3  }
0x3e: {  	[tilespmem:s13], [sflag:$0x1] =	stream.indirect_vreg.gather [hbm4b:s1+s5], $0x80, v9, vm0, $0xb8;
	[tilespmem:$0x15980] =	vst v63  }
0x3f: {  	s23 =	simm.s32 $0x3B00;
	v8 =	vadd.s32 v2, v8  }
0x40: {  	[tilespmem:s23], [sflag:$0x1] =	stream.indirect_vreg.gather [hbm4b:s11+s5], $0x80, v9, vm0, $0xb8;
	[tilespmem:$0x15980] =	vst v63  }
0x41: {  	s24 =	simm.s32 $0x4300  }
0x42: {  	[tilespmem:s24], [sflag:$0x1] =	stream.indirect_vreg.gather [hbm4b:s12+s5], $0x80, v9, vm0, $0xb8;
	[tilespmem:$0x15980] =	vst v63  }
0x43: {  	s25 =	simm.s32 $0x4B00  }
0x44: {  	[tilespmem:s25], [sflag:$0x1] =	stream.indirect_vreg.gather [hbm4b:s1+s5], $0x80, v8, vm0, $0xb8;
	[tilespmem:$0x15980] =	vst v63  }
0x45: {  	s30 =	simm.s32 $0x5300  }
0x46: {  	[tilespmem:s30], [sflag:$0x1] =	stream.indirect_vreg.gather [hbm4b:s11+s5], $0x80, v8, vm0, $0xb8;
	[tilespmem:$0x15980] =	vst v63  }
0x47: {  	s31 =	simm.s32 $0x5B00  }
0x48: {  	[tilespmem:s31], [sflag:$0x1] =	stream.indirect_vreg.gather [hbm4b:s12+s5], $0x80, v8, vm0, $0xb8;
	[tilespmem:$0x15980] =	vst v63  }
0x49: {  	v8 =	vld [tilespmem:$0x20];
	_ =	sdelay $0x4  }
0x4a: {  	v62 =	vshrl.u32 v8, $0x3  }
0x4b: {  	v9 =	vmul.u32 $0x30, v62  }
0x4c: {  	v8 =	vand.u32 $0x7, v8  }
0x4d: {  	v8 =	vor.u32 v8, v9  }
0x4e: {  	v9 =	vperm.xlane v8, v1;
	_ =	sdelay $0x1  }
0x4f: {  	v9 =	vadd.s32 v2, v9;
	_ =	sdelay $0x3  }
0x50: {  	s4 =	simm.s32 $0x6300;
	v8 =	vperm.xlane v8, v3  }
0x51: {  	[tilespmem:s4], [sflag:$0x1] =	stream.indirect_vreg.gather [hbm4b:s1+s5], $0x80, v9, vm0, $0xb8;
	[tilespmem:$0x15980] =	vst v63  }
0x52: {  	s9 =	simm.s32 $0x6B00;
	v8 =	vadd.s32 v2, v8  }
0x53: {  	[tilespmem:s9], [sflag:$0x1] =	stream.indirect_vreg.gather [hbm4b:s11+s5], $0x80, v9, vm0, $0xb8;
	[tilespmem:$0x15980] =	vst v63  }
0x54: {  	s10 =	simm.s32 $0x7300  }
0x55: {  	[tilespmem:s10], [sflag:$0x1] =	stream.indirect_vreg.gather [hbm4b:s12+s5], $0x80, v9, vm0, $0xb8;
	[tilespmem:$0x15980] =	vst v63  }
0x56: {  	s13 =	simm.s32 $0x7B00  }
0x57: {  	[tilespmem:s13], [sflag:$0x1] =	stream.indirect_vreg.gather [hbm4b:s1+s5], $0x80, v8, vm0, $0xb8;
	[tilespmem:$0x15980] =	vst v63  }
0x58: {  	s23 =	simm.s32 $0x8300  }
0x59: {  	[tilespmem:s23], [sflag:$0x1] =	stream.indirect_vreg.gather [hbm4b:s11+s5], $0x80, v8, vm0, $0xb8;
	[tilespmem:$0x15980] =	vst v63  }
0x5a: {  	s24 =	simm.s32 $0x8B00  }
0x5b: {  	[tilespmem:s24], [sflag:$0x1] =	stream.indirect_vreg.gather [hbm4b:s12+s5], $0x80, v8, vm0, $0xb8;
	[tilespmem:$0x15980] =	vst v63  }
0x5c: {  	v8 =	vld.msk [tilespmem:$0x30], $0xff;
	_ =	sdelay $0x4  }
0x5d: {  	v63 =	vshrl.u32 v8, $0x3  }
0x5e: {  	v9 =	vmul.u32 $0x30, v63  }
0x5f: {  	v8 =	vand.u32 $0x7, v8  }
0x60: {  	v8 =	vor.u32 v8, v9  }
0x61: {  	v8 =	vperm.xlane v8, v1;
	_ =	sdelay $0x1  }
0x62: {  	v8 =	vadd.s32 v2, v8;
	_ =	sdelay $0x3  }
0x63: {  	s25 =	simm.s32 $0x9300  }
0x64: {  	[tilespmem:s25], [sflag:$0x1] =	stream.indirect_vreg.gather [hbm4b:s1+s5], $0x80, v8, vm0, $0xb8;
	[tilespmem:$0x15980] =	vst v63  }
0x65: {  	s30 =	simm.s32 $0x9B00  }
0x66: {  	[tilespmem:s30], [sflag:$0x1] =	stream.indirect_vreg.gather [hbm4b:s11+s5], $0x80, v8, vm0, $0xb8;
	[tilespmem:$0x15980] =	vst v63  }
0x67: {  	s31 =	simm.s32 $0xA300;
	s23 =	simm.s32 $0x0  }
0x68: {  	[tilespmem:s31], [sflag:$0x1] =	stream.indirect_vreg.gather [hbm4b:s12+s5], $0x80, v8, vm0, $0xb8;
	[tilespmem:$0x15980] =	vst v63  }
.LBB2_2:
0x69: {  	s30 =	sshll.u32 s23, $0x1  }
0x6a: {  	s24 =	sshllo.u32 s23, $0x1;
	s25 =	sor.u32 s7, s30  }
0x6b: {  	s4 =	sshll.u32 s24, $0x4;
	s0 =	sshll.u32 s25, $0x4  }
0x6c: {  	s4 =	sand.u32 $0x70, s4;
	s0 =	sand.u32 $0xFF80, s0  }
0x6d: {  	s0 =	sor.u32 s4, s0  }
0x6e: {  	s4 =	sadd.s32 s6, s0  }
0x6f: {  	[tilespmem:s20], [sflag:$0x4] =	stream.linear.gather [hbm4b:s4+s5], $0x80, $0x38;
	[tilespmem:$0x15980] =	vst v63  }
0x70: {  	_ =	swait.ge [sflag:s14], $0x80  }
0x71: {  	[sflag:s14] =	ssyncset.done $0x0  }
0x72: {  	s13 =	simm.s32 $0x280;
	s0 =	sadd.s32 s8, s0;
	[sflag:s14] =	ssyncadd.s32 $0xFFFFFF80  }
0x73: {  	[tilespmem:s13], [sflag:$0x4] =	stream.linear.gather [hbm4b:s0+s5], $0x80, $0x38;
	[tilespmem:$0x15980] =	vst v63  }
0x74: {  	_ =	swait.ge [sflag:s14], $0x80  }
0x75: {  	[sflag:s14] =	ssyncset.done $0x0  }
0x76: {  	s4 =	simm.s32 $0x180;
	[sflag:s14] =	ssyncadd.s32 $0xFFFFFF80  }
0x77: {  	[tilespmem:s4], [sflag:$0x2] =	stream.indirect.gather [hbm4b:s2+s16], $0x1, s20, s16, $0xb8;
	[tilespmem:$0x15980] =	vst v63  }
0x78: {  	v8 =	vld [tilespmem:$0x80];
	_ =	sdelay $0x4  }
0x79: {  	v9 =	vshrl.u32 v8, $0x3  }
0x7a: {  	v9 =	vmul.u32 $0x30, v9  }
0x7b: {  	v8 =	vand.u32 $0x7, v8  }
0x7c: {  	v8 =	vor.u32 v8, v9  }
0x7d: {  	v9 =	vperm.xlane v8, v1;
	_ =	sdelay $0x1  }
0x7e: {  	v9 =	vadd.s32 v2, v9;
	_ =	sdelay $0x3  }
0x7f: {  	s9 =	simm.s32 $0xAB00;
	v8 =	vperm.xlane v8, v3  }
0x80: {  	[tilespmem:s9], [sflag:$0x1] =	stream.indirect_vreg.gather [hbm4b:s1+s5], $0x80, v9, vm0, $0xb8;
	[tilespmem:$0x15980] =	vst v63  }
0x81: {  	s10 =	simm.s32 $0xB300;
	v8 =	vadd.s32 v2, v8  }
0x82: {  	[tilespmem:s10], [sflag:$0x1] =	stream.indirect_vreg.gather [hbm4b:s11+s5], $0x80, v9, vm0, $0xb8;
	[tilespmem:$0x15980] =	vst v63  }
0x83: {  	s13 =	simm.s32 $0xBB00  }
0x84: {  	[tilespmem:s13], [sflag:$0x1] =	stream.indirect_vreg.gather [hbm4b:s12+s5], $0x80, v9, vm0, $0xb8;
	[tilespmem:$0x15980] =	vst v63  }
0x85: {  	s4 =	simm.s32 $0xC300  }
0x86: {  	[tilespmem:s4], [sflag:$0x1] =	stream.indirect_vreg.gather [hbm4b:s1+s5], $0x80, v8, vm0, $0xb8;
	[tilespmem:$0x15980] =	vst v63  }
0x87: {  	s9 =	simm.s32 $0xCB00  }
0x88: {  	[tilespmem:s9], [sflag:$0x1] =	stream.indirect_vreg.gather [hbm4b:s11+s5], $0x80, v8, vm0, $0xb8;
	[tilespmem:$0x15980] =	vst v63  }
0x89: {  	s10 =	simm.s32 $0xD300  }
0x8a: {  	[tilespmem:s10], [sflag:$0x1] =	stream.indirect_vreg.gather [hbm4b:s12+s5], $0x80, v8, vm0, $0xb8;
	[tilespmem:$0x15980] =	vst v63  }
0x8b: {  	v8 =	vld [tilespmem:$0x90];
	_ =	sdelay $0x4  }
0x8c: {  	v9 =	vshrl.u32 v8, $0x3  }
0x8d: {  	v9 =	vmul.u32 $0x30, v9  }
0x8e: {  	v8 =	vand.u32 $0x7, v8  }
0x8f: {  	v8 =	vor.u32 v8, v9  }
0x90: {  	v9 =	vperm.xlane v8, v1;
	_ =	sdelay $0x1  }
0x91: {  	v9 =	vadd.s32 v2, v9;
	_ =	sdelay $0x3  }
0x92: {  	s13 =	simm.s32 $0xDB00;
	v8 =	vperm.xlane v8, v3  }
0x93: {  	[tilespmem:s13], [sflag:$0x1] =	stream.indirect_vreg.gather [hbm4b:s1+s5], $0x80, v9, vm0, $0xb8;
	[tilespmem:$0x15980] =	vst v63  }
0x94: {  	s4 =	simm.s32 $0xE300;
	v8 =	vadd.s32 v2, v8  }
0x95: {  	[tilespmem:s4], [sflag:$0x1] =	stream.indirect_vreg.gather [hbm4b:s11+s5], $0x80, v9, vm0, $0xb8;
	[tilespmem:$0x15980] =	vst v63  }
0x96: {  	s9 =	simm.s32 $0xEB00  }
0x97: {  	[tilespmem:s9], [sflag:$0x1] =	stream.indirect_vreg.gather [hbm4b:s12+s5], $0x80, v9, vm0, $0xb8;
	[tilespmem:$0x15980] =	vst v63  }
0x98: {  	s10 =	simm.s32 $0xF300  }
0x99: {  	[tilespmem:s10], [sflag:$0x1] =	stream.indirect_vreg.gather [hbm4b:s1+s5], $0x80, v8, vm0, $0xb8;
	[tilespmem:$0x15980] =	vst v63  }
0x9a: {  	s13 =	simm.s32 $0xFB00  }
0x9b: {  	[tilespmem:s13], [sflag:$0x1] =	stream.indirect_vreg.gather [hbm4b:s11+s5], $0x80, v8, vm0, $0xb8;
	[tilespmem:$0x15980] =	vst v63  }
0x9c: {  	s4 =	simm.s32 $0x10300  }
0x9d: {  	[tilespmem:s4], [sflag:$0x1] =	stream.indirect_vreg.gather [hbm4b:s12+s5], $0x80, v8, vm0, $0xb8;
	[tilespmem:$0x15980] =	vst v63  }
0x9e: {  	v8 =	vld [tilespmem:$0xA0];
	_ =	sdelay $0x4  }
0x9f: {  	v9 =	vshrl.u32 v8, $0x3  }
0xa0: {  	v9 =	vmul.u32 $0x30, v9  }
0xa1: {  	v8 =	vand.u32 $0x7, v8  }
0xa2: {  	v8 =	vor.u32 v8, v9  }
0xa3: {  	v9 =	vperm.xlane v8, v1;
	_ =	sdelay $0x1  }
0xa4: {  	v9 =	vadd.s32 v2, v9;
	_ =	sdelay $0x3  }
0xa5: {  	s9 =	simm.s32 $0x10B00;
	v8 =	vperm.xlane v8, v3  }
0xa6: {  	[tilespmem:s9], [sflag:$0x1] =	stream.indirect_vreg.gather [hbm4b:s1+s5], $0x80, v9, vm0, $0xb8;
	[tilespmem:$0x15980] =	vst v63  }
0xa7: {  	s10 =	simm.s32 $0x11300;
	v8 =	vadd.s32 v2, v8  }
0xa8: {  	[tilespmem:s10], [sflag:$0x1] =	stream.indirect_vreg.gather [hbm4b:s11+s5], $0x80, v9, vm0, $0xb8;
	[tilespmem:$0x15980] =	vst v63  }
0xa9: {  	s13 =	simm.s32 $0x11B00  }
0xaa: {  	[tilespmem:s13], [sflag:$0x1] =	stream.indirect_vreg.gather [hbm4b:s12+s5], $0x80, v9, vm0, $0xb8;
	[tilespmem:$0x15980] =	vst v63  }
0xab: {  	s4 =	simm.s32 $0x12300  }
0xac: {  	[tilespmem:s4], [sflag:$0x1] =	stream.indirect_vreg.gather [hbm4b:s1+s5], $0x80, v8, vm0, $0xb8;
	[tilespmem:$0x15980] =	vst v63  }
0xad: {  	s9 =	simm.s32 $0x12B00  }
0xae: {  	[tilespmem:s9], [sflag:$0x1] =	stream.indirect_vreg.gather [hbm4b:s11+s5], $0x80, v8, vm0, $0xb8;
	[tilespmem:$0x15980] =	vst v63  }
0xaf: {  	s10 =	simm.s32 $0x13300  }
0xb0: {  	[tilespmem:s10], [sflag:$0x1] =	stream.indirect_vreg.gather [hbm4b:s12+s5], $0x80, v8, vm0, $0xb8;
	[tilespmem:$0x15980] =	vst v63  }
0xb1: {  	v8 =	vld.msk [tilespmem:$0xB0], $0xff;
	_ =	sdelay $0x4  }
0xb2: {  	v9 =	vshrl.u32 v8, $0x3  }
0xb3: {  	v9 =	vmul.u32 $0x30, v9  }
0xb4: {  	v8 =	vand.u32 $0x7, v8  }
0xb5: {  	v8 =	vor.u32 v8, v9  }
0xb6: {  	v8 =	vperm.xlane v8, v1;
	_ =	sdelay $0x1  }
0xb7: {  	v8 =	vadd.s32 v2, v8;
	_ =	sdelay $0x3  }
0xb8: {  	s13 =	simm.s32 $0x13B00  }
0xb9: {  	[tilespmem:s13], [sflag:$0x1] =	stream.indirect_vreg.gather [hbm4b:s1+s5], $0x80, v8, vm0, $0xb8;
	[tilespmem:$0x15980] =	vst v63  }
0xba: {  	s4 =	simm.s32 $0x14300  }
0xbb: {  	[tilespmem:s4], [sflag:$0x1] =	stream.indirect_vreg.gather [hbm4b:s11+s5], $0x80, v8, vm0, $0xb8;
	[tilespmem:$0x15980] =	vst v63  }
0xbc: {  	s9 =	simm.s32 $0x14B00  }
0xbd: {  	[tilespmem:s9], [sflag:$0x1] =	stream.indirect_vreg.gather [hbm4b:s12+s5], $0x80, v8, vm0, $0xb8;
	[tilespmem:$0x15980] =	vst v63  }
0xbe: {  	_ =	swait.ge [sflag:s26], $0x38  }
0xbf: {  	[sflag:s26] =	ssyncset.done $0x0  }
0xc0: {  	[sflag:s26] =	ssyncadd.s32 $0xFFFFFFC8  }
0xc1: {  	_ =	swait.ge [sflag:s28], $0xA800  }
0xc2: {  	p0 =	seq.s32 s23, $0x0;
	[sflag:s28] =	ssyncset.done $0x0  }
0xc3: {  	s0 =	simm.s32 @!p0 $0x3;
	[sflag:s28] =	ssyncadd.s32 $0xFFFF5800  }
0xc4: {  	_ =	swait.ge @!p0 [sflag:s0], $0x300  }
0xc5: {  	[sflag:s0] =	ssyncset.done @!p0 $0x0  }
0xc6: {  	[sflag:s0] =	ssyncadd.s32 @!p0 $0xFFFFFD00  }
0xc7: {  	v8 =	vld [tilespmem:$0x200]  }
0xc8: {  	v9 =	vld [tilespmem:$0x100]  }
0xc9: {  	v10 =	vld [tilespmem:$0x210]  }
0xca: {  	v11 =	vld [tilespmem:$0x110]  }
0xcb: {  	v12 =	vld [tilespmem:$0x220]  }
0xcc: {  	v13 =	vld [tilespmem:$0x120];
	v8 =	vcvt.s32.f32 v8  }
0xcd: {  	v14 =	vld [tilespmem:$0x230]  }
0xce: {  	v8 =	vmul.f32 v8, v9;
	v9 =	vcvt.s32.f32 v10  }
0xcf: {  	v10 =	vld [tilespmem:$0x130]  }
0xd0: {  	v15 =	vadd.f32 $0.0e+00, v8;
	v9 =	vmul.f32 v9, v11;
	v11 =	vcvt.s32.f32 v12  }
0xd1: {  	v0 =	vld [tilespmem:$0x1FFD0]  }
0xd2: {  	v12 =	vadd.f32 v9, v15;
	v11 =	vmul.f32 v11, v13;
	v13 =	vcvt.s32.f32 v14;
	_ =	sdelay $0x1  }
0xd3: {  	v12 =	vadd.f32 v11, v12;
	v10 =	vmul.f32 v13, v10;
	_ =	sdelay $0x1  }
0xd4: {  	v12 =	vadd.f32 v10, v12;
	_ =	sdelay $0x1  }
0xd5: {  	[tilespmem:$0x15900] =	vst v12  }
0xd6: {  	v13 =	vld.idx.msk [tilespmem:v0+s29+$0x0], $0xffff  }
0xd7: {  	v0 =	vld [tilespmem:$0x1FFE0];
	_ =	sdelay $0x4  }
0xd8: {  	v12 =	vadd.f32 v12, v13;
	_ =	sdelay $0x1  }
0xd9: {  	[tilespmem:$0x15900] =	vst v12  }
0xda: {  	v13 =	vld.idx.msk [tilespmem:v0+s29+$0x0], $0xffff  }
0xdb: {  	v0 =	vld [tilespmem:$0x1FFF0];
	_ =	sdelay $0x4  }
0xdc: {  	v12 =	vadd.f32 v13, v12;
	_ =	sdelay $0x1  }
0xdd: {  	[tilespmem:$0x15900] =	vst v12  }
0xde: {  	v13 =	vld.idx.msk [tilespmem:v0+s29+$0x0], $0xffff;
	_ =	sdelay $0x4  }
0xdf: {  	v12 =	vadd.f32 v13, v12;
	_ =	sdelay $0x1  }
0xe0: {  	[tilespmem:$0x15900] =	vst v12  }
0xe1: {  	v13 =	vld.idx.msk [tilespmem:v7+s29+$0x0], $0xffff;
	_ =	sdelay $0x4  }
0xe2: {  	v12 =	vadd.f32 v13, v12;
	_ =	sdelay $0x1  }
0xe3: {  	(erf) = vrcp.f32 v12;
	_ =	sdelay $0x8  }
0xe4: {  	v12 =	vpop (erf)  }
0xe5: {  	s31 =	simm.s32 $0x0;
	v8 =	vmul.f32 v12, v8  }
0xe6: {  	v13 =	vmov s31;
	v9 =	vmul.f32 v12, v9  }
0xe7: {  	s10 =	simm.s32 $0x0;
	[tilespmem:$0x100] =	vst v8;
	v8 =	vmul.f32 v12, v11  }
0xe8: {  	s0 =	smul.u32 $0x6000, s10;
	[tilespmem:$0x110] =	vst v9;
	v9 =	vmul.f32 v12, v10  }
0xe9: {  	[tilespmem:$0x120] =	vst v8  }
0xea: {  	s13 =	sand.u32 $0x380, s31;
	s0 =	sshra.s32 s0, $0x2;
	[tilespmem:$0x130] =	vst v9  }
0xeb: {  	s0 =	sor.u32 s13, s0;
	v9 =	vld.idx.msk [tilespmem:v13+s17+$0x0], $0xffff  }
0xec: {  	v8 =	vld [tilespmem:s0+$0xB70]  }
0xed: {  	v10 =	vld [tilespmem:s0+$0x300]  }
0xee: {  	v11 =	vld [tilespmem:s0+$0x310]  }
0xef: {  	v12 =	vld [tilespmem:s0+$0x320]  }
0xf0: {  	v13 =	vld [tilespmem:s0+$0x330]  }
0xf1: {  	v14 =	vld [tilespmem:s0+$0x340]  }
0xf2: {  	v15 =	vld [tilespmem:s0+$0x350]  }
0xf3: {  	v16 =	vld [tilespmem:s0+$0x360]  }
0xf4: {  	v19 =	vimm.f32 $0.0e+00;
	v17 =	vld [tilespmem:s0+$0x370]  }
0xf5: {  	v32 =	vimm.f32 $0.0e+00;
	v31 =	vimm.f32 $0.0e+00;
	v30 =	vimm.f32 $0.0e+00;
	v18 =	vld [tilespmem:s0+$0x700]  }
0xf6: {  	v28 =	vimm.f32 $0.0e+00;
	s4 =	simm.s32 $0x1;
	v20 =	vld [tilespmem:s0+$0x710];
	v8 =	vmul.f32 v8, v9;
	v11 =	vmul.f32 v11, v9  }
0xf7: {  	v40 =	vmov s4;
	v25 =	vld [tilespmem:s0+$0x720];
	v10 =	vmul.f32 v10, v9;
	v13 =	vmul.f32 v13, v9  }
0xf8: {  	v12 =	vmul.f32 v12, v9;
	v8 =	vadd.f32 v8, v19;
	v27 =	vadd.f32 v11, v19;
	v11 =	vld [tilespmem:s0+$0x730]  }
0xf9: {  	v29 =	vadd.f32 v10, v19;
	v10 =	vmul.f32 v14, v9;
	v24 =	vadd.f32 v13, v19;
	v13 =	vld [tilespmem:s0+$0x740]  }
0xfa: {  	v26 =	vadd.f32 v12, v19;
	v12 =	vmul.f32 v15, v9;
	v14 =	vmul.f32 v17, v9;
	v17 =	vld [tilespmem:s0+$0x750]  }
0xfb: {  	v15 =	vmul.f32 v20, v9;
	v23 =	vadd.f32 v10, v19;
	v10 =	vmul.f32 v16, v9  }
0xfc: {  	v22 =	vadd.f32 v12, v19;
	v12 =	vmul.f32 v18, v9;
	v20 =	vadd.f32 v14, v19  }
0xfd: {  	v37 =	vld [tilespmem:s0+$0x760];
	v15 =	vadd.f32 v15, v19;
	v21 =	vadd.f32 v10, v19;
	v10 =	vmul.f32 v25, v9  }
0xfe: {  	v36 =	vld [tilespmem:s0+$0x770];
	v18 =	vadd.f32 v12, v19;
	v25 =	vimm.f32 $0.0e+00;
	v11 =	vmul.f32 v11, v9  }
0xff: {  	v35 =	vld [tilespmem:s0+$0xB00];
	v12 =	vimm.f32 $0.0e+00;
	v38 =	vmul.f32 v13, v9;
	v39 =	vmul.f32 v17, v9  }
0x100: {  	v34 =	vld [tilespmem:s0+$0xB10];
	v17 =	vimm.f32 $0.0e+00;
	v13 =	vimm.f32 $0.0e+00;
	v14 =	vadd.f32 v10, v19  }
0x101: {  	s9 =	simm.s32 $0x2;
	v33 =	vld [tilespmem:s0+$0xB20];
	v10 =	vimm.f32 $0.0e+00;
	v16 =	vadd.f32 v11, v19;
	v11 =	vimm.f32 $0.0e+00  }
.LBB2_3:
0x102: {  	p1 =	sne.s32 s9, $0x31;
	s10 =	sshrl.u32 s4, $0x3;
	v19 =	vadd.f32 v38, v19;
	v37 =	vmul.f32 v37, v9;
	v38 =	vld [tilespmem:s0+$0xB30];
	s4 =	smov.u32 s9  }
0x103: {  	s10 =	smul.u32 $0x6000, s10;
	v32 =	vadd.f32 v39, v32;
	v36 =	vmul.f32 v36, v9;
	v39 =	vld [tilespmem:s0+$0xB40]  }
0x104: {  	s31 =	sadd.s32 $0x80, s31;
	v31 =	vadd.f32 v37, v31;
	v35 =	vmul.f32 v35, v9;
	v37 =	vld [tilespmem:s0+$0xB50]  }
0x105: {  	s13 =	sand.u32 $0x380, s31;
	s10 =	sshra.s32 s10, $0x2;
	v30 =	vadd.f32 v36, v30;
	v34 =	vmul.f32 v34, v9;
	v36 =	vld [tilespmem:s0+$0xB60]  }
0x106: {  	v40 =	vld.idx.msk [tilespmem:v40+s17+$0x0], $0xffff;
	s0 =	sor.u32 s13, s10;
	v28 =	vadd.f32 v35, v28;
	v33 =	vmul.f32 v33, v9  }
0x107: {  	v35 =	vld [tilespmem:s0+$0xB70];
	v25 =	vadd.f32 v34, v25;
	v34 =	vmul.f32 v38, v9  }
0x108: {  	v38 =	vld [tilespmem:s0+$0x300];
	v17 =	vadd.f32 v33, v17;
	v33 =	vmul.f32 v39, v9  }
0x109: {  	v39 =	vld [tilespmem:s0+$0x310];
	v13 =	vadd.f32 v34, v13;
	v34 =	vmul.f32 v37, v9  }
0x10a: {  	v37 =	vld [tilespmem:s0+$0x320];
	v12 =	vadd.f32 v33, v12;
	v0 =	vmul.f32 v36, v9  }
0x10b: {  	v33 =	vld [tilespmem:s0+$0x330];
	v11 =	vadd.f32 v34, v11  }
0x10c: {  	v9 =	vmov v40;
	v34 =	vld [tilespmem:s0+$0x340];
	v35 =	vmul.f32 v35, v40;
	v10 =	vadd.f32 v0, v10  }
0x10d: {  	v36 =	vmul.f32 v38, v9;
	v38 =	vld [tilespmem:s0+$0x350]  }
0x10e: {  	v39 =	vmul.f32 v39, v9;
	v40 =	vld [tilespmem:s0+$0x360];
	v8 =	vadd.f32 v35, v8  }
0x10f: {  	v29 =	vadd.f32 v36, v29;
	v35 =	vmul.f32 v37, v9;
	v36 =	vld [tilespmem:s0+$0x370]  }
0x110: {  	v27 =	vadd.f32 v39, v27;
	v33 =	vmul.f32 v33, v9;
	v37 =	vld [tilespmem:s0+$0x700]  }
0x111: {  	v26 =	vadd.f32 v35, v26;
	v34 =	vmul.f32 v34, v9;
	v35 =	vld [tilespmem:s0+$0x710]  }
0x112: {  	v24 =	vadd.f32 v33, v24;
	v33 =	vmul.f32 v38, v9;
	v38 =	vld [tilespmem:s0+$0x720]  }
0x113: {  	v23 =	vadd.f32 v34, v23;
	v34 =	vmul.f32 v40, v9;
	v39 =	vld [tilespmem:s0+$0x730]  }
0x114: {  	v22 =	vadd.f32 v33, v22;
	v33 =	vmul.f32 v36, v9;
	v40 =	vld [tilespmem:s0+$0x740]  }
0x115: {  	v21 =	vadd.f32 v34, v21;
	v34 =	vmul.f32 v37, v9;
	v41 =	vld [tilespmem:s0+$0x750]  }
.Ltmp0:
0x116: {  	v20 =	vadd.f32 v33, v20;
	v33 =	vmul.f32 v35, v9;
	v37 =	vld [tilespmem:s0+$0x760];
	(pc) =	sbr.rel @p1 .LBB2_3-.Ltmp0, $4  }
0x117: {  	v18 =	vadd.f32 v34, v18;
	v34 =	vmul.f32 v38, v9;
	v36 =	vld [tilespmem:s0+$0x770]  }
0x118: {  	v15 =	vadd.f32 v33, v15;
	v33 =	vmul.f32 v39, v9;
	v35 =	vld [tilespmem:s0+$0xB00]  }
0x119: {  	v14 =	vadd.f32 v34, v14;
	v38 =	vmul.f32 v40, v9;
	v34 =	vld [tilespmem:s0+$0xB10]  }
0x11a: {  	s9 =	sadd.s32 $0x1, s9;
	v40 =	vmov s4;
	v16 =	vadd.f32 v33, v16;
	v39 =	vmul.f32 v41, v9;
	v33 =	vld [tilespmem:s0+$0xB20]  }
0x11b: {  	s4 =	sshrl.u32 s4, $0x3;
	v41 =	vld [tilespmem:s0+$0xB30]  }
0x11c: {  	v42 =	vld [tilespmem:s0+$0xB40];
	s4 =	smul.u32 $0x6000, s4  }
0x11d: {  	v43 =	vld [tilespmem:s0+$0xB50];
	s9 =	sadd.s32 $0x80, s31  }
0x11e: {  	v44 =	vld [tilespmem:s0+$0xB60];
	s9 =	sand.u32 $0x380, s9;
	s4 =	sshra.s32 s4, $0x2  }
0x11f: {  	v40 =	vld.idx.msk [tilespmem:v40+s17+$0x0], $0xffff;
	s9 =	sor.u32 s9, s4  }
0x120: {  	v45 =	vld [tilespmem:s9+$0xB70]  }
0x121: {  	v46 =	vld [tilespmem:s9+$0x300]  }
0x122: {  	v47 =	vld [tilespmem:s9+$0x310]  }
0x123: {  	v48 =	vld [tilespmem:s9+$0x320]  }
0x124: {  	v49 =	vld [tilespmem:s9+$0x330]  }
0x125: {  	v50 =	vld [tilespmem:s9+$0x340]  }
0x126: {  	v51 =	vld [tilespmem:s9+$0x350]  }
0x127: {  	v52 =	vld [tilespmem:s9+$0x360]  }
0x128: {  	v53 =	vld [tilespmem:s9+$0x370]  }
0x129: {  	v54 =	vld [tilespmem:s9+$0x700]  }
0x12a: {  	v55 =	vld [tilespmem:s9+$0x710]  }
0x12b: {  	v56 =	vld [tilespmem:s9+$0x720]  }
0x12c: {  	v57 =	vld [tilespmem:s9+$0x730]  }
0x12d: {  	v58 =	vld [tilespmem:s9+$0x740]  }
0x12e: {  	v59 =	vld [tilespmem:s9+$0x750]  }
0x12f: {  	v60 =	vld [tilespmem:s9+$0x760]  }
0x130: {  	v61 =	vld [tilespmem:s9+$0x770]  }
0x131: {  	v62 =	vld [tilespmem:s9+$0xB00]  }
0x132: {  	v63 =	vld [tilespmem:s9+$0xB10]  }
0x133: {  	v0 =	vld [tilespmem:s9+$0xB20];
	v46 =	vmul.f32 v46, v40  }
0x134: {  	v4 =	vld [tilespmem:s9+$0xB30];
	v47 =	vmul.f32 v47, v40  }
0x135: {  	v19 =	vadd.f32 v38, v19;
	v5 =	vld [tilespmem:s9+$0xB40];
	v38 =	vmul.f32 v49, v40;
	v29 =	vadd.f32 v46, v29  }
0x136: {  	v49 =	vld [tilespmem:s9+$0xB60];
	v51 =	vmul.f32 v51, v40;
	v27 =	vadd.f32 v47, v27  }
0x137: {  	v46 =	vmul.f32 v48, v40;
	v48 =	vld [tilespmem:s9+$0xB50];
	v24 =	vadd.f32 v38, v24;
	[tilespmem:$0x15300] =	vst v29;
	v29 =	vmul.f32 v50, v40  }
0x138: {  	v32 =	vadd.f32 v39, v32;
	v0 =	vmul.f32 v0, v40;
	v22 =	vadd.f32 v51, v22;
	[tilespmem:$0x15310] =	vst v27  }
0x139: {  	v4 =	vmul.f32 v4, v40;
	[tilespmem:$0x15330] =	vst v24;
	v24 =	vmul.f32 v53, v40;
	v23 =	vadd.f32 v29, v23  }
0x13a: {  	v26 =	vadd.f32 v46, v26;
	v27 =	vmul.f32 v37, v9;
	[tilespmem:$0x15350] =	vst v22;
	v29 =	vmul.f32 v52, v40  }
0x13b: {  	v22 =	vmul.f32 v35, v9;
	v20 =	vadd.f32 v24, v20;
	[tilespmem:$0x15340] =	vst v23;
	v23 =	vmul.f32 v54, v40  }
0x13c: {  	[tilespmem:$0x15320] =	vst v26;
	v26 =	vmul.f32 v36, v9;
	v24 =	vmul.f32 v55, v40;
	v21 =	vadd.f32 v29, v21  }
0x13d: {  	v27 =	vadd.f32 v27, v31;
	[tilespmem:$0x15370] =	vst v20;
	v20 =	vmul.f32 v57, v40;
	v18 =	vadd.f32 v23, v18  }
0x13e: {  	v22 =	vadd.f32 v22, v28;
	v15 =	vadd.f32 v24, v15;
	[tilespmem:$0x15360] =	vst v21;
	v23 =	vmul.f32 v56, v40  }
0x13f: {  	v26 =	vadd.f32 v26, v30;
	v16 =	vadd.f32 v20, v16;
	[tilespmem:$0x15400] =	vst v18;
	v18 =	vmul.f32 v58, v40  }
0x140: {  	[tilespmem:$0x15410] =	vst v15;
	v15 =	vmul.f32 v33, v9;
	v20 =	vmul.f32 v59, v40;
	v14 =	vadd.f32 v23, v14  }
0x141: {  	v21 =	vmul.f32 v34, v9;
	[tilespmem:$0x15430] =	vst v16;
	v18 =	vadd.f32 v18, v19;
	v19 =	vmul.f32 v60, v40  }
0x142: {  	[tilespmem:$0x15420] =	vst v14;
	v14 =	vadd.f32 v15, v17;
	v15 =	vadd.f32 v20, v32;
	v17 =	vmul.f32 v61, v40  }
0x143: {  	v23 =	vmul.f32 v41, v9;
	v20 =	vmul.f32 v62, v40;
	v19 =	vadd.f32 v19, v27;
	[tilespmem:$0x15440] =	vst v18  }
0x144: {  	v21 =	vadd.f32 v21, v25;
	v16 =	vmul.f32 v42, v9;
	v17 =	vadd.f32 v17, v26;
	[tilespmem:$0x15450] =	vst v15  }
0x145: {  	v5 =	vmul.f32 v5, v40;
	v13 =	vadd.f32 v23, v13;
	v20 =	vadd.f32 v20, v22;
	[tilespmem:$0x15460] =	vst v19  }
0x146: {  	v12 =	vadd.f32 v16, v12;
	v15 =	vmul.f32 v43, v9;
	v0 =	vadd.f32 v0, v14;
	[tilespmem:$0x15470] =	vst v17  }
0x147: {  	v18 =	vmul.f32 v63, v40;
	v9 =	vmul.f32 v44, v9;
	v4 =	vadd.f32 v4, v13;
	[tilespmem:$0x15500] =	vst v20  }
0x148: {  	v13 =	vmul.f32 v48, v40;
	v5 =	vadd.f32 v5, v12;
	v11 =	vadd.f32 v15, v11;
	[tilespmem:$0x15520] =	vst v0  }
0x149: {  	s31 =	simm.s32 $0x0;
	v16 =	vadd.f32 v18, v21;
	v9 =	vadd.f32 v9, v10;
	v10 =	vmul.f32 v49, v40;
	[tilespmem:$0x15530] =	vst v4  }
0x14a: {  	v0 =	vmul.f32 v45, v40;
	v4 =	vmov s31;
	[tilespmem:$0x15540] =	vst v5;
	v11 =	vadd.f32 v13, v11  }
0x14b: {  	s10 =	simm.s32 $0x0;
	[tilespmem:$0x15510] =	vst v16;
	v9 =	vadd.f32 v10, v9  }
0x14c: {  	s0 =	smul.u32 $0x6000, s10;
	v0 =	vadd.f32 v0, v8;
	[tilespmem:$0x15550] =	vst v11  }
0x14d: {  	[tilespmem:$0x15560] =	vst v9  }
0x14e: {  	s13 =	sand.u32 $0x380, s31;
	s0 =	sshra.s32 s0, $0x2;
	[tilespmem:$0x15570] =	vst v0  }
0x14f: {  	s0 =	sor.u32 s13, s0;
	v9 =	vld.idx.msk [tilespmem:v4+s17+$0x0], $0xffff  }
0x150: {  	v0 =	vld [tilespmem:s0+$0x1770]  }
0x151: {  	v4 =	vld [tilespmem:s0+$0xF00]  }
0x152: {  	v5 =	vld [tilespmem:s0+$0xF10]  }
0x153: {  	v10 =	vld [tilespmem:s0+$0xF20]  }
0x154: {  	v11 =	vld [tilespmem:s0+$0xF30]  }
0x155: {  	v12 =	vld [tilespmem:s0+$0xF40]  }
0x156: {  	v13 =	vld [tilespmem:s0+$0xF50]  }
0x157: {  	v31 =	vimm.f32 $0.0e+00;
	v14 =	vld [tilespmem:s0+$0xF60]  }
0x158: {  	v28 =	vimm.f32 $0.0e+00;
	v30 =	vimm.f32 $0.0e+00;
	v25 =	vimm.f32 $0.0e+00;
	v15 =	vld [tilespmem:s0+$0xF70]  }
0x159: {  	s4 =	simm.s32 $0x1;
	v32 =	vimm.f32 $0.0e+00;
	v19 =	vimm.f32 $0.0e+00;
	v16 =	vld [tilespmem:s0+$0x1300];
	v0 =	vmul.f32 v0, v9  }
0x15a: {  	v40 =	vmov s4;
	v17 =	vld [tilespmem:s0+$0x1310];
	v4 =	vmul.f32 v4, v9;
	v5 =	vmul.f32 v5, v9  }
0x15b: {  	v8 =	vadd.f32 v0, v19;
	v0 =	vmul.f32 v10, v9;
	v10 =	vmul.f32 v11, v9;
	v11 =	vld [tilespmem:s0+$0x1320]  }
0x15c: {  	v29 =	vadd.f32 v4, v19;
	v27 =	vadd.f32 v5, v19;
	v4 =	vmul.f32 v12, v9;
	v5 =	vld [tilespmem:s0+$0x1330]  }
0x15d: {  	v12 =	vmul.f32 v15, v9;
	v26 =	vadd.f32 v0, v19;
	v24 =	vadd.f32 v10, v19;
	v10 =	vld [tilespmem:s0+$0x1340]  }
0x15e: {  	v0 =	vmul.f32 v13, v9;
	v23 =	vadd.f32 v4, v19;
	v4 =	vmul.f32 v14, v9;
	v13 =	vld [tilespmem:s0+$0x1350]  }
0x15f: {  	v14 =	vmul.f32 v17, v9;
	v20 =	vadd.f32 v12, v19;
	v17 =	vimm.f32 $0.0e+00  }
0x160: {  	v37 =	vld [tilespmem:s0+$0x1360];
	v12 =	vimm.f32 $0.0e+00;
	v22 =	vadd.f32 v0, v19;
	v0 =	vmul.f32 v16, v9  }
0x161: {  	v36 =	vld [tilespmem:s0+$0x1370];
	v21 =	vadd.f32 v4, v19;
	v15 =	vadd.f32 v14, v19;
	v4 =	vmul.f32 v11, v9  }
0x162: {  	v35 =	vld [tilespmem:s0+$0x1700];
	v11 =	vimm.f32 $0.0e+00;
	v18 =	vadd.f32 v0, v19;
	v0 =	vmul.f32 v5, v9  }
0x163: {  	v34 =	vld [tilespmem:s0+$0x1710];
	v14 =	vadd.f32 v4, v19;
	v38 =	vmul.f32 v10, v9;
	v39 =	vmul.f32 v13, v9  }
0x164: {  	s9 =	simm.s32 $0x2;
	v33 =	vld [tilespmem:s0+$0x1720];
	v13 =	vimm.f32 $0.0e+00;
	v10 =	vimm.f32 $0.0e+00;
	v16 =	vadd.f32 v0, v19  }
.LBB2_5:
0x165: {  	p1 =	sne.s32 s9, $0x31;
	s10 =	sshrl.u32 s4, $0x3;
	v19 =	vadd.f32 v38, v19;
	v0 =	vmul.f32 v37, v9;
	v4 =	vld [tilespmem:s0+$0x1730];
	s4 =	smov.u32 s9  }
0x166: {  	s10 =	smul.u32 $0x6000, s10;
	v32 =	vadd.f32 v39, v32;
	v5 =	vmul.f32 v36, v9;
	v36 =	vld [tilespmem:s0+$0x1740]  }
0x167: {  	s31 =	sadd.s32 $0x80, s31;
	v31 =	vadd.f32 v0, v31;
	v0 =	vmul.f32 v35, v9;
	v35 =	vld [tilespmem:s0+$0x1750]  }
0x168: {  	s13 =	sand.u32 $0x380, s31;
	s10 =	sshra.s32 s10, $0x2;
	v30 =	vadd.f32 v5, v30;
	v5 =	vmul.f32 v34, v9;
	v34 =	vld [tilespmem:s0+$0x1760]  }
0x169: {  	v37 =	vld.idx.msk [tilespmem:v40+s17+$0x0], $0xffff;
	s0 =	sor.u32 s13, s10;
	v28 =	vadd.f32 v0, v28;
	v0 =	vmul.f32 v33, v9  }
0x16a: {  	v33 =	vld [tilespmem:s0+$0x1770];
	v25 =	vadd.f32 v5, v25;
	v4 =	vmul.f32 v4, v9  }
0x16b: {  	v5 =	vld [tilespmem:s0+$0xF00];
	v17 =	vadd.f32 v0, v17;
	v0 =	vmul.f32 v36, v9  }
0x16c: {  	v36 =	vld [tilespmem:s0+$0xF10];
	v13 =	vadd.f32 v4, v13;
	v4 =	vmul.f32 v35, v9  }
0x16d: {  	v35 =	vld [tilespmem:s0+$0xF20];
	v12 =	vadd.f32 v0, v12;
	v0 =	vmul.f32 v34, v9  }
0x16e: {  	v34 =	vld [tilespmem:s0+$0xF30];
	v11 =	vadd.f32 v4, v11  }
0x16f: {  	v9 =	vmov v37;
	v4 =	vld [tilespmem:s0+$0xF40];
	v33 =	vmul.f32 v33, v37;
	v10 =	vadd.f32 v0, v10  }
0x170: {  	v0 =	vmul.f32 v5, v9;
	v5 =	vld [tilespmem:s0+$0xF50]  }
0x171: {  	v36 =	vmul.f32 v36, v9;
	v37 =	vld [tilespmem:s0+$0xF60];
	v8 =	vadd.f32 v33, v8  }
0x172: {  	v29 =	vadd.f32 v0, v29;
	v0 =	vmul.f32 v35, v9;
	v33 =	vld [tilespmem:s0+$0xF70]  }
0x173: {  	v27 =	vadd.f32 v36, v27;
	v34 =	vmul.f32 v34, v9;
	v35 =	vld [tilespmem:s0+$0x1300]  }
0x174: {  	v26 =	vadd.f32 v0, v26;
	v0 =	vmul.f32 v4, v9;
	v4 =	vld [tilespmem:s0+$0x1310]  }
0x175: {  	v24 =	vadd.f32 v34, v24;
	v5 =	vmul.f32 v5, v9;
	v34 =	vld [tilespmem:s0+$0x1320]  }
0x176: {  	v23 =	vadd.f32 v0, v23;
	v0 =	vmul.f32 v37, v9;
	v38 =	vld [tilespmem:s0+$0x1330]  }
0x177: {  	v22 =	vadd.f32 v5, v22;
	v5 =	vmul.f32 v33, v9;
	v33 =	vld [tilespmem:s0+$0x1340]  }
0x178: {  	v21 =	vadd.f32 v0, v21;
	v0 =	vmul.f32 v35, v9;
	v39 =	vld [tilespmem:s0+$0x1350]  }
.Ltmp1:
0x179: {  	v20 =	vadd.f32 v5, v20;
	v4 =	vmul.f32 v4, v9;
	v37 =	vld [tilespmem:s0+$0x1360];
	(pc) =	sbr.rel @p1 .LBB2_5-.Ltmp1, $4  }
0x17a: {  	v18 =	vadd.f32 v0, v18;
	v0 =	vmul.f32 v34, v9;
	v36 =	vld [tilespmem:s0+$0x1370]  }
0x17b: {  	v15 =	vadd.f32 v4, v15;
	v4 =	vmul.f32 v38, v9;
	v35 =	vld [tilespmem:s0+$0x1700]  }
0x17c: {  	v14 =	vadd.f32 v0, v14;
	v38 =	vmul.f32 v33, v9;
	v34 =	vld [tilespmem:s0+$0x1710]  }
0x17d: {  	s9 =	sadd.s32 $0x1, s9;
	v40 =	vmov s4;
	v16 =	vadd.f32 v4, v16;
	v39 =	vmul.f32 v39, v9;
	v33 =	vld [tilespmem:s0+$0x1720]  }
0x17e: {  	s4 =	sshrl.u32 s4, $0x3;
	v0 =	vld [tilespmem:s0+$0x1730]  }
0x17f: {  	v4 =	vld [tilespmem:s0+$0x1740];
	s4 =	smul.u32 $0x6000, s4  }
0x180: {  	v5 =	vld [tilespmem:s0+$0x1750];
	s9 =	sadd.s32 $0x80, s31  }
0x181: {  	v41 =	vld [tilespmem:s0+$0x1760];
	s9 =	sand.u32 $0x380, s9;
	s4 =	sshra.s32 s4, $0x2  }
0x182: {  	v40 =	vld.idx.msk [tilespmem:v40+s17+$0x0], $0xffff;
	s31 =	sor.u32 s9, s4  }
0x183: {  	v42 =	vld [tilespmem:s31+$0x1770]  }
0x184: {  	v43 =	vld [tilespmem:s31+$0xF00]  }
0x185: {  	v44 =	vld [tilespmem:s31+$0xF10]  }
0x186: {  	v45 =	vld [tilespmem:s31+$0xF20]  }
0x187: {  	v46 =	vld [tilespmem:s31+$0xF30]  }
0x188: {  	v47 =	vld [tilespmem:s31+$0xF40]  }
0x189: {  	v48 =	vld [tilespmem:s31+$0xF50]  }
0x18a: {  	v49 =	vld [tilespmem:s31+$0xF60]  }
0x18b: {  	v50 =	vld [tilespmem:s31+$0xF70]  }
0x18c: {  	v51 =	vld [tilespmem:s31+$0x1300]  }
0x18d: {  	v52 =	vld [tilespmem:s31+$0x1310]  }
0x18e: {  	v53 =	vld [tilespmem:s31+$0x1320]  }
0x18f: {  	v54 =	vld [tilespmem:s31+$0x1330]  }
0x190: {  	v55 =	vld [tilespmem:s31+$0x1340]  }
0x191: {  	v56 =	vld [tilespmem:s31+$0x1350]  }
0x192: {  	v57 =	vld [tilespmem:s31+$0x1360]  }
0x193: {  	v58 =	vld [tilespmem:s31+$0x1370]  }
0x194: {  	v59 =	vld [tilespmem:s31+$0x1700]  }
0x195: {  	v60 =	vld [tilespmem:s31+$0x1710]  }
0x196: {  	v61 =	vld [tilespmem:s31+$0x1720];
	v43 =	vmul.f32 v43, v40  }
0x197: {  	v19 =	vadd.f32 v38, v19;
	v62 =	vld [tilespmem:s31+$0x1730];
	v44 =	vmul.f32 v44, v40  }
0x198: {  	v32 =	vadd.f32 v39, v32;
	v63 =	vld [tilespmem:s31+$0x1740];
	v38 =	vmul.f32 v46, v40;
	v29 =	vadd.f32 v43, v29  }
0x199: {  	v49 =	vmul.f32 v49, v40;
	v43 =	vmul.f32 v45, v40;
	v45 =	vld [tilespmem:s31+$0x1750];
	v27 =	vadd.f32 v44, v27  }
0x19a: {  	v39 =	vmul.f32 v33, v9;
	v50 =	vmul.f32 v50, v40;
	v44 =	vld [tilespmem:s31+$0x1760];
	v24 =	vadd.f32 v38, v24;
	[tilespmem:$0x15600] =	vst v29  }
0x19b: {  	v46 =	vmul.f32 v37, v9;
	v37 =	vmul.f32 v54, v40;
	v21 =	vadd.f32 v49, v21;
	[tilespmem:$0x15610] =	vst v27  }
0x19c: {  	v0 =	vmul.f32 v0, v9;
	v4 =	vmul.f32 v4, v9;
	v20 =	vadd.f32 v50, v20;
	[tilespmem:$0x15630] =	vst v24  }
0x19d: {  	v16 =	vadd.f32 v37, v16;
	v26 =	vadd.f32 v43, v26;
	v43 =	vmul.f32 v47, v40;
	[tilespmem:$0x15660] =	vst v21  }
0x19e: {  	v5 =	vmul.f32 v5, v9;
	v47 =	vmul.f32 v48, v40;
	[tilespmem:$0x15670] =	vst v20  }
0x19f: {  	v0 =	vadd.f32 v0, v13;
	v29 =	vmul.f32 v51, v40;
	[tilespmem:$0x15730] =	vst v16;
	v23 =	vadd.f32 v43, v23  }
0x1a0: {  	v27 =	vadd.f32 v46, v31;
	v31 =	vmul.f32 v52, v40;
	[tilespmem:$0x15620] =	vst v26;
	v22 =	vadd.f32 v47, v22  }
0x1a1: {  	v48 =	vmul.f32 v36, v9;
	v36 =	vmul.f32 v53, v40;
	v18 =	vadd.f32 v29, v18;
	[tilespmem:$0x15640] =	vst v23  }
0x1a2: {  	v4 =	vadd.f32 v4, v12;
	v46 =	vmul.f32 v57, v40;
	v15 =	vadd.f32 v31, v15;
	[tilespmem:$0x15650] =	vst v22  }
0x1a3: {  	v5 =	vadd.f32 v5, v11;
	v57 =	vmul.f32 v62, v40;
	v14 =	vadd.f32 v36, v14;
	[tilespmem:$0x15700] =	vst v18  }
0x1a4: {  	v53 =	vmul.f32 v60, v40;
	v60 =	vmul.f32 v63, v40;
	v50 =	vadd.f32 v46, v27;
	[tilespmem:$0x15710] =	vst v15  }
0x1a5: {  	v38 =	vmul.f32 v55, v40;
	v49 =	vmul.f32 v58, v40;
	v0 =	vadd.f32 v57, v0;
	[tilespmem:$0x15720] =	vst v14  }
0x1a6: {  	v55 =	vmul.f32 v61, v40;
	v43 =	vmul.f32 v56, v40;
	v4 =	vadd.f32 v60, v4;
	[tilespmem:$0x15760] =	vst v50  }
0x1a7: {  	v58 =	vmul.f32 v41, v9;
	v26 =	vadd.f32 v48, v30;
	v18 =	vadd.f32 v38, v19;
	[tilespmem:$0x15830] =	vst v0  }
0x1a8: {  	v51 =	vmul.f32 v59, v40;
	v47 =	vadd.f32 v39, v17;
	v48 =	vadd.f32 v43, v32;
	[tilespmem:$0x15840] =	vst v4  }
0x1a9: {  	v63 =	vmul.f32 v42, v40;
	v30 =	vmul.f32 v35, v9;
	v52 =	vadd.f32 v49, v26;
	[tilespmem:$0x15740] =	vst v18  }
0x1aa: {  	v35 =	vmul.f32 v34, v9;
	v61 =	vmul.f32 v45, v40;
	v59 =	vadd.f32 v55, v47;
	[tilespmem:$0x15750] =	vst v48  }
0x1ab: {  	v9 =	vadd.f32 v58, v10;
	v62 =	vmul.f32 v44, v40;
	v4 =	vadd.f32 v63, v8;
	[tilespmem:$0x15770] =	vst v52  }
0x1ac: {  	s4 =	sshrl.u32 s25, $0x3;
	v22 =	vadd.f32 v30, v28;
	v5 =	vadd.f32 v61, v5;
	[tilespmem:$0x15820] =	vst v59  }
0x1ad: {  	s9 =	sshll.u32 s23, $0x8;
	s25 =	smul.u32 $0x1800, s4;
	v21 =	vadd.f32 v35, v25;
	v0 =	vadd.f32 v62, v9;
	[tilespmem:$0x15870] =	vst v4  }
0x1ae: {  	s0 =	sand.u32 $0x300, s9;
	v54 =	vadd.f32 v51, v22;
	[tilespmem:$0x15850] =	vst v5  }
0x1af: {  	s0 =	sor.u32 s0, s25;
	v56 =	vadd.f32 v53, v21;
	[tilespmem:$0x15860] =	vst v0  }
0x1b0: {  	s0 =	sshrl.u32 s0, $0x3;
	[tilespmem:$0x15800] =	vst v54  }
0x1b1: {  	s10 =	simm.s32 $0x15300;
	s0 =	sadd.s32 s3, s0;
	[tilespmem:$0x15810] =	vst v56  }
0x1b2: {  	[hbm4b:s0+s5] =	stream.linear.scatter [tilespmem:s10], [sflag:$0x3], $0x80, $0x38;
	[tilespmem:$0x15980] =	vst v63  }
0x1b3: {  	s13 =	sadd.s32 $0x80, s0;
	s31 =	simm.s32 $0x15400  }
0x1b4: {  	[hbm4b:s13+s5] =	stream.linear.scatter [tilespmem:s31], [sflag:$0x3], $0x80, $0x38;
	[tilespmem:$0x15980] =	vst v63  }
0x1b5: {  	s9 =	sadd.s32 $0x100, s0;
	s10 =	simm.s32 $0x15500  }
0x1b6: {  	[hbm4b:s9+s5] =	stream.linear.scatter [tilespmem:s10], [sflag:$0x3], $0x80, $0x38;
	[tilespmem:$0x15980] =	vst v63  }
0x1b7: {  	p1 =	seq.s32 s23, $0x3F;
	s13 =	sadd.s32 $0x180, s0;
	s31 =	simm.s32 $0x15600  }
0x1b8: {  	[hbm4b:s13+s5] =	stream.linear.scatter [tilespmem:s31], [sflag:$0x3], $0x80, $0x38;
	[tilespmem:$0x15980] =	vst v63  }
.Ltmp2:
0x1b9: {  	_ = 	snop;
	(pc) =	sbr.rel @p1 .LBB2_8-.Ltmp2, $4  }
0x1ba: {  	s10 =	sadd.s32 $0x200, s0;
	s13 =	simm.s32 $0x15700  }
0x1bb: {  	[hbm4b:s10+s5] =	stream.linear.scatter [tilespmem:s13], [sflag:$0x3], $0x80, $0x38;
	[tilespmem:$0x15980] =	vst v63  }
0x1bc: {  	s0 =	sadd.s32 $0x280, s0;
	s31 =	simm.s32 $0x15800  }
0x1bd: {  	[hbm4b:s0+s5] =	stream.linear.scatter [tilespmem:s31], [sflag:$0x3], $0x80, $0x38;
	[tilespmem:$0x15980] =	vst v63  }
0x1be: {  	s0 =	sadd.s32 $0x2, s30  }
0x1bf: {  	s4 =	sadd.s32 s7, s0  }
0x1c0: {  	s0 =	sshll.u32 s0, $0x4;
	s4 =	sshll.u32 s4, $0x4  }
0x1c1: {  	s0 =	sand.u32 $0x60, s0;
	s4 =	sand.u32 $0x1FF80, s4  }
0x1c2: {  	s0 =	sor.u32 s0, s4  }
0x1c3: {  	s4 =	sadd.s32 s6, s0  }
0x1c4: {  	[tilespmem:s5], [sflag:$0x4] =	stream.linear.gather [hbm4b:s4+s5], $0x80, $0x38;
	[tilespmem:$0x15980] =	vst v63  }
0x1c5: {  	_ =	swait.ge [sflag:s14], $0x80  }
0x1c6: {  	[sflag:s14] =	ssyncset.done $0x0  }
0x1c7: {  	s10 =	simm.s32 $0x200;
	s0 =	sadd.s32 s8, s0;
	[sflag:s14] =	ssyncadd.s32 $0xFFFFFF80  }
0x1c8: {  	[tilespmem:s10], [sflag:$0x4] =	stream.linear.gather [hbm4b:s0+s5], $0x80, $0x38;
	[tilespmem:$0x15980] =	vst v63  }
0x1c9: {  	_ =	swait.ge [sflag:s14], $0x80  }
0x1ca: {  	[sflag:s14] =	ssyncset.done $0x0  }
0x1cb: {  	[sflag:s14] =	ssyncadd.s32 $0xFFFFFF80  }
0x1cc: {  	[tilespmem:s17], [sflag:$0x2] =	stream.indirect.gather [hbm4b:s2+s16], $0x1, s5, s16, $0xb8;
	[tilespmem:$0x15980] =	vst v63  }
0x1cd: {  	v0 =	vld [tilespmem:$0x0];
	_ =	sdelay $0x4  }
0x1ce: {  	v4 =	vshrl.u32 v0, $0x3  }
0x1cf: {  	v4 =	vmul.u32 $0x30, v4  }
0x1d0: {  	v0 =	vand.u32 $0x7, v0  }
0x1d1: {  	v0 =	vor.u32 v0, v4  }
0x1d2: {  	v4 =	vperm.xlane v0, v1;
	_ =	sdelay $0x1  }
0x1d3: {  	v4 =	vadd.s32 v2, v4;
	_ =	sdelay $0x3  }
0x1d4: {  	s13 =	simm.s32 $0x300;
	v0 =	vperm.xlane v0, v3  }
0x1d5: {  	[tilespmem:s13], [sflag:$0x1] =	stream.indirect_vreg.gather [hbm4b:s1+s5], $0x80, v4, vm0, $0xb8;
	[tilespmem:$0x15980] =	vst v63  }
0x1d6: {  	s30 =	simm.s32 $0xB00;
	v0 =	vadd.s32 v2, v0  }
0x1d7: {  	[tilespmem:s30], [sflag:$0x1] =	stream.indirect_vreg.gather [hbm4b:s11+s5], $0x80, v4, vm0, $0xb8;
	[tilespmem:$0x15980] =	vst v63  }
0x1d8: {  	s31 =	simm.s32 $0x1300  }
0x1d9: {  	[tilespmem:s31], [sflag:$0x1] =	stream.indirect_vreg.gather [hbm4b:s12+s5], $0x80, v4, vm0, $0xb8;
	[tilespmem:$0x15980] =	vst v63  }
0x1da: {  	s4 =	simm.s32 $0x1B00  }
0x1db: {  	[tilespmem:s4], [sflag:$0x1] =	stream.indirect_vreg.gather [hbm4b:s1+s5], $0x80, v0, vm0, $0xb8;
	[tilespmem:$0x15980] =	vst v63  }
0x1dc: {  	s9 =	simm.s32 $0x2300  }
0x1dd: {  	[tilespmem:s9], [sflag:$0x1] =	stream.indirect_vreg.gather [hbm4b:s11+s5], $0x80, v0, vm0, $0xb8;
	[tilespmem:$0x15980] =	vst v63  }
0x1de: {  	s10 =	simm.s32 $0x2B00  }
0x1df: {  	[tilespmem:s10], [sflag:$0x1] =	stream.indirect_vreg.gather [hbm4b:s12+s5], $0x80, v0, vm0, $0xb8;
	[tilespmem:$0x15980] =	vst v63  }
0x1e0: {  	v0 =	vld [tilespmem:$0x10];
	_ =	sdelay $0x4  }
0x1e1: {  	v4 =	vshrl.u32 v0, $0x3  }
0x1e2: {  	v4 =	vmul.u32 $0x30, v4  }
0x1e3: {  	v0 =	vand.u32 $0x7, v0  }
0x1e4: {  	v0 =	vor.u32 v0, v4  }
0x1e5: {  	v4 =	vperm.xlane v0, v1;
	_ =	sdelay $0x1  }
0x1e6: {  	v4 =	vadd.s32 v2, v4;
	_ =	sdelay $0x3  }
0x1e7: {  	s13 =	simm.s32 $0x3300;
	v0 =	vperm.xlane v0, v3  }
0x1e8: {  	[tilespmem:s13], [sflag:$0x1] =	stream.indirect_vreg.gather [hbm4b:s1+s5], $0x80, v4, vm0, $0xb8;
	[tilespmem:$0x15980] =	vst v63  }
0x1e9: {  	s30 =	simm.s32 $0x3B00;
	v0 =	vadd.s32 v2, v0  }
0x1ea: {  	[tilespmem:s30], [sflag:$0x1] =	stream.indirect_vreg.gather [hbm4b:s11+s5], $0x80, v4, vm0, $0xb8;
	[tilespmem:$0x15980] =	vst v63  }
0x1eb: {  	s31 =	simm.s32 $0x4300  }
0x1ec: {  	[tilespmem:s31], [sflag:$0x1] =	stream.indirect_vreg.gather [hbm4b:s12+s5], $0x80, v4, vm0, $0xb8;
	[tilespmem:$0x15980] =	vst v63  }
0x1ed: {  	s4 =	simm.s32 $0x4B00  }
0x1ee: {  	[tilespmem:s4], [sflag:$0x1] =	stream.indirect_vreg.gather [hbm4b:s1+s5], $0x80, v0, vm0, $0xb8;
	[tilespmem:$0x15980] =	vst v63  }
0x1ef: {  	s9 =	simm.s32 $0x5300  }
0x1f0: {  	[tilespmem:s9], [sflag:$0x1] =	stream.indirect_vreg.gather [hbm4b:s11+s5], $0x80, v0, vm0, $0xb8;
	[tilespmem:$0x15980] =	vst v63  }
0x1f1: {  	s10 =	simm.s32 $0x5B00  }
0x1f2: {  	[tilespmem:s10], [sflag:$0x1] =	stream.indirect_vreg.gather [hbm4b:s12+s5], $0x80, v0, vm0, $0xb8;
	[tilespmem:$0x15980] =	vst v63  }
0x1f3: {  	v0 =	vld [tilespmem:$0x20];
	_ =	sdelay $0x4  }
0x1f4: {  	v4 =	vshrl.u32 v0, $0x3  }
0x1f5: {  	v4 =	vmul.u32 $0x30, v4  }
0x1f6: {  	v0 =	vand.u32 $0x7, v0  }
0x1f7: {  	v0 =	vor.u32 v0, v4  }
0x1f8: {  	v4 =	vperm.xlane v0, v1;
	_ =	sdelay $0x1  }
0x1f9: {  	v4 =	vadd.s32 v2, v4;
	_ =	sdelay $0x3  }
0x1fa: {  	s13 =	simm.s32 $0x6300;
	v0 =	vperm.xlane v0, v3  }
0x1fb: {  	[tilespmem:s13], [sflag:$0x1] =	stream.indirect_vreg.gather [hbm4b:s1+s5], $0x80, v4, vm0, $0xb8;
	[tilespmem:$0x15980] =	vst v63  }
0x1fc: {  	s30 =	simm.s32 $0x6B00;
	v0 =	vadd.s32 v2, v0  }
0x1fd: {  	[tilespmem:s30], [sflag:$0x1] =	stream.indirect_vreg.gather [hbm4b:s11+s5], $0x80, v4, vm0, $0xb8;
	[tilespmem:$0x15980] =	vst v63  }
0x1fe: {  	s31 =	simm.s32 $0x7300  }
0x1ff: {  	[tilespmem:s31], [sflag:$0x1] =	stream.indirect_vreg.gather [hbm4b:s12+s5], $0x80, v4, vm0, $0xb8;
	[tilespmem:$0x15980] =	vst v63  }
0x200: {  	s4 =	simm.s32 $0x7B00  }
0x201: {  	[tilespmem:s4], [sflag:$0x1] =	stream.indirect_vreg.gather [hbm4b:s1+s5], $0x80, v0, vm0, $0xb8;
	[tilespmem:$0x15980] =	vst v63  }
0x202: {  	s9 =	simm.s32 $0x8300  }
0x203: {  	[tilespmem:s9], [sflag:$0x1] =	stream.indirect_vreg.gather [hbm4b:s11+s5], $0x80, v0, vm0, $0xb8;
	[tilespmem:$0x15980] =	vst v63  }
0x204: {  	s10 =	simm.s32 $0x8B00  }
0x205: {  	[tilespmem:s10], [sflag:$0x1] =	stream.indirect_vreg.gather [hbm4b:s12+s5], $0x80, v0, vm0, $0xb8;
	[tilespmem:$0x15980] =	vst v63  }
0x206: {  	v0 =	vld.msk [tilespmem:$0x30], $0xff;
	_ =	sdelay $0x4  }
0x207: {  	v4 =	vshrl.u32 v0, $0x3  }
0x208: {  	v4 =	vmul.u32 $0x30, v4  }
0x209: {  	v0 =	vand.u32 $0x7, v0  }
0x20a: {  	v0 =	vor.u32 v0, v4  }
0x20b: {  	v0 =	vperm.xlane v0, v1;
	_ =	sdelay $0x1  }
0x20c: {  	v0 =	vadd.s32 v2, v0;
	_ =	sdelay $0x3  }
0x20d: {  	s13 =	simm.s32 $0x9300  }
0x20e: {  	[tilespmem:s13], [sflag:$0x1] =	stream.indirect_vreg.gather [hbm4b:s1+s5], $0x80, v0, vm0, $0xb8;
	[tilespmem:$0x15980] =	vst v63  }
0x20f: {  	s30 =	simm.s32 $0x9B00  }
0x210: {  	[tilespmem:s30], [sflag:$0x1] =	stream.indirect_vreg.gather [hbm4b:s11+s5], $0x80, v0, vm0, $0xb8;
	[tilespmem:$0x15980] =	vst v63  }
0x211: {  	s31 =	simm.s32 $0xA300  }
0x212: {  	[tilespmem:s31], [sflag:$0x1] =	stream.indirect_vreg.gather [hbm4b:s12+s5], $0x80, v0, vm0, $0xb8;
	[tilespmem:$0x15980] =	vst v63  }
.LBB2_8:
0x213: {  	_ =	swait.ge [sflag:s26], $0x38  }
0x214: {  	[sflag:s26] =	ssyncset.done $0x0  }
0x215: {  	[sflag:s26] =	ssyncadd.s32 $0xFFFFFFC8  }
0x216: {  	_ =	swait.ge [sflag:s28], $0xA800  }
0x217: {  	[sflag:s28] =	ssyncset.done $0x0  }
0x218: {  	s0 =	simm.s32 @!p0 $0x3;
	[sflag:s28] =	ssyncadd.s32 $0xFFFF5800  }
0x219: {  	_ =	swait.ge @!p0 [sflag:s0], $0x300  }
0x21a: {  	[sflag:s0] =	ssyncset.done @!p0 $0x0  }
0x21b: {  	[sflag:s0] =	ssyncadd.s32 @!p0 $0xFFFFFD00  }
0x21c: {  	v0 =	vld [tilespmem:$0x280]  }
0x21d: {  	v4 =	vld [tilespmem:$0x180]  }
0x21e: {  	v5 =	vld [tilespmem:$0x290]  }
0x21f: {  	v8 =	vld [tilespmem:$0x190]  }
0x220: {  	v9 =	vld [tilespmem:$0x2A0]  }
0x221: {  	v10 =	vld [tilespmem:$0x1A0];
	v0 =	vcvt.s32.f32 v0  }
0x222: {  	v11 =	vld [tilespmem:$0x2B0]  }
0x223: {  	v0 =	vmul.f32 v0, v4;
	v4 =	vcvt.s32.f32 v5  }
0x224: {  	v5 =	vld [tilespmem:$0x1B0]  }
0x225: {  	v12 =	vadd.f32 $0.0e+00, v0;
	v4 =	vmul.f32 v4, v8;
	v8 =	vcvt.s32.f32 v9  }
0x226: {  	v6 =	vld [tilespmem:$0x1FFD0]  }
0x227: {  	v9 =	vadd.f32 v4, v12;
	v8 =	vmul.f32 v8, v10;
	v10 =	vcvt.s32.f32 v11;
	_ =	sdelay $0x1  }
0x228: {  	v9 =	vadd.f32 v8, v9;
	v5 =	vmul.f32 v10, v5;
	_ =	sdelay $0x1  }
0x229: {  	v9 =	vadd.f32 v5, v9;
	_ =	sdelay $0x1  }
0x22a: {  	[tilespmem:$0x15900] =	vst v9  }
0x22b: {  	v10 =	vld.idx.msk [tilespmem:v6+s29+$0x0], $0xffff  }
0x22c: {  	v6 =	vld [tilespmem:$0x1FFE0];
	_ =	sdelay $0x4  }
0x22d: {  	v9 =	vadd.f32 v9, v10;
	_ =	sdelay $0x1  }
0x22e: {  	[tilespmem:$0x15900] =	vst v9  }
0x22f: {  	v10 =	vld.idx.msk [tilespmem:v6+s29+$0x0], $0xffff  }
0x230: {  	v6 =	vld [tilespmem:$0x1FFF0];
	_ =	sdelay $0x4  }
0x231: {  	v9 =	vadd.f32 v10, v9;
	_ =	sdelay $0x1  }
0x232: {  	[tilespmem:$0x15900] =	vst v9  }
0x233: {  	v10 =	vld.idx.msk [tilespmem:v6+s29+$0x0], $0xffff;
	_ =	sdelay $0x4  }
0x234: {  	v9 =	vadd.f32 v10, v9;
	_ =	sdelay $0x1  }
0x235: {  	[tilespmem:$0x15900] =	vst v9  }
0x236: {  	v10 =	vld.idx.msk [tilespmem:v7+s29+$0x0], $0xffff;
	_ =	sdelay $0x4  }
0x237: {  	v9 =	vadd.f32 v10, v9;
	_ =	sdelay $0x1  }
0x238: {  	(erf) = vrcp.f32 v9;
	_ =	sdelay $0x5  }
0x239: {  	s30 =	simm.s32 $0x0  }
0x23a: {  	v9 =	vmov s30  }
0x23b: {  	v9 =	vand.u32 $0x7F, v9  }
0x23c: {  	v9 =	vor.u32 $0x80, v9;
	v10 =	vpop (erf)  }
0x23d: {  	v9 =	vbroadcast v9, $0x0;
	v0 =	vmul.f32 v10, v0  }
0x23e: {  	v4 =	vmul.f32 v10, v4  }
0x23f: {  	s13 =	simm.s32 $0x0;
	[tilespmem:$0x180] =	vst v0;
	v0 =	vmul.f32 v10, v8  }
0x240: {  	s0 =	smul.u32 $0x6000, s13;
	[tilespmem:$0x190] =	vst v4;
	v4 =	vmul.f32 v10, v5  }
0x241: {  	[tilespmem:$0x1A0] =	vst v0  }
0x242: {  	s4 =	sand.u32 $0x380, s30;
	s0 =	sshra.s32 s0, $0x2;
	[tilespmem:$0x1B0] =	vst v4  }
0x243: {  	s31 =	sor.u32 s4, s0;
	v9 =	vld.idx.msk [tilespmem:v9+s17+$0x0], $0xffff  }
0x244: {  	v0 =	vld [tilespmem:s31+$0xB370]  }
0x245: {  	v4 =	vld [tilespmem:s31+$0xAB00]  }
0x246: {  	v5 =	vld [tilespmem:s31+$0xAB10]  }
0x247: {  	v10 =	vld [tilespmem:s31+$0xAB20]  }
0x248: {  	v25 =	vimm.f32 $0.0e+00;
	v31 =	vimm.f32 $0.0e+00;
	v32 =	vimm.f32 $0.0e+00;
	v11 =	vld [tilespmem:s31+$0xAB30]  }
0x249: {  	v29 =	vimm.f32 $0.0e+00;
	v30 =	vimm.f32 $0.0e+00;
	v28 =	vimm.f32 $0.0e+00;
	v12 =	vld [tilespmem:s31+$0xAB40]  }
0x24a: {  	v27 =	vimm.f32 $0.0e+00;
	v26 =	vimm.f32 $0.0e+00;
	v24 =	vimm.f32 $0.0e+00;
	v14 =	vld [tilespmem:s31+$0xAB60]  }
0x24b: {  	v23 =	vimm.f32 $0.0e+00;
	v13 =	vld [tilespmem:s31+$0xAB50];
	v0 =	vmul.f32 v0, v9;
	v4 =	vmul.f32 v4, v9  }
0x24c: {  	v18 =	vimm.f32 $0.0e+00;
	v16 =	vimm.f32 $0.0e+00;
	v15 =	vld [tilespmem:s31+$0xAB70];
	v5 =	vmul.f32 v5, v9  }
0x24d: {  	v8 =	vadd.f32 v0, v25;
	v22 =	vadd.f32 v4, v25;
	v0 =	vmul.f32 v10, v9;
	v4 =	vld [tilespmem:s31+$0xAF00]  }
0x24e: {  	s0 =	simm.s32 $0x1;
	v19 =	vadd.f32 v5, v25;
	v5 =	vmul.f32 v11, v9;
	v10 =	vmul.f32 v12, v9;
	v11 =	vld [tilespmem:s31+$0xAF10]  }
0x24f: {  	v40 =	vmov s0;
	v33 =	vld [tilespmem:s31+$0xAF20];
	v12 =	vmul.f32 v14, v9;
	v20 =	vadd.f32 v0, v25  }
0x250: {  	v34 =	vld [tilespmem:s31+$0xAF30];
	v0 =	vmul.f32 v13, v9;
	v21 =	vadd.f32 v5, v25;
	v17 =	vadd.f32 v10, v25  }
0x251: {  	v35 =	vld [tilespmem:s31+$0xAF40];
	v5 =	vmul.f32 v15, v9;
	v13 =	vadd.f32 v12, v25;
	v12 =	vimm.f32 $0.0e+00  }
0x252: {  	v36 =	vld [tilespmem:s31+$0xAF50];
	v10 =	vimm.f32 $0.0e+00;
	v15 =	vadd.f32 v0, v25;
	v38 =	vmul.f32 v4, v9  }
0x253: {  	s4 =	simm.s32 $0x2;
	v37 =	vld [tilespmem:s31+$0xAF60];
	v14 =	vadd.f32 v5, v25;
	v39 =	vmul.f32 v11, v9;
	v11 =	vimm.f32 $0.0e+00  }
.LBB2_9:
0x254: {  	p0 =	sne.s32 s4, $0x31;
	v0 =	vand.u32 $0x7F, v40;
	v25 =	vadd.f32 v38, v25;
	v4 =	vmul.f32 v33, v9;
	v5 =	vld [tilespmem:s31+$0xAF70]  }
0x255: {  	v0 =	vor.u32 $0x80, v0;
	v31 =	vadd.f32 v39, v31;
	v33 =	vmul.f32 v34, v9;
	v34 =	vld [tilespmem:s31+$0xB300]  }
0x256: {  	v0 =	vbroadcast v0, $0x0;
	v32 =	vadd.f32 v4, v32;
	v4 =	vmul.f32 v35, v9;
	v35 =	vld [tilespmem:s31+$0xB310]  }
0x257: {  	v29 =	vadd.f32 v33, v29;
	v33 =	vmul.f32 v36, v9;
	v36 =	vld [tilespmem:s31+$0xB320]  }
0x258: {  	s9 =	sshrl.u32 s0, $0x3;
	s0 =	smov.u32 s4;
	v30 =	vadd.f32 v4, v30;
	v4 =	vmul.f32 v37, v9;
	v37 =	vld [tilespmem:s31+$0xB330]  }
0x259: {  	s9 =	smul.u32 $0x6000, s9;
	v28 =	vadd.f32 v33, v28;
	v5 =	vmul.f32 v5, v9;
	v33 =	vld [tilespmem:s31+$0xB340]  }
0x25a: {  	s30 =	sadd.s32 $0x80, s30;
	v27 =	vadd.f32 v4, v27;
	v4 =	vmul.f32 v34, v9;
	v34 =	vld [tilespmem:s31+$0xB350]  }
0x25b: {  	s10 =	sand.u32 $0x380, s30;
	s9 =	sshra.s32 s9, $0x2;
	v26 =	vadd.f32 v5, v26;
	v5 =	vmul.f32 v35, v9;
	v35 =	vld [tilespmem:s31+$0xB360]  }
0x25c: {  	s31 =	sor.u32 s10, s9;
	v0 =	vld.idx.msk [tilespmem:v0+s17+$0x0], $0xffff;
	v24 =	vadd.f32 v4, v24;
	v4 =	vmul.f32 v36, v9  }
0x25d: {  	v36 =	vld [tilespmem:s31+$0xB370];
	v23 =	vadd.f32 v5, v23;
	v5 =	vmul.f32 v37, v9  }
0x25e: {  	v37 =	vld [tilespmem:s31+$0xAB00];
	v18 =	vadd.f32 v4, v18;
	v4 =	vmul.f32 v33, v9  }
0x25f: {  	v33 =	vld [tilespmem:s31+$0xAB10];
	v16 =	vadd.f32 v5, v16;
	v5 =	vmul.f32 v34, v9  }
0x260: {  	v34 =	vld [tilespmem:s31+$0xAB20];
	v12 =	vadd.f32 v4, v12;
	v4 =	vmul.f32 v35, v9  }
0x261: {  	v35 =	vld [tilespmem:s31+$0xAB30];
	v11 =	vadd.f32 v5, v11  }
0x262: {  	v9 =	vmov v0;
	v5 =	vld [tilespmem:s31+$0xAB40];
	v36 =	vmul.f32 v36, v0;
	v10 =	vadd.f32 v4, v10  }
0x263: {  	v0 =	vmul.f32 v37, v9;
	v4 =	vld [tilespmem:s31+$0xAB50]  }
0x264: {  	v33 =	vmul.f32 v33, v9;
	v37 =	vld [tilespmem:s31+$0xAB60];
	v8 =	vadd.f32 v36, v8  }
0x265: {  	v22 =	vadd.f32 v0, v22;
	v0 =	vmul.f32 v34, v9;
	v36 =	vld [tilespmem:s31+$0xAB70]  }
0x266: {  	v19 =	vadd.f32 v33, v19;
	v33 =	vmul.f32 v35, v9;
	v38 =	vld [tilespmem:s31+$0xAF00]  }
0x267: {  	v20 =	vadd.f32 v0, v20;
	v0 =	vmul.f32 v5, v9;
	v5 =	vld [tilespmem:s31+$0xAF10]  }
.Ltmp3:
0x268: {  	v21 =	vadd.f32 v33, v21;
	v4 =	vmul.f32 v4, v9;
	v33 =	vld [tilespmem:s31+$0xAF20];
	(pc) =	sbr.rel @p0 .LBB2_9-.Ltmp3, $4  }
0x269: {  	v17 =	vadd.f32 v0, v17;
	v0 =	vmul.f32 v37, v9;
	v34 =	vld [tilespmem:s31+$0xAF30]  }
0x26a: {  	v15 =	vadd.f32 v4, v15;
	v4 =	vmul.f32 v36, v9;
	v35 =	vld [tilespmem:s31+$0xAF40]  }
0x26b: {  	v13 =	vadd.f32 v0, v13;
	v38 =	vmul.f32 v38, v9;
	v36 =	vld [tilespmem:s31+$0xAF50]  }
0x26c: {  	s4 =	sadd.s32 $0x1, s4;
	v40 =	vmov s0;
	v14 =	vadd.f32 v4, v14;
	v39 =	vmul.f32 v5, v9;
	v37 =	vld [tilespmem:s31+$0xAF60]  }
0x26d: {  	v4 =	vld [tilespmem:s31+$0xAF70]  }
0x26e: {  	v5 =	vld [tilespmem:s31+$0xB300]  }
0x26f: {  	v0 =	vand.u32 $0x7F, v40;
	v40 =	vld [tilespmem:s31+$0xB310]  }
0x270: {  	v41 =	vld [tilespmem:s31+$0xB320];
	s0 =	sshrl.u32 s0, $0x3  }
0x271: {  	v42 =	vld [tilespmem:s31+$0xB330];
	s0 =	smul.u32 $0x6000, s0  }
0x272: {  	v43 =	vld [tilespmem:s31+$0xB340];
	s4 =	sadd.s32 $0x80, s30  }
0x273: {  	v44 =	vld [tilespmem:s31+$0xB350];
	s4 =	sand.u32 $0x380, s4;
	s0 =	sshra.s32 s0, $0x2  }
0x274: {  	v45 =	vld [tilespmem:s31+$0xB360];
	s0 =	sor.u32 s4, s0  }
0x275: {  	v46 =	vld [tilespmem:s0+$0xB370]  }
0x276: {  	v47 =	vld [tilespmem:s0+$0xAB00]  }
0x277: {  	v48 =	vld [tilespmem:s0+$0xAB10]  }
0x278: {  	v49 =	vld [tilespmem:s0+$0xAB20]  }
0x279: {  	v50 =	vld [tilespmem:s0+$0xAB30]  }
0x27a: {  	v51 =	vld [tilespmem:s0+$0xAB40]  }
0x27b: {  	v52 =	vld [tilespmem:s0+$0xAB50]  }
0x27c: {  	v53 =	vld [tilespmem:s0+$0xAB60]  }
0x27d: {  	v0 =	vor.u32 $0x80, v0;
	v54 =	vld [tilespmem:s0+$0xAB70]  }
0x27e: {  	v0 =	vbroadcast v0, $0x0;
	v55 =	vld [tilespmem:s0+$0xAF00]  }
0x27f: {  	v56 =	vld [tilespmem:s0+$0xAF10]  }
0x280: {  	v57 =	vld [tilespmem:s0+$0xAF20]  }
0x281: {  	v58 =	vld [tilespmem:s0+$0xAF30]  }
0x282: {  	v59 =	vld [tilespmem:s0+$0xAF40]  }
0x283: {  	v60 =	vld [tilespmem:s0+$0xAF50]  }
0x284: {  	v0 =	vld.idx.msk [tilespmem:v0+s17+$0x0], $0xffff  }
0x285: {  	v61 =	vld [tilespmem:s0+$0xAF60]  }
0x286: {  	v33 =	vmul.f32 v33, v9;
	v62 =	vld [tilespmem:s0+$0xAF70]  }
0x287: {  	v25 =	vadd.f32 v38, v25;
	v34 =	vmul.f32 v34, v9;
	v63 =	vld [tilespmem:s0+$0xB300]  }
0x288: {  	v35 =	vmul.f32 v35, v9;
	v32 =	vadd.f32 v33, v32;
	v33 =	vmul.f32 v36, v9;
	v38 =	vld [tilespmem:s0+$0xB310]  }
0x289: {  	v31 =	vadd.f32 v39, v31;
	v29 =	vadd.f32 v34, v29;
	v36 =	vld [tilespmem:s0+$0xB320];
	v47 =	vmul.f32 v47, v0  }
0x28a: {  	v30 =	vadd.f32 v35, v30;
	v35 =	vld [tilespmem:s0+$0xB330];
	v28 =	vadd.f32 v33, v28;
	v33 =	vmul.f32 v48, v0  }
0x28b: {  	v37 =	vmul.f32 v37, v9;
	v39 =	vld [tilespmem:s0+$0xB340];
	v4 =	vmul.f32 v4, v9;
	v22 =	vadd.f32 v47, v22  }
0x28c: {  	v5 =	vmul.f32 v5, v9;
	v34 =	vmul.f32 v49, v0;
	v48 =	vld [tilespmem:s0+$0xB350];
	v19 =	vadd.f32 v33, v19  }
0x28d: {  	v49 =	vmul.f32 v50, v0;
	v50 =	vld [tilespmem:s0+$0xB360];
	[tilespmem:$0x15380] =	vst v22;
	v22 =	vmul.f32 v51, v0  }
0x28e: {  	v27 =	vadd.f32 v37, v27;
	v20 =	vadd.f32 v34, v20;
	[tilespmem:$0x15390] =	vst v19;
	v19 =	vmul.f32 v52, v0  }
0x28f: {  	v4 =	vadd.f32 v4, v26;
	v17 =	vadd.f32 v22, v17  }
0x290: {  	v5 =	vadd.f32 v5, v24;
	[tilespmem:$0x153A0] =	vst v20;
	v22 =	vmul.f32 v53, v0;
	v15 =	vadd.f32 v19, v15  }
0x291: {  	v21 =	vadd.f32 v49, v21;
	v20 =	vmul.f32 v40, v9;
	v19 =	vmul.f32 v54, v0;
	[tilespmem:$0x153C0] =	vst v17  }
0x292: {  	v13 =	vadd.f32 v22, v13;
	v17 =	vmul.f32 v55, v0;
	[tilespmem:$0x153D0] =	vst v15;
	v15 =	vmul.f32 v41, v9  }
0x293: {  	[tilespmem:$0x153B0] =	vst v21;
	v21 =	vmul.f32 v57, v0;
	v14 =	vadd.f32 v19, v14;
	v19 =	vmul.f32 v56, v0  }
0x294: {  	v17 =	vadd.f32 v17, v25;
	[tilespmem:$0x153E0] =	vst v13;
	v13 =	vmul.f32 v42, v9;
	v15 =	vadd.f32 v15, v18  }
0x295: {  	v18 =	vadd.f32 v19, v31;
	[tilespmem:$0x153F0] =	vst v14;
	v14 =	vmul.f32 v58, v0;
	v19 =	vmul.f32 v43, v9  }
0x296: {  	v13 =	vadd.f32 v13, v16;
	v16 =	vadd.f32 v21, v32;
	[tilespmem:$0x15480] =	vst v17;
	v17 =	vmul.f32 v59, v0  }
0x297: {  	v22 =	vmul.f32 v61, v0;
	v14 =	vadd.f32 v14, v29;
	v21 =	vmul.f32 v60, v0;
	[tilespmem:$0x15490] =	vst v18  }
0x298: {  	v18 =	vmul.f32 v44, v9;
	v12 =	vadd.f32 v19, v12;
	v17 =	vadd.f32 v17, v30;
	[tilespmem:$0x154A0] =	vst v16  }
0x299: {  	v19 =	vmul.f32 v62, v0;
	v9 =	vmul.f32 v45, v9;
	v16 =	vadd.f32 v21, v28;
	[tilespmem:$0x154B0] =	vst v14  }
0x29a: {  	v20 =	vadd.f32 v20, v23;
	v14 =	vadd.f32 v22, v27;
	v21 =	vmul.f32 v63, v0;
	[tilespmem:$0x154C0] =	vst v17  }
0x29b: {  	v4 =	vadd.f32 v19, v4;
	v9 =	vadd.f32 v9, v10;
	v10 =	vmul.f32 v36, v0;
	[tilespmem:$0x154D0] =	vst v16  }
0x29c: {  	s30 =	simm.s32 $0x0;
	v11 =	vadd.f32 v18, v11;
	v17 =	vmul.f32 v38, v0;
	v5 =	vadd.f32 v21, v5;
	[tilespmem:$0x154E0] =	vst v14  }
0x29d: {  	v16 =	vmul.f32 v35, v0;
	[tilespmem:$0x154F0] =	vst v4;
	v4 =	vmov s30;
	v10 =	vadd.f32 v10, v15  }
0x29e: {  	v15 =	vmul.f32 v39, v0;
	v4 =	vand.u32 $0x7F, v4;
	v14 =	vadd.f32 v17, v20;
	[tilespmem:$0x15580] =	vst v5  }
0x29f: {  	v5 =	vadd.f32 v16, v13;
	v13 =	vmul.f32 v48, v0;
	v4 =	vor.u32 $0x80, v4;
	[tilespmem:$0x155A0] =	vst v10  }
0x2a0: {  	v12 =	vadd.f32 v15, v12;
	v4 =	vbroadcast v4, $0x0;
	[tilespmem:$0x15590] =	vst v14;
	v14 =	vmul.f32 v50, v0  }
0x2a1: {  	v0 =	vmul.f32 v46, v0;
	v10 =	vadd.f32 v13, v11;
	[tilespmem:$0x155B0] =	vst v5  }
0x2a2: {  	s10 =	simm.s32 $0x0;
	[tilespmem:$0x155C0] =	vst v12;
	v5 =	vadd.f32 v14, v9  }
0x2a3: {  	s0 =	smul.u32 $0x6000, s10;
	v0 =	vadd.f32 v0, v8;
	[tilespmem:$0x155D0] =	vst v10  }
0x2a4: {  	[tilespmem:$0x155E0] =	vst v5  }
0x2a5: {  	s13 =	sand.u32 $0x380, s30;
	s0 =	sshra.s32 s0, $0x2;
	[tilespmem:$0x155F0] =	vst v0  }
0x2a6: {  	s31 =	sor.u32 s13, s0;
	v9 =	vld.idx.msk [tilespmem:v4+s17+$0x0], $0xffff  }
0x2a7: {  	v0 =	vld [tilespmem:s31+$0xBF70]  }
0x2a8: {  	v4 =	vld [tilespmem:s31+$0xB700]  }
0x2a9: {  	v5 =	vld [tilespmem:s31+$0xB710]  }
0x2aa: {  	v10 =	vld [tilespmem:s31+$0xB720]  }
0x2ab: {  	s0 =	simm.s32 $0x1;
	v11 =	vld [tilespmem:s31+$0xB730]  }
0x2ac: {  	v26 =	vimm.f32 $0.0e+00;
	v40 =	vmov s0;
	v31 =	vimm.f32 $0.0e+00;
	v12 =	vld [tilespmem:s31+$0xB740]  }
0x2ad: {  	v25 =	vimm.f32 $0.0e+00;
	v32 =	vimm.f32 $0.0e+00;
	v29 =	vimm.f32 $0.0e+00;
	v14 =	vld [tilespmem:s31+$0xB760]  }
0x2ae: {  	v30 =	vimm.f32 $0.0e+00;
	v13 =	vld [tilespmem:s31+$0xB750];
	v0 =	vmul.f32 v0, v9;
	v4 =	vmul.f32 v4, v9  }
0x2af: {  	v28 =	vimm.f32 $0.0e+00;
	v27 =	vimm.f32 $0.0e+00;
	v15 =	vld [tilespmem:s31+$0xB770];
	v5 =	vmul.f32 v5, v9  }
0x2b0: {  	v19 =	vimm.f32 $0.0e+00;
	v8 =	vadd.f32 v0, v26;
	v24 =	vadd.f32 v4, v26  }
0x2b1: {  	v0 =	vmul.f32 v10, v9;
	v4 =	vld [tilespmem:s31+$0xBB00];
	v21 =	vadd.f32 v5, v26;
	v5 =	vmul.f32 v11, v9  }
0x2b2: {  	v17 =	vimm.f32 $0.0e+00;
	v10 =	vmul.f32 v12, v9;
	v11 =	vld [tilespmem:s31+$0xBB10];
	v12 =	vmul.f32 v14, v9  }
0x2b3: {  	v36 =	vld [tilespmem:s31+$0xBB20];
	v14 =	vimm.f32 $0.0e+00;
	v22 =	vadd.f32 v0, v26;
	v0 =	vmul.f32 v13, v9  }
0x2b4: {  	v37 =	vld [tilespmem:s31+$0xBB30];
	v23 =	vadd.f32 v5, v26;
	v20 =	vadd.f32 v10, v26;
	v5 =	vmul.f32 v15, v9  }
0x2b5: {  	v34 =	vld [tilespmem:s31+$0xBB40];
	v15 =	vadd.f32 v12, v26;
	v13 =	vimm.f32 $0.0e+00;
	v12 =	vimm.f32 $0.0e+00  }
0x2b6: {  	v35 =	vld [tilespmem:s31+$0xBB50];
	v10 =	vimm.f32 $0.0e+00;
	v18 =	vadd.f32 v0, v26;
	v38 =	vmul.f32 v4, v9  }
0x2b7: {  	s4 =	simm.s32 $0x2;
	v33 =	vld [tilespmem:s31+$0xBB60];
	v16 =	vadd.f32 v5, v26;
	v39 =	vmul.f32 v11, v9;
	v11 =	vimm.f32 $0.0e+00  }
.LBB2_11:
0x2b8: {  	p0 =	sne.s32 s4, $0x31;
	v0 =	vand.u32 $0x7F, v40;
	v26 =	vadd.f32 v38, v26;
	v4 =	vmul.f32 v36, v9;
	v5 =	vld [tilespmem:s31+$0xBB70]  }
0x2b9: {  	v0 =	vor.u32 $0x80, v0;
	v31 =	vadd.f32 v39, v31;
	v36 =	vmul.f32 v37, v9;
	v37 =	vld [tilespmem:s31+$0xBF00]  }
0x2ba: {  	v0 =	vbroadcast v0, $0x0;
	v32 =	vadd.f32 v4, v32;
	v4 =	vmul.f32 v34, v9;
	v34 =	vld [tilespmem:s31+$0xBF10]  }
0x2bb: {  	v30 =	vadd.f32 v36, v30;
	v35 =	vmul.f32 v35, v9;
	v36 =	vld [tilespmem:s31+$0xBF20]  }
0x2bc: {  	s9 =	sshrl.u32 s0, $0x3;
	s0 =	smov.u32 s4;
	v29 =	vadd.f32 v4, v29;
	v4 =	vmul.f32 v33, v9;
	v33 =	vld [tilespmem:s31+$0xBF30]  }
0x2bd: {  	s9 =	smul.u32 $0x6000, s9;
	v28 =	vadd.f32 v35, v28;
	v5 =	vmul.f32 v5, v9;
	v35 =	vld [tilespmem:s31+$0xBF40]  }
0x2be: {  	s30 =	sadd.s32 $0x80, s30;
	v27 =	vadd.f32 v4, v27;
	v4 =	vmul.f32 v37, v9;
	v37 =	vld [tilespmem:s31+$0xBF50]  }
0x2bf: {  	s10 =	sand.u32 $0x380, s30;
	s9 =	sshra.s32 s9, $0x2;
	v25 =	vadd.f32 v5, v25;
	v5 =	vmul.f32 v34, v9;
	v34 =	vld [tilespmem:s31+$0xBF60]  }
0x2c0: {  	s31 =	sor.u32 s10, s9;
	v0 =	vld.idx.msk [tilespmem:v0+s17+$0x0], $0xffff;
	v19 =	vadd.f32 v4, v19;
	v4 =	vmul.f32 v36, v9  }
0x2c1: {  	v36 =	vld [tilespmem:s31+$0xBF70];
	v17 =	vadd.f32 v5, v17;
	v5 =	vmul.f32 v33, v9  }
0x2c2: {  	v33 =	vld [tilespmem:s31+$0xB700];
	v14 =	vadd.f32 v4, v14;
	v4 =	vmul.f32 v35, v9  }
0x2c3: {  	v35 =	vld [tilespmem:s31+$0xB710];
	v13 =	vadd.f32 v5, v13;
	v5 =	vmul.f32 v37, v9  }
0x2c4: {  	v37 =	vld [tilespmem:s31+$0xB720];
	v12 =	vadd.f32 v4, v12;
	v4 =	vmul.f32 v34, v9  }
0x2c5: {  	v34 =	vld [tilespmem:s31+$0xB730];
	v11 =	vadd.f32 v5, v11  }
0x2c6: {  	v9 =	vmov v0;
	v5 =	vld [tilespmem:s31+$0xB740];
	v36 =	vmul.f32 v36, v0;
	v10 =	vadd.f32 v4, v10  }
0x2c7: {  	v0 =	vmul.f32 v33, v9;
	v4 =	vld [tilespmem:s31+$0xB750]  }
0x2c8: {  	v33 =	vmul.f32 v35, v9;
	v35 =	vld [tilespmem:s31+$0xB760];
	v8 =	vadd.f32 v36, v8  }
0x2c9: {  	v24 =	vadd.f32 v0, v24;
	v0 =	vmul.f32 v37, v9;
	v38 =	vld [tilespmem:s31+$0xB770]  }
0x2ca: {  	v21 =	vadd.f32 v33, v21;
	v33 =	vmul.f32 v34, v9;
	v39 =	vld [tilespmem:s31+$0xBB00]  }
0x2cb: {  	v22 =	vadd.f32 v0, v22;
	v0 =	vmul.f32 v5, v9;
	v5 =	vld [tilespmem:s31+$0xBB10]  }
.Ltmp4:
0x2cc: {  	v23 =	vadd.f32 v33, v23;
	v4 =	vmul.f32 v4, v9;
	v36 =	vld [tilespmem:s31+$0xBB20];
	(pc) =	sbr.rel @p0 .LBB2_11-.Ltmp4, $4  }
0x2cd: {  	v20 =	vadd.f32 v0, v20;
	v0 =	vmul.f32 v35, v9;
	v37 =	vld [tilespmem:s31+$0xBB30]  }
0x2ce: {  	v18 =	vadd.f32 v4, v18;
	v4 =	vmul.f32 v38, v9;
	v34 =	vld [tilespmem:s31+$0xBB40]  }
0x2cf: {  	v15 =	vadd.f32 v0, v15;
	v38 =	vmul.f32 v39, v9;
	v35 =	vld [tilespmem:s31+$0xBB50]  }
0x2d0: {  	s4 =	sadd.s32 $0x1, s4;
	v40 =	vmov s0;
	v16 =	vadd.f32 v4, v16;
	v39 =	vmul.f32 v5, v9;
	v33 =	vld [tilespmem:s31+$0xBB60]  }
0x2d1: {  	v4 =	vld [tilespmem:s31+$0xBB70]  }
0x2d2: {  	v5 =	vld [tilespmem:s31+$0xBF00]  }
0x2d3: {  	v0 =	vand.u32 $0x7F, v40;
	v40 =	vld [tilespmem:s31+$0xBF10]  }
0x2d4: {  	v41 =	vld [tilespmem:s31+$0xBF20];
	s0 =	sshrl.u32 s0, $0x3  }
0x2d5: {  	v42 =	vld [tilespmem:s31+$0xBF30];
	s0 =	smul.u32 $0x6000, s0  }
0x2d6: {  	v43 =	vld [tilespmem:s31+$0xBF40];
	s4 =	sadd.s32 $0x80, s30  }
0x2d7: {  	v44 =	vld [tilespmem:s31+$0xBF50];
	s4 =	sand.u32 $0x380, s4;
	s0 =	sshra.s32 s0, $0x2  }
0x2d8: {  	v45 =	vld [tilespmem:s31+$0xBF60];
	s0 =	sor.u32 s4, s0  }
0x2d9: {  	v46 =	vld [tilespmem:s0+$0xBF70]  }
0x2da: {  	v47 =	vld [tilespmem:s0+$0xB700]  }
0x2db: {  	v48 =	vld [tilespmem:s0+$0xB710]  }
0x2dc: {  	v49 =	vld [tilespmem:s0+$0xB720]  }
0x2dd: {  	v50 =	vld [tilespmem:s0+$0xB730]  }
0x2de: {  	v51 =	vld [tilespmem:s0+$0xB740]  }
0x2df: {  	v52 =	vld [tilespmem:s0+$0xB750]  }
0x2e0: {  	v53 =	vld [tilespmem:s0+$0xB760]  }
0x2e1: {  	v0 =	vor.u32 $0x80, v0;
	v54 =	vld [tilespmem:s0+$0xB770]  }
0x2e2: {  	v0 =	vbroadcast v0, $0x0;
	v55 =	vld [tilespmem:s0+$0xBB00]  }
0x2e3: {  	v56 =	vld [tilespmem:s0+$0xBB10]  }
0x2e4: {  	v57 =	vld [tilespmem:s0+$0xBB20]  }
0x2e5: {  	v58 =	vld [tilespmem:s0+$0xBB30]  }
0x2e6: {  	v59 =	vld [tilespmem:s0+$0xBB40]  }
0x2e7: {  	v60 =	vld [tilespmem:s0+$0xBB50]  }
0x2e8: {  	v0 =	vld.idx.msk [tilespmem:v0+s17+$0x0], $0xffff  }
0x2e9: {  	v61 =	vld [tilespmem:s0+$0xBB60]  }
0x2ea: {  	v62 =	vld [tilespmem:s0+$0xBB70]  }
0x2eb: {  	v36 =	vmul.f32 v36, v9;
	v63 =	vld [tilespmem:s0+$0xBF00]  }
0x2ec: {  	v26 =	vadd.f32 v38, v26;
	v37 =	vmul.f32 v37, v9;
	v31 =	vadd.f32 v39, v31;
	v6 =	vld [tilespmem:s0+$0xBF10]  }
0x2ed: {  	v32 =	vadd.f32 v36, v32;
	v34 =	vmul.f32 v34, v9;
	v38 =	vld [tilespmem:s0+$0xBF20];
	v36 =	vmul.f32 v47, v0  }
0x2ee: {  	v30 =	vadd.f32 v37, v30;
	v35 =	vmul.f32 v35, v9;
	v39 =	vld [tilespmem:s0+$0xBF30];
	v37 =	vmul.f32 v48, v0  }
0x2ef: {  	v29 =	vadd.f32 v34, v29;
	v47 =	vld [tilespmem:s0+$0xBF40];
	v52 =	vmul.f32 v52, v0;
	v24 =	vadd.f32 v36, v24  }
0x2f0: {  	v28 =	vadd.f32 v35, v28;
	v48 =	vld [tilespmem:s0+$0xBF50];
	v53 =	vmul.f32 v53, v0;
	v21 =	vadd.f32 v37, v21  }
0x2f1: {  	v4 =	vmul.f32 v4, v9;
	v54 =	vmul.f32 v54, v0;
	v37 =	vld [tilespmem:s0+$0xBF60];
	v18 =	vadd.f32 v52, v18;
	[tilespmem:$0x15680] =	vst v24  }
0x2f2: {  	v5 =	vmul.f32 v5, v9;
	v36 =	vmul.f32 v49, v0;
	v15 =	vadd.f32 v53, v15;
	[tilespmem:$0x15690] =	vst v21  }
0x2f3: {  	v4 =	vadd.f32 v4, v25;
	v49 =	vmul.f32 v50, v0;
	v16 =	vadd.f32 v54, v16;
	[tilespmem:$0x156D0] =	vst v18  }
0x2f4: {  	v5 =	vadd.f32 v5, v19;
	v50 =	vmul.f32 v51, v0;
	v22 =	vadd.f32 v36, v22;
	[tilespmem:$0x156E0] =	vst v15  }
0x2f5: {  	v25 =	vmul.f32 v56, v0;
	v34 =	vmul.f32 v58, v0;
	v23 =	vadd.f32 v49, v23;
	[tilespmem:$0x156F0] =	vst v16  }
0x2f6: {  	v51 =	vmul.f32 v33, v9;
	v33 =	vmul.f32 v57, v0;
	v20 =	vadd.f32 v50, v20;
	[tilespmem:$0x156A0] =	vst v22  }
0x2f7: {  	v6 =	vmul.f32 v6, v0;
	v56 =	vmul.f32 v44, v9;
	v18 =	vadd.f32 v25, v31;
	[tilespmem:$0x156B0] =	vst v23  }
0x2f8: {  	v58 =	vmul.f32 v39, v0;
	v52 =	vmul.f32 v62, v0;
	v35 =	vadd.f32 v33, v32;
	[tilespmem:$0x156C0] =	vst v20  }
0x2f9: {  	v21 =	vadd.f32 v51, v27;
	v24 =	vmul.f32 v55, v0;
	v16 =	vadd.f32 v34, v30;
	[tilespmem:$0x15790] =	vst v18  }
0x2fa: {  	v27 =	vmul.f32 v40, v9;
	v36 =	vmul.f32 v59, v0;
	v4 =	vadd.f32 v52, v4;
	[tilespmem:$0x157A0] =	vst v35  }
0x2fb: {  	v40 =	vmul.f32 v41, v9;
	v41 =	vmul.f32 v60, v0;
	v20 =	vadd.f32 v24, v26;
	[tilespmem:$0x157B0] =	vst v16  }
0x2fc: {  	v53 =	vmul.f32 v43, v9;
	v50 =	vmul.f32 v61, v0;
	v19 =	vadd.f32 v36, v29;
	[tilespmem:$0x157F0] =	vst v4  }
0x2fd: {  	v57 =	vmul.f32 v38, v0;
	v55 =	vmul.f32 v63, v0;
	v51 =	vadd.f32 v41, v28;
	[tilespmem:$0x15780] =	vst v20  }
0x2fe: {  	v49 =	vmul.f32 v42, v9;
	v15 =	vadd.f32 v27, v17;
	v54 =	vadd.f32 v50, v21;
	[tilespmem:$0x157C0] =	vst v19  }
0x2ff: {  	v60 =	vmul.f32 v47, v0;
	v14 =	vadd.f32 v40, v14;
	v5 =	vadd.f32 v55, v5;
	[tilespmem:$0x157D0] =	vst v51  }
0x300: {  	v62 =	vmul.f32 v48, v0;
	v13 =	vadd.f32 v49, v13;
	[tilespmem:$0x157E0] =	vst v54;
	v6 =	vadd.f32 v6, v15  }
0x301: {  	v63 =	vmul.f32 v37, v0;
	v0 =	vmul.f32 v46, v0;
	v59 =	vadd.f32 v57, v14;
	[tilespmem:$0x15880] =	vst v5  }
0x302: {  	v12 =	vadd.f32 v53, v12;
	v4 =	vmul.f32 v45, v9;
	v61 =	vadd.f32 v58, v13;
	[tilespmem:$0x15890] =	vst v6  }
0x303: {  	v5 =	vadd.f32 v56, v11;
	v0 =	vadd.f32 v0, v8;
	[tilespmem:$0x158A0] =	vst v59  }
0x304: {  	s10 =	sshll.u32 s24, $0x7;
	v4 =	vadd.f32 v4, v10;
	v6 =	vadd.f32 v60, v12;
	[tilespmem:$0x158B0] =	vst v61  }
0x305: {  	s0 =	sand.u32 $0x380, s10;
	v5 =	vadd.f32 v62, v5;
	[tilespmem:$0x158F0] =	vst v0  }
0x306: {  	s0 =	sor.u32 s0, s25;
	v4 =	vadd.f32 v63, v4;
	[tilespmem:$0x158C0] =	vst v6  }
0x307: {  	s0 =	sshrl.u32 s0, $0x3;
	[tilespmem:$0x158D0] =	vst v5  }
0x308: {  	s13 =	simm.s32 $0x15380;
	s0 =	sadd.s32 s3, s0;
	[tilespmem:$0x158E0] =	vst v4  }
0x309: {  	[hbm4b:s0+s5] =	stream.linear.scatter [tilespmem:s13], [sflag:$0x3], $0x80, $0x38;
	[tilespmem:$0x15980] =	vst v63  }
0x30a: {  	s24 =	sadd.s32 $0x80, s0  }
0x30b: {  	[hbm4b:s24+s5] =	stream.linear.scatter [tilespmem:s15], [sflag:$0x3], $0x80, $0x38;
	[tilespmem:$0x15980] =	vst v63  }
0x30c: {  	s23 =	sadd.s32 $0x1, s23;
	s25 =	sadd.s32 $0x100, s0  }
0x30d: {  	[hbm4b:s25+s5] =	stream.linear.scatter [tilespmem:s18], [sflag:$0x3], $0x80, $0x38;
	[tilespmem:$0x15980] =	vst v63  }
0x30e: {  	p0 =	sne.s32 s23, $0x40;
	s30 =	sadd.s32 $0x180, s0  }
0x30f: {  	[hbm4b:s30+s5] =	stream.linear.scatter [tilespmem:s19], [sflag:$0x3], $0x80, $0x38;
	[tilespmem:$0x15980] =	vst v63  }
.Ltmp5:
0x310: {  	_ = 	snop;
	(pc) =	sbr.rel @p0 .LBB2_2-.Ltmp5, $4  }
0x311: {  	s31 =	sadd.s32 $0x200, s0  }
0x312: {  	[hbm4b:s31+s5] =	stream.linear.scatter [tilespmem:s21], [sflag:$0x3], $0x80, $0x38;
	[tilespmem:$0x15980] =	vst v63  }
0x313: {  	s0 =	sadd.s32 $0x280, s0  }
0x314: {  	[hbm4b:s0+s5] =	stream.linear.scatter [tilespmem:s22], [sflag:$0x3], $0x80, $0x38;
	[tilespmem:$0x15980] =	vst v63  }
0x315: {  	s4 =	simm.s32 $0x3  }
0x316: {  	_ =	swait.ge [sflag:s4], $0x300  }
0x317: {  	[sflag:s4] =	ssyncset.done $0x0  }
0x318: {  	[sflag:s4] =	ssyncadd.s32 $0xFFFFFD00  }
0x319: {  	_ =	swait.ge [sflag:s4], $0x300  }
0x31a: {  	s9 =	rddreg [dreg:$0x8]  }
0x31b: {  	s0 =	rddreg [dreg:$0x7];
	s9 =	sadd.s32 $0x1, s9  }
0x31c: {  	p0 =	sne.s32 s9, s0  }
.Ltmp6:
0x31d: {  	_ = 	snop;
	(pc) =	sbr.rel @p0 .LBB2_1-.Ltmp6, $3  }
0x31e: {  	_ =	sdelay $0x1  }
0x31f: {  	[sflag:s4] =	ssyncset.done $0x0  }
0x320: {  	[sflag:s4] =	ssyncadd.s32 $0xFFFFFD00  }
0x321: {  	_ =	sfence.sel $0x180000  }
0x322: {  	[bflag:$0x0] =	sbarrier.arrive $0xFFFF  }
0x323: {  	_ =	strace $0x90000047  }
0x324: {  	s0 =	stileid.u32;
	[bflag:$0x2] =	sbarrier.arrive $0xFFFF  }
0x325: {  	p0 =	sne.s32 s0, $0x0;
	s0 =	rddreg [dreg:$0x4]  }
0x326: {  	s0 =	sadd.s32 @!p0 $0x100000, s0  }
0x327: {  	[sflag:s0] =	ssyncadd.tile.s32 @!p0 $0x1;
	_ =	shalt  }
.Lfunc_end2:
_tile_overlayer_lowered:
.L_overlay_start_2:
0x328: {  	(tag) =	ssettag $0x2  }
0x329: {  	s0 =	rddreg [dreg:$0x0];
	s2 =	stileid.u32  }
0x32a: {  	s1 =	rddreg [dreg:$0x1];
	p0 =	sne.s32 s2, $0x0  }
0x32b: {  	s3 =	rddreg [dreg:$0x2];
	[bflag:$0x3] =	sbarrier.arrive $0xFFFF;
	s2 =	simm.s32 @!p0 $0x1C04  }
0x32c: {  	[timem:s3], [sflag:s2] =	dma.local @!p0 [hbm:s0], s1  }
0x32d: {  	s0 =	simm.s32 @!p0 $0x4  }
0x32e: {  	_ =	swait.ge @!p0 [sflag:s0], s1  }
0x32f: {  	s1 =	ssub.s32 @!p0 $0x0, s1;
	[sflag:s0] =	ssyncset.done @!p0 $0x0  }
0x330: {  	[sflag:s0] =	ssyncadd.s32 @!p0 s1  }
0x331: {  	[bflag:$0x3] =	sbarrier.arrive $0xFFFF  }
0x332: {  	_ =	shalt  }

</sc_bundles>
